<compile_context>
chip_gen: v7x
topology: tpu7x:2x2x1
jax: 0.10.2.dev20260603
libtpu: 0.0.44.dev20260713+nightly
codegen_flags: <defaults>
</compile_context>

<pallas_src>
import functools

import jax
import jax.numpy as jnp
from jax import lax
from jax.experimental import pallas as pl
from jax.experimental.pallas import tpu as pltpu
from jax.experimental.pallas import tpu_sc as plsc

HIDDEN = 1024
INTER = 768
NUM_EXPERTS = 8
TOP_K = 2
T = 2048
TP = T * TOP_K
TT = 128
NP = TP + NUM_EXPERTS * TT
NTILES = NP // TT

_NW = 32


@functools.lru_cache(maxsize=None)
def _sc_info():
    return plsc.get_sparse_core_info()


def _router_body(x_ref, gw_ref, idx_ref, w_ref):
    xb = x_ref[...]
    logits = jax.lax.dot_general(
        xb, gw_ref[...], (((1,), (1,)), ((), ())),
        preferred_element_type=jnp.float32,
    )
    m = jnp.max(logits, axis=-1, keepdims=True)
    ex = jnp.exp(logits - m)
    probs = ex / jnp.sum(ex, axis=-1, keepdims=True)
    ii = jax.lax.broadcasted_iota(jnp.int32, probs.shape, 1)
    m1 = jnp.max(probs, axis=-1, keepdims=True)
    i1 = jnp.min(jnp.where(probs == m1, ii, NUM_EXPERTS), axis=-1, keepdims=True)
    sel1 = ii == i1
    probs2 = jnp.where(sel1, -jnp.inf, probs)
    m2 = jnp.max(probs2, axis=-1, keepdims=True)
    i2 = jnp.min(jnp.where(probs2 == m2, ii, NUM_EXPERTS), axis=-1, keepdims=True)
    denom = m1 + m2
    idx_ref[...] = jnp.concatenate([i1, i2], axis=1)
    w_ref[...] = jnp.concatenate([m1 / denom, m2 / denom], axis=1)


def _router(x, gate_weight):
    return pl.pallas_call(
        _router_body,
        grid=(T // 256,),
        in_specs=[
            pl.BlockSpec((256, HIDDEN), lambda t: (t, 0)),
            pl.BlockSpec((NUM_EXPERTS, HIDDEN), lambda t: (0, 0)),
        ],
        out_specs=[
            pl.BlockSpec((256, TOP_K), lambda t: (t, 0)),
            pl.BlockSpec((256, TOP_K), lambda t: (t, 0)),
        ],
        out_shape=[
            jax.ShapeDtypeStruct((T, TOP_K), jnp.int32),
            jax.ShapeDtypeStruct((T, TOP_K), jnp.float32),
        ],
    )(x, gate_weight)


def _weight_copies(wg_hbm, wu_hbm, wd_hbm, wg_b, wu_b, wd_b, sems, e, sl):
    return (
        pltpu.make_async_copy(wg_hbm.at[pl.ds(e, 1)], wg_b.at[pl.ds(sl, 1)], sems.at[sl, 0]),
        pltpu.make_async_copy(wu_hbm.at[pl.ds(e, 1)], wu_b.at[pl.ds(sl, 1)], sems.at[sl, 1]),
        pltpu.make_async_copy(wd_hbm.at[pl.ds(e, 1)], wd_b.at[pl.ds(sl, 1)], sems.at[sl, 2]),
    )


def _moe_gemm_body(te_ref, sched_ref, xs_ref, wg_hbm, wu_hbm, wd_hbm, sw_ref,
                   ys_ref, wg_b, wu_b, wd_b, sems):
    i = pl.program_id(0)
    sch = sched_ref[i]
    slot = sch & 1
    first = (sch >> 1) & 1
    has_next = (sch >> 2) & 1
    nxt = sch >> 3

    @pl.when(i == 0)
    def _prime():
        for c in _weight_copies(wg_hbm, wu_hbm, wd_hbm, wg_b, wu_b, wd_b,
                                sems, te_ref[0] & 7, 0):
            c.start()

    @pl.when(first == 1)
    def _rotate():
        for c in _weight_copies(wg_hbm, wu_hbm, wd_hbm, wg_b, wu_b, wd_b,
                                sems, 0, slot):
            c.wait()

        @pl.when(has_next == 1)
        def _prefetch():
            for c in _weight_copies(wg_hbm, wu_hbm, wd_hbm, wg_b, wu_b, wd_b,
                                    sems, nxt, 1 - slot):
                c.start()

    @pl.when((te_ref[i] & 8) == 0)
    def _compute():
        xb = xs_ref[...]
        g = jnp.dot(xb, wg_b[slot], preferred_element_type=jnp.float32)
        u = jnp.dot(xb, wu_b[slot], preferred_element_type=jnp.float32)
        a = g * jax.nn.sigmoid(g) * u
        y = jnp.dot(a, wd_b[slot], preferred_element_type=jnp.float32)
        ys_ref[...] = y * sw_ref[:, :1]


def _moe_gemm(tile_enc, sched, xs, wg, wu, wd, sw):
    grid_spec = pltpu.PrefetchScalarGridSpec(
        num_scalar_prefetch=2,
        grid=(NTILES,),
        in_specs=[
            pl.BlockSpec((TT, HIDDEN), lambda i, te, sc: (i, 0)),
            pl.BlockSpec(memory_space=pltpu.MemorySpace.HBM),
            pl.BlockSpec(memory_space=pltpu.MemorySpace.HBM),
            pl.BlockSpec(memory_space=pltpu.MemorySpace.HBM),
            pl.BlockSpec((TT, 128), lambda i, te, sc: (i, 0)),
        ],
        out_specs=pl.BlockSpec((TT, HIDDEN), lambda i, te, sc: (i, 0)),
        scratch_shapes=[
            pltpu.VMEM((2, HIDDEN, INTER), jnp.float32),
            pltpu.VMEM((2, HIDDEN, INTER), jnp.float32),
            pltpu.VMEM((2, INTER, HIDDEN), jnp.float32),
            pltpu.SemaphoreType.DMA((2, 3)),
        ],
    )
    return pl.pallas_call(
        _moe_gemm_body,
        grid_spec=grid_spec,
        out_shape=jax.ShapeDtypeStruct((NP, HIDDEN), jnp.float32),
        compiler_params=pltpu.CompilerParams(
            dimension_semantics=("arbitrary",),
        ),
    )(tile_enc, sched, xs, wg, wu, wd, sw)


def _make_sc_dispatch(n_chunks, chunk):
    mesh = plsc.VectorSubcoreMesh(core_axis_name="c", subcore_axis_name="s")

    @functools.partial(
        pl.kernel, mesh=mesh,
        out_type=[
            jax.ShapeDtypeStruct((NP, HIDDEN), jnp.float32),
            jax.ShapeDtypeStruct((NP, 128), jnp.float32),
        ],
        scratch_types=[
            pltpu.VMEM((TOP_K, n_chunks, chunk), jnp.int32),
            pltpu.VMEM((TOP_K * n_chunks * chunk, 128), jnp.float32),
            pltpu.VMEM((2, chunk, HIDDEN), jnp.float32),
            pltpu.SemaphoreType.DMA,
            pltpu.SemaphoreType.DMA,
            pltpu.SemaphoreType.DMA,
            pltpu.SemaphoreType.DMA,
        ],
    )
    def k(x_hbm, dest_hbm, w_hbm, xs_hbm, sw_hbm, idx_v, w_v, rows_v, sl, s0, s1, s2):
        wid = lax.axis_index("s") * _sc_info().num_cores + lax.axis_index("c")
        base = wid * (n_chunks * chunk)
        sems = (s0, s1)

        def load(c, slot):
            return pltpu.async_copy(
                x_hbm.at[pl.ds(base + c * chunk, chunk)], rows_v.at[slot], sl)

        cp_i = pltpu.async_copy(dest_hbm.at[wid], idx_v, s0)
        cp_w = pltpu.async_copy(w_hbm.at[wid], w_v, s1)
        pend_load = load(0, 0)
        cp_i.wait()
        cp_w.wait()
        pend_sc = None
        for c in range(n_chunks):
            slot = c % 2
            pend_load.wait()
            if c + 1 < n_chunks:
                pend_load = load(c + 1, 1 - slot)
            if pend_sc is not None:
                pend_sc[0].wait()
                pend_sc[1].wait()
            if c > 0:
                pend_w[0].wait()
                pend_w[1].wait()
            pend_sc = (
                pltpu.async_copy(rows_v.at[slot], xs_hbm.at[idx_v.at[0, c]], s0),
                pltpu.async_copy(rows_v.at[slot], xs_hbm.at[idx_v.at[1, c]], s1),
            )
            pend_w = (
                pltpu.async_copy(w_v.at[pl.ds(c * chunk, chunk)],
                                 sw_hbm.at[idx_v.at[0, c]], s2),
                pltpu.async_copy(w_v.at[pl.ds((n_chunks + c) * chunk, chunk)],
                                 sw_hbm.at[idx_v.at[1, c]], s2),
            )
        pend_sc[0].wait()
        pend_sc[1].wait()
        pend_w[0].wait()
        pend_w[1].wait()

    return k


def _make_sc_combine(n_chunks, chunk):
    mesh = plsc.VectorSubcoreMesh(core_axis_name="c", subcore_axis_name="s")
    n_vec_row = HIDDEN // 16

    @functools.partial(
        pl.kernel, mesh=mesh,
        out_type=jax.ShapeDtypeStruct((T, HIDDEN), jnp.float32),
        scratch_types=[
            pltpu.VMEM((TOP_K, n_chunks, chunk), jnp.int32),
            pltpu.VMEM((2, chunk, HIDDEN), jnp.float32),
            pltpu.VMEM((2, chunk, HIDDEN), jnp.float32),
            pltpu.SemaphoreType.DMA,
            pltpu.SemaphoreType.DMA,
            pltpu.SemaphoreType.DMA,
        ],
    )
    def k(ys_hbm, d_hbm, out_hbm, i_v, bufa, bufb, s0, s1, s2):
        wid = lax.axis_index("s") * _sc_info().num_cores + lax.axis_index("c")
        base = wid * (n_chunks * chunk)
        pltpu.sync_copy(d_hbm.at[wid], i_v)

        def fire(c, slot):
            ca = pltpu.async_copy(ys_hbm.at[i_v.at[0, c]], bufa.at[slot], s0)
            cb = pltpu.async_copy(ys_hbm.at[i_v.at[1, c]], bufb.at[slot], s1)
            return ca, cb

        pend = fire(0, 0)
        pend_w = [None, None]
        for c in range(n_chunks):
            slot = c % 2
            if c + 1 < n_chunks:
                if pend_w[1 - slot] is not None:
                    pend_w[1 - slot].wait()
                    pend_w[1 - slot] = None
                nxt = fire(c + 1, 1 - slot)
            pend[0].wait()
            pend[1].wait()

            def body(i, _):
                r = i >> 6
                col = (i & (n_vec_row - 1)) * 16
                bufa[slot, r, pl.ds(col, 16)] = (
                    bufa[slot, r, pl.ds(col, 16)] + bufb[slot, r, pl.ds(col, 16)])
                return _

            lax.fori_loop(0, chunk * n_vec_row, body, 0, unroll=8)
            pend_w[slot] = pltpu.async_copy(
                bufa.at[slot], out_hbm.at[pl.ds(base + c * chunk, chunk)], s2)
            if c + 1 < n_chunks:
                pend = nxt
        for pw in pend_w:
            if pw is not None:
                pw.wait()

    return k


def kernel(hidden_states, gate_weight, W_gate, W_up, W_down):
    b, s, h = hidden_states.shape
    x = hidden_states.reshape(-1, h)

    topk_idx, topk_w = _router(x, gate_weight)

    flat_e = topk_idx.reshape(-1)
    onehot = (flat_e[:, None] == jnp.arange(NUM_EXPERTS)[None, :]).astype(jnp.int32)
    csum = jnp.cumsum(onehot, axis=0)
    pos = jnp.sum((csum - onehot) * onehot, axis=1)
    counts = csum[-1]
    padded = ((counts + TT - 1) // TT) * TT
    ends = jnp.cumsum(padded)
    offs = ends - padded
    dest = jnp.sum(onehot * offs[None, :], axis=1) + pos
    tile_starts = jnp.arange(NTILES, dtype=jnp.int32)[:, None] * TT
    tile_expert = jnp.minimum(
        jnp.sum((ends[None, :] <= tile_starts).astype(jnp.int32), axis=1),
        NUM_EXPERTS - 1).astype(jnp.int32)
    tile_enc = tile_expert | (tile_starts[:, 0] >= ends[-1]).astype(jnp.int32) * 8
    fe = jnp.concatenate([jnp.ones((1,), jnp.int32),
                          (tile_expert[1:] != tile_expert[:-1]).astype(jnp.int32)])
    slot = (jnp.cumsum(fe) - 1) & 1
    sw_pos = jnp.where(fe == 1, jnp.arange(NTILES, dtype=jnp.int32), NTILES + 1)
    suf_min = jnp.flip(jax.lax.cummin(jnp.flip(sw_pos)))
    nxt_sw = jnp.concatenate([suf_min[1:], jnp.full((1,), NTILES + 1, jnp.int32)])
    has_next = (nxt_sw < NTILES).astype(jnp.int32)
    nxt_e = tile_expert[jnp.minimum(nxt_sw, NTILES - 1)]
    sched = (slot | (fe << 1) | (has_next << 2) | (nxt_e << 3)).astype(jnp.int32)

    d_chunks, d_chunk = 2, T // _NW // 2
    dpair = dest.reshape(T, TOP_K)
    dest4 = jnp.transpose(
        dpair.reshape(_NW, d_chunks, d_chunk, TOP_K), (0, 3, 1, 2))
    w_b = jnp.broadcast_to(
        jnp.transpose(topk_w.reshape(_NW, d_chunks, d_chunk, TOP_K),
                      (0, 3, 1, 2)).reshape(_NW, TOP_K * d_chunks * d_chunk, 1),
        (_NW, TOP_K * d_chunks * d_chunk, 128))
    dispatch_k = _make_sc_dispatch(d_chunks, d_chunk)
    xs, sw = dispatch_k(x, dest4, w_b)

    ys = _moe_gemm(tile_enc, sched, xs, W_gate, W_up, W_down, sw)

    c_chunks, c_chunk = 4, T // _NW // 4
    dest_c = jnp.transpose(
        dpair.reshape(_NW, c_chunks, c_chunk, TOP_K), (0, 3, 1, 2))
    combine_k = _make_sc_combine(c_chunks, c_chunk)
    out = combine_k(ys, dest_c)

    return out.reshape(b, s, h)

# --- scband reference (transcript-rebuilt; emitter-appended) ---
"""Pipeline reference for scband-qwen3-sparse-moe-block-12360915878735 (READ-ONLY COPY).

The authoritative reference and input builder live on the scoring server;
editing this copy changes nothing except your own understanding.
"""

import jax, jax.numpy as jnp
import numpy as np

HIDDEN = 1024
INTER = 768
NUM_EXPERTS = 8
TOP_K = 2
BATCH = 1
SEQ = 2048


def setup_inputs(seed: int = 0) -> dict:
    key = jax.random.key(seed)
    k1, k2, k3, k4, k5 = jax.random.split(key, 5)
    hidden_states = jax.random.normal(k1, (BATCH, SEQ, HIDDEN), dtype=jnp.float32)
    gate_weight = jax.random.normal(k2, (NUM_EXPERTS, HIDDEN), dtype=jnp.float32) * 0.02
    W_gate = jax.random.normal(k3, (NUM_EXPERTS, HIDDEN, INTER), dtype=jnp.float32) * 0.02
    W_up = jax.random.normal(k4, (NUM_EXPERTS, HIDDEN, INTER), dtype=jnp.float32) * 0.02
    W_down = jax.random.normal(k5, (NUM_EXPERTS, INTER, HIDDEN), dtype=jnp.float32) * 0.02
    return {"hidden_states": hidden_states, "gate_weight": gate_weight, "W_gate": W_gate, "W_up": W_up, "W_down": W_down}


def reference(hidden_states, gate_weight, W_gate, W_up, W_down):
    b, s, h = hidden_states.shape
    x = hidden_states.reshape(-1, h)
    T = x.shape[0]
    # router: linear + softmax (plugin fuses softmax+topk+expert GEMMs)
    router_logits = (x @ gate_weight.T).astype(jnp.float32)
    probs = jax.nn.softmax(router_logits, axis=-1)
    topk_vals, topk_idx = jax.lax.top_k(probs, TOP_K)
    # normalize top-k probabilities (Qwen3 norm_topk_prob)
    topk_vals = topk_vals / jnp.sum(topk_vals, axis=-1, keepdims=True)
    # scatter routing weights to dense [T, E] combine matrix
    w_full = jnp.zeros((T, NUM_EXPERTS), dtype=jnp.float32).at[jnp.arange(T)[:, None], topk_idx].set(topk_vals)
    # expert MLPs: silu(x Wg) * (x Wu) then Wd (dense-masked equivalent of sparse dispatch)
    g = jnp.einsum('th,ehf->etf', x, W_gate)
    u = jnp.einsum('th,ehf->etf', x, W_up)
    a = jax.nn.silu(g) * u
    y = jnp.einsum('etf,efh->eth', a, W_down)
    out = jnp.einsum('te,eth->th', w_full, y)
    return out.reshape(b, s, h)

if __name__ == "__main__":
    import jax
    _d = setup_inputs()
    print(jax.jit(kernel)(*tuple(_d.values())))

</pallas_src>

<mosaic_0001>
#map = affine_map<(d0, d1) -> (0, 0)>
#map1 = affine_map<(d0, d1) -> (0, 0, 0, 0)>
module attributes {stable_mosaic.version = 14 : i64} {
  func.func @k(%arg0: i32, %arg1: i32, %arg2: memref<5120x1024xf32, #tpu.memory_space<hbm>>, %arg3: memref<32x2x4x16xi32, #tpu.memory_space<hbm>>, %arg4: memref<2048x1024xf32, #tpu.memory_space<hbm>>, %arg5: memref<2x4x16xi32, #tpu.memory_space<vmem>>, %arg6: memref<2x16x1024xf32, #tpu.memory_space<vmem>>, %arg7: memref<2x16x1024xf32, #tpu.memory_space<vmem>>, %arg8: memref<!tpu.dma_semaphore, #tpu.memory_space<semaphore_mem>>, %arg9: memref<!tpu.dma_semaphore, #tpu.memory_space<semaphore_mem>>, %arg10: memref<!tpu.dma_semaphore, #tpu.memory_space<semaphore_mem>>) attributes {dimension_semantics = [#tpu.dimension_semantics<core_parallel>, #tpu.dimension_semantics<subcore_parallel>], iteration_bounds = array<i64: 2, 16>, scalar_prefetch = 0 : i64, scratch_operands = 6 : i64, tpu.core_type = #tpu.core_type<sc_vector_subcore>, window_params = [{transform_indices = #map}, {transform_indices = #map1}, {transform_indices = #map}]} {
    %mul3A = arith.constant 2 : i32
    %mul3A_0 = arith.muli %arg1, %mul3A : i32
    %add3A = arith.addi %mul3A_0, %arg0 : i32
    %mul3A_1 = arith.constant 64 : i32
    %mul3A_2 = arith.muli %add3A, %mul3A_1 : i32
    "tpu.region"() ({
      %run_scoped3A = tpu.sem_alloc : memref<!tpu.dma_semaphore, #tpu.memory_space<semaphore_mem>>
      %dma_start3A_344 = arith.constant 0 : i32
      %dma_start3A_345 = arith.constant 0 : i32
      %dma_start3A_346 = arith.constant 0 : i32
      %dma_start3A_347 = tpu.memref_slice %arg3[%add3A, %dma_start3A_344, %dma_start3A_345, %dma_start3A_346] : memref<32x2x4x16xi32, #tpu.memory_space<hbm>> -> memref<1x2x4x16xi32, #tpu.memory_space<hbm>>
      %dma_start3A_348 = tpu.memref_squeeze %dma_start3A_347 : memref<1x2x4x16xi32, #tpu.memory_space<hbm>> -> memref<2x4x16xi32, #tpu.memory_space<hbm>>
      %dma_start3A_349 = arith.constant 0 : i32
      %dma_start3A_350 = arith.constant 0 : i32
      %dma_start3A_351 = arith.constant 0 : i32
      %dma_start3A_352 = tpu.memref_slice %arg3[%add3A, %dma_start3A_349, %dma_start3A_350, %dma_start3A_351] : memref<32x2x4x16xi32, #tpu.memory_space<hbm>> -> memref<1x2x4x16xi32, #tpu.memory_space<hbm>>
      %dma_start3A_353 = tpu.memref_squeeze %dma_start3A_352 : memref<1x2x4x16xi32, #tpu.memory_space<hbm>> -> memref<2x4x16xi32, #tpu.memory_space<hbm>>
      tpu.enqueue_dma source(%dma_start3A_353 : memref<2x4x16xi32, #tpu.memory_space<hbm>>) target(%arg5 : memref<2x4x16xi32, #tpu.memory_space<vmem>>) target_semaphore(%run_scoped3A : memref<!tpu.dma_semaphore, #tpu.memory_space<semaphore_mem>>)
      %dma_wait3A_354 = arith.constant 0 : i32
      %dma_wait3A_355 = arith.constant 0 : i32
      %dma_wait3A_356 = arith.constant 0 : i32
      %dma_wait3A_357 = tpu.memref_slice %arg3[%add3A, %dma_wait3A_354, %dma_wait3A_355, %dma_wait3A_356] : memref<32x2x4x16xi32, #tpu.memory_space<hbm>> -> memref<1x2x4x16xi32, #tpu.memory_space<hbm>>
      %dma_wait3A_358 = tpu.memref_squeeze %dma_wait3A_357 : memref<1x2x4x16xi32, #tpu.memory_space<hbm>> -> memref<2x4x16xi32, #tpu.memory_space<hbm>>
      %dma_wait3A_359 = arith.constant 0 : i32
      %dma_wait3A_360 = arith.constant 0 : i32
      %dma_wait3A_361 = arith.constant 0 : i32
      %dma_wait3A_362 = tpu.memref_slice %arg3[%add3A, %dma_wait3A_359, %dma_wait3A_360, %dma_wait3A_361] : memref<32x2x4x16xi32, #tpu.memory_space<hbm>> -> memref<1x2x4x16xi32, #tpu.memory_space<hbm>>
      %dma_wait3A_363 = tpu.memref_squeeze %dma_wait3A_362 : memref<1x2x4x16xi32, #tpu.memory_space<hbm>> -> memref<2x4x16xi32, #tpu.memory_space<hbm>>
      tpu.wait_dma2 semaphore(%run_scoped3A : memref<!tpu.dma_semaphore, #tpu.memory_space<semaphore_mem>>) src(%dma_wait3A_363 : memref<2x4x16xi32, #tpu.memory_space<hbm>>) dst(%arg5 : memref<2x4x16xi32, #tpu.memory_space<vmem>>)
      tpu.yield
    }) : () -> ()
    %dma_start3A = arith.constant 0 : i32
    %dma_start3A_3 = arith.constant 0 : i32
    %dma_start3A_4 = arith.constant 0 : i32
    %dma_start3A_5 = arith.constant 0 : i32
    %dma_start3A_6 = arith.constant 0 : i32
    %dma_start3A_7 = tpu.memref_slice %arg6[%dma_start3A_4, %dma_start3A_5, %dma_start3A_6] : memref<2x16x1024xf32, #tpu.memory_space<vmem>> -> memref<1x16x1024xf32, #tpu.memory_space<vmem>>
    %dma_start3A_8 = tpu.memref_squeeze %dma_start3A_7 : memref<1x16x1024xf32, #tpu.memory_space<vmem>> -> memref<16x1024xf32, #tpu.memory_space<vmem>>
    %dma_start3A_9 = arith.constant 0 : i32
    %dma_start3A_10 = tpu.memref_slice %arg5[%dma_start3A, %dma_start3A_3, %dma_start3A_9] : memref<2x4x16xi32, #tpu.memory_space<vmem>> -> memref<1x1x16xi32, #tpu.memory_space<vmem>>
    %dma_start3A_11 = tpu.memref_squeeze %dma_start3A_10 : memref<1x1x16xi32, #tpu.memory_space<vmem>> -> memref<16xi32, #tpu.memory_space<vmem>>
    %dma_start3A_12 = arith.constant 0 : i32
    %dma_start3A_13 = arith.constant 0 : i32
    %dma_start3A_14 = tpu.memref_slice %arg2[%dma_start3A_12, %dma_start3A_13] : memref<5120x1024xf32, #tpu.memory_space<hbm>> -> memref<5120x1024xf32, #tpu.memory_space<hbm>>
    tpu.enqueue_indirect_dma source(%dma_start3A_14 : memref<5120x1024xf32, #tpu.memory_space<hbm>>) target(%dma_start3A_8 : memref<16x1024xf32, #tpu.memory_space<vmem>>) offsets(%dma_start3A_11 : memref<16xi32, #tpu.memory_space<vmem>>) semaphore(%arg8 : memref<!tpu.dma_semaphore, #tpu.memory_space<semaphore_mem>>)
    %dma_start3A_15 = arith.constant 1 : i32
    %dma_start3A_16 = arith.constant 0 : i32
    %dma_start3A_17 = arith.constant 0 : i32
    %dma_start3A_18 = arith.constant 0 : i32
    %dma_start3A_19 = arith.constant 0 : i32
    %dma_start3A_20 = tpu.memref_slice %arg7[%dma_start3A_17, %dma_start3A_18, %dma_start3A_19] : memref<2x16x1024xf32, #tpu.memory_space<vmem>> -> memref<1x16x1024xf32, #tpu.memory_space<vmem>>
    %dma_start3A_21 = tpu.memref_squeeze %dma_start3A_20 : memref<1x16x1024xf32, #tpu.memory_space<vmem>> -> memref<16x1024xf32, #tpu.memory_space<vmem>>
    %dma_start3A_22 = arith.constant 0 : i32
    %dma_start3A_23 = tpu.memref_slice %arg5[%dma_start3A_15, %dma_start3A_16, %dma_start3A_22] : memref<2x4x16xi32, #tpu.memory_space<vmem>> -> memref<1x1x16xi32, #tpu.memory_space<vmem>>
    %dma_start3A_24 = tpu.memref_squeeze %dma_start3A_23 : memref<1x1x16xi32, #tpu.memory_space<vmem>> -> memref<16xi32, #tpu.memory_space<vmem>>
    %dma_start3A_25 = arith.constant 0 : i32
    %dma_start3A_26 = arith.constant 0 : i32
    %dma_start3A_27 = tpu.memref_slice %arg2[%dma_start3A_25, %dma_start3A_26] : memref<5120x1024xf32, #tpu.memory_space<hbm>> -> memref<5120x1024xf32, #tpu.memory_space<hbm>>
    tpu.enqueue_indirect_dma source(%dma_start3A_27 : memref<5120x1024xf32, #tpu.memory_space<hbm>>) target(%dma_start3A_21 : memref<16x1024xf32, #tpu.memory_space<vmem>>) offsets(%dma_start3A_24 : memref<16xi32, #tpu.memory_space<vmem>>) semaphore(%arg9 : memref<!tpu.dma_semaphore, #tpu.memory_space<semaphore_mem>>)
    %dma_start3A_28 = arith.constant 0 : i32
    %dma_start3A_29 = arith.constant 1 : i32
    %dma_start3A_30 = arith.constant 1 : i32
    %dma_start3A_31 = arith.constant 0 : i32
    %dma_start3A_32 = arith.constant 0 : i32
    %dma_start3A_33 = tpu.memref_slice %arg6[%dma_start3A_30, %dma_start3A_31, %dma_start3A_32] : memref<2x16x1024xf32, #tpu.memory_space<vmem>> -> memref<1x16x1024xf32, #tpu.memory_space<vmem>>
    %dma_start3A_34 = tpu.memref_squeeze %dma_start3A_33 : memref<1x16x1024xf32, #tpu.memory_space<vmem>> -> memref<16x1024xf32, #tpu.memory_space<vmem>>
    %dma_start3A_35 = arith.constant 0 : i32
    %dma_start3A_36 = tpu.memref_slice %arg5[%dma_start3A_28, %dma_start3A_29, %dma_start3A_35] : memref<2x4x16xi32, #tpu.memory_space<vmem>> -> memref<1x1x16xi32, #tpu.memory_space<vmem>>
    %dma_start3A_37 = tpu.memref_squeeze %dma_start3A_36 : memref<1x1x16xi32, #tpu.memory_space<vmem>> -> memref<16xi32, #tpu.memory_space<vmem>>
    %dma_start3A_38 = arith.constant 0 : i32
    %dma_start3A_39 = arith.constant 0 : i32
    %dma_start3A_40 = tpu.memref_slice %arg2[%dma_start3A_38, %dma_start3A_39] : memref<5120x1024xf32, #tpu.memory_space<hbm>> -> memref<5120x1024xf32, #tpu.memory_space<hbm>>
    tpu.enqueue_indirect_dma source(%dma_start3A_40 : memref<5120x1024xf32, #tpu.memory_space<hbm>>) target(%dma_start3A_34 : memref<16x1024xf32, #tpu.memory_space<vmem>>) offsets(%dma_start3A_37 : memref<16xi32, #tpu.memory_space<vmem>>) semaphore(%arg8 : memref<!tpu.dma_semaphore, #tpu.memory_space<semaphore_mem>>)
    %dma_start3A_41 = arith.constant 1 : i32
    %dma_start3A_42 = arith.constant 1 : i32
    %dma_start3A_43 = arith.constant 1 : i32
    %dma_start3A_44 = arith.constant 0 : i32
    %dma_start3A_45 = arith.constant 0 : i32
    %dma_start3A_46 = tpu.memref_slice %arg7[%dma_start3A_43, %dma_start3A_44, %dma_start3A_45] : memref<2x16x1024xf32, #tpu.memory_space<vmem>> -> memref<1x16x1024xf32, #tpu.memory_space<vmem>>
    %dma_start3A_47 = tpu.memref_squeeze %dma_start3A_46 : memref<1x16x1024xf32, #tpu.memory_space<vmem>> -> memref<16x1024xf32, #tpu.memory_space<vmem>>
    %dma_start3A_48 = arith.constant 0 : i32
    %dma_start3A_49 = tpu.memref_slice %arg5[%dma_start3A_41, %dma_start3A_42, %dma_start3A_48] : memref<2x4x16xi32, #tpu.memory_space<vmem>> -> memref<1x1x16xi32, #tpu.memory_space<vmem>>
    %dma_start3A_50 = tpu.memref_squeeze %dma_start3A_49 : memref<1x1x16xi32, #tpu.memory_space<vmem>> -> memref<16xi32, #tpu.memory_space<vmem>>
    %dma_start3A_51 = arith.constant 0 : i32
    %dma_start3A_52 = arith.constant 0 : i32
    %dma_start3A_53 = tpu.memref_slice %arg2[%dma_start3A_51, %dma_start3A_52] : memref<5120x1024xf32, #tpu.memory_space<hbm>> -> memref<5120x1024xf32, #tpu.memory_space<hbm>>
    tpu.enqueue_indirect_dma source(%dma_start3A_53 : memref<5120x1024xf32, #tpu.memory_space<hbm>>) target(%dma_start3A_47 : memref<16x1024xf32, #tpu.memory_space<vmem>>) offsets(%dma_start3A_50 : memref<16xi32, #tpu.memory_space<vmem>>) semaphore(%arg9 : memref<!tpu.dma_semaphore, #tpu.memory_space<semaphore_mem>>)
    %dma_wait3A = arith.constant 0 : i32
    %dma_wait3A_54 = arith.constant 0 : i32
    %dma_wait3A_55 = arith.constant 0 : i32
    %dma_wait3A_56 = arith.constant 0 : i32
    %dma_wait3A_57 = arith.constant 0 : i32
    %dma_wait3A_58 = tpu.memref_slice %arg6[%dma_wait3A_55, %dma_wait3A_56, %dma_wait3A_57] : memref<2x16x1024xf32, #tpu.memory_space<vmem>> -> memref<1x16x1024xf32, #tpu.memory_space<vmem>>
    %dma_wait3A_59 = tpu.memref_squeeze %dma_wait3A_58 : memref<1x16x1024xf32, #tpu.memory_space<vmem>> -> memref<16x1024xf32, #tpu.memory_space<vmem>>
    %dma_wait3A_60 = arith.constant 0 : i32
    %dma_wait3A_61 = tpu.memref_slice %arg5[%dma_wait3A, %dma_wait3A_54, %dma_wait3A_60] : memref<2x4x16xi32, #tpu.memory_space<vmem>> -> memref<1x1x16xi32, #tpu.memory_space<vmem>>
    %dma_wait3A_62 = tpu.memref_squeeze %dma_wait3A_61 : memref<1x1x16xi32, #tpu.memory_space<vmem>> -> memref<16xi32, #tpu.memory_space<vmem>>
    %dma_wait3A_63 = arith.constant 0 : i32
    %dma_wait3A_64 = arith.constant 0 : i32
    %dma_wait3A_65 = tpu.memref_slice %arg2[%dma_wait3A_63, %dma_wait3A_64] : memref<5120x1024xf32, #tpu.memory_space<hbm>> -> memref<5120x1024xf32, #tpu.memory_space<hbm>>
    tpu.wait_indirect_dma semaphore(%arg8 : memref<!tpu.dma_semaphore, #tpu.memory_space<semaphore_mem>>) src(%dma_wait3A_65 : memref<5120x1024xf32, #tpu.memory_space<hbm>>) dst(%dma_wait3A_59 : memref<16x1024xf32, #tpu.memory_space<vmem>>)
    %dma_wait3A_66 = arith.constant 1 : i32
    %dma_wait3A_67 = arith.constant 0 : i32
    %dma_wait3A_68 = arith.constant 0 : i32
    %dma_wait3A_69 = arith.constant 0 : i32
    %dma_wait3A_70 = arith.constant 0 : i32
    %dma_wait3A_71 = tpu.memref_slice %arg7[%dma_wait3A_68, %dma_wait3A_69, %dma_wait3A_70] : memref<2x16x1024xf32, #tpu.memory_space<vmem>> -> memref<1x16x1024xf32, #tpu.memory_space<vmem>>
    %dma_wait3A_72 = tpu.memref_squeeze %dma_wait3A_71 : memref<1x16x1024xf32, #tpu.memory_space<vmem>> -> memref<16x1024xf32, #tpu.memory_space<vmem>>
    %dma_wait3A_73 = arith.constant 0 : i32
    %dma_wait3A_74 = tpu.memref_slice %arg5[%dma_wait3A_66, %dma_wait3A_67, %dma_wait3A_73] : memref<2x4x16xi32, #tpu.memory_space<vmem>> -> memref<1x1x16xi32, #tpu.memory_space<vmem>>
    %dma_wait3A_75 = tpu.memref_squeeze %dma_wait3A_74 : memref<1x1x16xi32, #tpu.memory_space<vmem>> -> memref<16xi32, #tpu.memory_space<vmem>>
    %dma_wait3A_76 = arith.constant 0 : i32
    %dma_wait3A_77 = arith.constant 0 : i32
    %dma_wait3A_78 = tpu.memref_slice %arg2[%dma_wait3A_76, %dma_wait3A_77] : memref<5120x1024xf32, #tpu.memory_space<hbm>> -> memref<5120x1024xf32, #tpu.memory_space<hbm>>
    tpu.wait_indirect_dma semaphore(%arg9 : memref<!tpu.dma_semaphore, #tpu.memory_space<semaphore_mem>>) src(%dma_wait3A_78 : memref<5120x1024xf32, #tpu.memory_space<hbm>>) dst(%dma_wait3A_72 : memref<16x1024xf32, #tpu.memory_space<vmem>>)
    %scan3A = arith.constant 0 : i32
    %scan3A_79 = arith.constant 0 : i32
    %scan3A_80 = arith.constant 1024 : i32
    %scan3A_81 = arith.addi %scan3A_79, %scan3A_80 : i32
    %scan3A_82 = arith.constant 8 : i32
    scf.for %scan3A_344 = %scan3A_79 to %scan3A_81 step %scan3A_82  : i32 {
      %shift_right_arithmetic3A = arith.constant 6 : i32
      %shift_right_arithmetic3A_345 = arith.shrsi %scan3A_344, %shift_right_arithmetic3A : i32
      %and3A = arith.constant 63 : i32
      %and3A_346 = arith.andi %scan3A_344, %and3A : i32
      %mul3A_347 = arith.constant 16 : i32
      %mul3A_348 = arith.muli %and3A_346, %mul3A_347 : i32
      %get3A = arith.constant 0 : i32
      %get3A_349 = arith.index_cast %get3A : i32 to index
      %get3A_350 = arith.index_cast %shift_right_arithmetic3A_345 : i32 to index
      %get3A_351 = arith.index_cast %mul3A_348 : i32 to index
      %get3A_352 = tpu.vector_load %arg6[%get3A_349, %get3A_350, %get3A_351] {strides = array<i32>} : memref<2x16x1024xf32, #tpu.memory_space<vmem>>, vector<1x1x16xf32>,
      %get3A_353 = vector.shape_cast %get3A_352 : vector<1x1x16xf32> to vector<16xf32>
      %get3A_354 = arith.constant 0 : i32
      %get3A_355 = arith.index_cast %get3A_354 : i32 to index
      %get3A_356 = arith.index_cast %shift_right_arithmetic3A_345 : i32 to index
      %get3A_357 = arith.index_cast %mul3A_348 : i32 to index
      %get3A_358 = tpu.vector_load %arg7[%get3A_355, %get3A_356, %get3A_357] {strides = array<i32>} : memref<2x16x1024xf32, #tpu.memory_space<vmem>>, vector<1x1x16xf32>,
      %get3A_359 = vector.shape_cast %get3A_358 : vector<1x1x16xf32> to vector<16xf32>
      %add3A_360 = arith.addf %get3A_353, %get3A_359 : vector<16xf32>
      %swap3A = arith.constant 0 : i32
      %swap3A_361 = arith.index_cast %swap3A : i32 to index
      %swap3A_362 = arith.index_cast %shift_right_arithmetic3A_345 : i32 to index
      %swap3A_363 = arith.index_cast %mul3A_348 : i32 to index
      %swap3A_364 = tpu.vector_load %arg6[%swap3A_361, %swap3A_362, %swap3A_363] {strides = array<i32>} : memref<2x16x1024xf32, #tpu.memory_space<vmem>>, vector<1x1x16xf32>,
      %swap3A_365 = vector.shape_cast %swap3A_364 : vector<1x1x16xf32> to vector<16xf32>
      %swap3A_366 = vector.shape_cast %add3A_360 : vector<16xf32> to vector<1x1x16xf32>
      tpu.vector_store %arg6[%swap3A_361, %swap3A_362, %swap3A_363], %swap3A_366 {strides = array<i32>} : memref<2x16x1024xf32, #tpu.memory_space<vmem>>, vector<1x1x16xf32>,
      %scan3A_367 = arith.constant 1 : i32
      %scan3A_368 = arith.addi %scan3A_344, %scan3A_367 : i32
      %shift_right_arithmetic3A_369 = arith.constant 6 : i32
      %shift_right_arithmetic3A_370 = arith.shrsi %scan3A_368, %shift_right_arithmetic3A_369 : i32
      %and3A_371 = arith.constant 63 : i32
      %and3A_372 = arith.andi %scan3A_368, %and3A_371 : i32
      %mul3A_373 = arith.constant 16 : i32
      %mul3A_374 = arith.muli %and3A_372, %mul3A_373 : i32
      %get3A_375 = arith.constant 0 : i32
      %get3A_376 = arith.index_cast %get3A_375 : i32 to index
      %get3A_377 = arith.index_cast %shift_right_arithmetic3A_370 : i32 to index
      %get3A_378 = arith.index_cast %mul3A_374 : i32 to index
      %get3A_379 = tpu.vector_load %arg6[%get3A_376, %get3A_377, %get3A_378] {strides = array<i32>} : memref<2x16x1024xf32, #tpu.memory_space<vmem>>, vector<1x1x16xf32>,
      %get3A_380 = vector.shape_cast %get3A_379 : vector<1x1x16xf32> to vector<16xf32>
      %get3A_381 = arith.constant 0 : i32
      %get3A_382 = arith.index_cast %get3A_381 : i32 to index
      %get3A_383 = arith.index_cast %shift_right_arithmetic3A_370 : i32 to index
      %get3A_384 = arith.index_cast %mul3A_374 : i32 to index
      %get3A_385 = tpu.vector_load %arg7[%get3A_382, %get3A_383, %get3A_384] {strides = array<i32>} : memref<2x16x1024xf32, #tpu.memory_space<vmem>>, vector<1x1x16xf32>,
      %get3A_386 = vector.shape_cast %get3A_385 : vector<1x1x16xf32> to vector<16xf32>
      %add3A_387 = arith.addf %get3A_380, %get3A_386 : vector<16xf32>
      %swap3A_388 = arith.constant 0 : i32
      %swap3A_389 = arith.index_cast %swap3A_388 : i32 to index
      %swap3A_390 = arith.index_cast %shift_right_arithmetic3A_370 : i32 to index
      %swap3A_391 = arith.index_cast %mul3A_374 : i32 to index
      %swap3A_392 = tpu.vector_load %arg6[%swap3A_389, %swap3A_390, %swap3A_391] {strides = array<i32>} : memref<2x16x1024xf32, #tpu.memory_space<vmem>>, vector<1x1x16xf32>,
      %swap3A_393 = vector.shape_cast %swap3A_392 : vector<1x1x16xf32> to vector<16xf32>
      %swap3A_394 = vector.shape_cast %add3A_387 : vector<16xf32> to vector<1x1x16xf32>
      tpu.vector_store %arg6[%swap3A_389, %swap3A_390, %swap3A_391], %swap3A_394 {strides = array<i32>} : memref<2x16x1024xf32, #tpu.memory_space<vmem>>, vector<1x1x16xf32>,
      %scan3A_395 = arith.constant 2 : i32
      %scan3A_396 = arith.addi %scan3A_344, %scan3A_395 : i32
      %shift_right_arithmetic3A_397 = arith.constant 6 : i32
      %shift_right_arithmetic3A_398 = arith.shrsi %scan3A_396, %shift_right_arithmetic3A_397 : i32
      %and3A_399 = arith.constant 63 : i32
      %and3A_400 = arith.andi %scan3A_396, %and3A_399 : i32
      %mul3A_401 = arith.constant 16 : i32
      %mul3A_402 = arith.muli %and3A_400, %mul3A_401 : i32
      %get3A_403 = arith.constant 0 : i32
      %get3A_404 = arith.index_cast %get3A_403 : i32 to index
      %get3A_405 = arith.index_cast %shift_right_arithmetic3A_398 : i32 to index
      %get3A_406 = arith.index_cast %mul3A_402 : i32 to index
      %get3A_407 = tpu.vector_load %arg6[%get3A_404, %get3A_405, %get3A_406] {strides = array<i32>} : memref<2x16x1024xf32, #tpu.memory_space<vmem>>, vector<1x1x16xf32>,
      %get3A_408 = vector.shape_cast %get3A_407 : vector<1x1x16xf32> to vector<16xf32>
      %get3A_409 = arith.constant 0 : i32
      %get3A_410 = arith.index_cast %get3A_409 : i32 to index
      %get3A_411 = arith.index_cast %shift_right_arithmetic3A_398 : i32 to index
      %get3A_412 = arith.index_cast %mul3A_402 : i32 to index
      %get3A_413 = tpu.vector_load %arg7[%get3A_410, %get3A_411, %get3A_412] {strides = array<i32>} : memref<2x16x1024xf32, #tpu.memory_space<vmem>>, vector<1x1x16xf32>,
      %get3A_414 = vector.shape_cast %get3A_413 : vector<1x1x16xf32> to vector<16xf32>
      %add3A_415 = arith.addf %get3A_408, %get3A_414 : vector<16xf32>
      %swap3A_416 = arith.constant 0 : i32
      %swap3A_417 = arith.index_cast %swap3A_416 : i32 to index
      %swap3A_418 = arith.index_cast %shift_right_arithmetic3A_398 : i32 to index
      %swap3A_419 = arith.index_cast %mul3A_402 : i32 to index
      %swap3A_420 = tpu.vector_load %arg6[%swap3A_417, %swap3A_418, %swap3A_419] {strides = array<i32>} : memref<2x16x1024xf32, #tpu.memory_space<vmem>>, vector<1x1x16xf32>,
      %swap3A_421 = vector.shape_cast %swap3A_420 : vector<1x1x16xf32> to vector<16xf32>
      %swap3A_422 = vector.shape_cast %add3A_415 : vector<16xf32> to vector<1x1x16xf32>
      tpu.vector_store %arg6[%swap3A_417, %swap3A_418, %swap3A_419], %swap3A_422 {strides = array<i32>} : memref<2x16x1024xf32, #tpu.memory_space<vmem>>, vector<1x1x16xf32>,
      %scan3A_423 = arith.constant 3 : i32
      %scan3A_424 = arith.addi %scan3A_344, %scan3A_423 : i32
      %shift_right_arithmetic3A_425 = arith.constant 6 : i32
      %shift_right_arithmetic3A_426 = arith.shrsi %scan3A_424, %shift_right_arithmetic3A_425 : i32
      %and3A_427 = arith.constant 63 : i32
      %and3A_428 = arith.andi %scan3A_424, %and3A_427 : i32
      %mul3A_429 = arith.constant 16 : i32
      %mul3A_430 = arith.muli %and3A_428, %mul3A_429 : i32
      %get3A_431 = arith.constant 0 : i32
      %get3A_432 = arith.index_cast %get3A_431 : i32 to index
      %get3A_433 = arith.index_cast %shift_right_arithmetic3A_426 : i32 to index
      %get3A_434 = arith.index_cast %mul3A_430 : i32 to index
      %get3A_435 = tpu.vector_load %arg6[%get3A_432, %get3A_433, %get3A_434] {strides = array<i32>} : memref<2x16x1024xf32, #tpu.memory_space<vmem>>, vector<1x1x16xf32>,
      %get3A_436 = vector.shape_cast %get3A_435 : vector<1x1x16xf32> to vector<16xf32>
      %get3A_437 = arith.constant 0 : i32
      %get3A_438 = arith.index_cast %get3A_437 : i32 to index
      %get3A_439 = arith.index_cast %shift_right_arithmetic3A_426 : i32 to index
      %get3A_440 = arith.index_cast %mul3A_430 : i32 to index
      %get3A_441 = tpu.vector_load %arg7[%get3A_438, %get3A_439, %get3A_440] {strides = array<i32>} : memref<2x16x1024xf32, #tpu.memory_space<vmem>>, vector<1x1x16xf32>,
      %get3A_442 = vector.shape_cast %get3A_441 : vector<1x1x16xf32> to vector<16xf32>
      %add3A_443 = arith.addf %get3A_436, %get3A_442 : vector<16xf32>
      %swap3A_444 = arith.constant 0 : i32
      %swap3A_445 = arith.index_cast %swap3A_444 : i32 to index
      %swap3A_446 = arith.index_cast %shift_right_arithmetic3A_426 : i32 to index
      %swap3A_447 = arith.index_cast %mul3A_430 : i32 to index
      %swap3A_448 = tpu.vector_load %arg6[%swap3A_445, %swap3A_446, %swap3A_447] {strides = array<i32>} : memref<2x16x1024xf32, #tpu.memory_space<vmem>>, vector<1x1x16xf32>,
      %swap3A_449 = vector.shape_cast %swap3A_448 : vector<1x1x16xf32> to vector<16xf32>
      %swap3A_450 = vector.shape_cast %add3A_443 : vector<16xf32> to vector<1x1x16xf32>
      tpu.vector_store %arg6[%swap3A_445, %swap3A_446, %swap3A_447], %swap3A_450 {strides = array<i32>} : memref<2x16x1024xf32, #tpu.memory_space<vmem>>, vector<1x1x16xf32>,
      %scan3A_451 = arith.constant 4 : i32
      %scan3A_452 = arith.addi %scan3A_344, %scan3A_451 : i32
      %shift_right_arithmetic3A_453 = arith.constant 6 : i32
      %shift_right_arithmetic3A_454 = arith.shrsi %scan3A_452, %shift_right_arithmetic3A_453 : i32
      %and3A_455 = arith.constant 63 : i32
      %and3A_456 = arith.andi %scan3A_452, %and3A_455 : i32
      %mul3A_457 = arith.constant 16 : i32
      %mul3A_458 = arith.muli %and3A_456, %mul3A_457 : i32
      %get3A_459 = arith.constant 0 : i32
      %get3A_460 = arith.index_cast %get3A_459 : i32 to index
      %get3A_461 = arith.index_cast %shift_right_arithmetic3A_454 : i32 to index
      %get3A_462 = arith.index_cast %mul3A_458 : i32 to index
      %get3A_463 = tpu.vector_load %arg6[%get3A_460, %get3A_461, %get3A_462] {strides = array<i32>} : memref<2x16x1024xf32, #tpu.memory_space<vmem>>, vector<1x1x16xf32>,
      %get3A_464 = vector.shape_cast %get3A_463 : vector<1x1x16xf32> to vector<16xf32>
      %get3A_465 = arith.constant 0 : i32
      %get3A_466 = arith.index_cast %get3A_465 : i32 to index
      %get3A_467 = arith.index_cast %shift_right_arithmetic3A_454 : i32 to index
      %get3A_468 = arith.index_cast %mul3A_458 : i32 to index
      %get3A_469 = tpu.vector_load %arg7[%get3A_466, %get3A_467, %get3A_468] {strides = array<i32>} : memref<2x16x1024xf32, #tpu.memory_space<vmem>>, vector<1x1x16xf32>,
      %get3A_470 = vector.shape_cast %get3A_469 : vector<1x1x16xf32> to vector<16xf32>
      %add3A_471 = arith.addf %get3A_464, %get3A_470 : vector<16xf32>
      %swap3A_472 = arith.constant 0 : i32
      %swap3A_473 = arith.index_cast %swap3A_472 : i32 to index
      %swap3A_474 = arith.index_cast %shift_right_arithmetic3A_454 : i32 to index
      %swap3A_475 = arith.index_cast %mul3A_458 : i32 to index
      %swap3A_476 = tpu.vector_load %arg6[%swap3A_473, %swap3A_474, %swap3A_475] {strides = array<i32>} : memref<2x16x1024xf32, #tpu.memory_space<vmem>>, vector<1x1x16xf32>,
      %swap3A_477 = vector.shape_cast %swap3A_476 : vector<1x1x16xf32> to vector<16xf32>
      %swap3A_478 = vector.shape_cast %add3A_471 : vector<16xf32> to vector<1x1x16xf32>
      tpu.vector_store %arg6[%swap3A_473, %swap3A_474, %swap3A_475], %swap3A_478 {strides = array<i32>} : memref<2x16x1024xf32, #tpu.memory_space<vmem>>, vector<1x1x16xf32>,
      %scan3A_479 = arith.constant 5 : i32
      %scan3A_480 = arith.addi %scan3A_344, %scan3A_479 : i32
      %shift_right_arithmetic3A_481 = arith.constant 6 : i32
      %shift_right_arithmetic3A_482 = arith.shrsi %scan3A_480, %shift_right_arithmetic3A_481 : i32
      %and3A_483 = arith.constant 63 : i32
      %and3A_484 = arith.andi %scan3A_480, %and3A_483 : i32
      %mul3A_485 = arith.constant 16 : i32
      %mul3A_486 = arith.muli %and3A_484, %mul3A_485 : i32
      %get3A_487 = arith.constant 0 : i32
      %get3A_488 = arith.index_cast %get3A_487 : i32 to index
      %get3A_489 = arith.index_cast %shift_right_arithmetic3A_482 : i32 to index
      %get3A_490 = arith.index_cast %mul3A_486 : i32 to index
      %get3A_491 = tpu.vector_load %arg6[%get3A_488, %get3A_489, %get3A_490] {strides = array<i32>} : memref<2x16x1024xf32, #tpu.memory_space<vmem>>, vector<1x1x16xf32>,
      %get3A_492 = vector.shape_cast %get3A_491 : vector<1x1x16xf32> to vector<16xf32>
      %get3A_493 = arith.constant 0 : i32
      %get3A_494 = arith.index_cast %get3A_493 : i32 to index
      %get3A_495 = arith.index_cast %shift_right_arithmetic3A_482 : i32 to index
      %get3A_496 = arith.index_cast %mul3A_486 : i32 to index
      %get3A_497 = tpu.vector_load %arg7[%get3A_494, %get3A_495, %get3A_496] {strides = array<i32>} : memref<2x16x1024xf32, #tpu.memory_space<vmem>>, vector<1x1x16xf32>,
      %get3A_498 = vector.shape_cast %get3A_497 : vector<1x1x16xf32> to vector<16xf32>
      %add3A_499 = arith.addf %get3A_492, %get3A_498 : vector<16xf32>
      %swap3A_500 = arith.constant 0 : i32
      %swap3A_501 = arith.index_cast %swap3A_500 : i32 to index
      %swap3A_502 = arith.index_cast %shift_right_arithmetic3A_482 : i32 to index
      %swap3A_503 = arith.index_cast %mul3A_486 : i32 to index
      %swap3A_504 = tpu.vector_load %arg6[%swap3A_501, %swap3A_502, %swap3A_503] {strides = array<i32>} : memref<2x16x1024xf32, #tpu.memory_space<vmem>>, vector<1x1x16xf32>,
      %swap3A_505 = vector.shape_cast %swap3A_504 : vector<1x1x16xf32> to vector<16xf32>
      %swap3A_506 = vector.shape_cast %add3A_499 : vector<16xf32> to vector<1x1x16xf32>
      tpu.vector_store %arg6[%swap3A_501, %swap3A_502, %swap3A_503], %swap3A_506 {strides = array<i32>} : memref<2x16x1024xf32, #tpu.memory_space<vmem>>, vector<1x1x16xf32>,
      %scan3A_507 = arith.constant 6 : i32
      %scan3A_508 = arith.addi %scan3A_344, %scan3A_507 : i32
      %shift_right_arithmetic3A_509 = arith.constant 6 : i32
      %shift_right_arithmetic3A_510 = arith.shrsi %scan3A_508, %shift_right_arithmetic3A_509 : i32
      %and3A_511 = arith.constant 63 : i32
      %and3A_512 = arith.andi %scan3A_508, %and3A_511 : i32
      %mul3A_513 = arith.constant 16 : i32
      %mul3A_514 = arith.muli %and3A_512, %mul3A_513 : i32
      %get3A_515 = arith.constant 0 : i32
      %get3A_516 = arith.index_cast %get3A_515 : i32 to index
      %get3A_517 = arith.index_cast %shift_right_arithmetic3A_510 : i32 to index
      %get3A_518 = arith.index_cast %mul3A_514 : i32 to index
      %get3A_519 = tpu.vector_load %arg6[%get3A_516, %get3A_517, %get3A_518] {strides = array<i32>} : memref<2x16x1024xf32, #tpu.memory_space<vmem>>, vector<1x1x16xf32>,
      %get3A_520 = vector.shape_cast %get3A_519 : vector<1x1x16xf32> to vector<16xf32>
      %get3A_521 = arith.constant 0 : i32
      %get3A_522 = arith.index_cast %get3A_521 : i32 to index
      %get3A_523 = arith.index_cast %shift_right_arithmetic3A_510 : i32 to index
      %get3A_524 = arith.index_cast %mul3A_514 : i32 to index
      %get3A_525 = tpu.vector_load %arg7[%get3A_522, %get3A_523, %get3A_524] {strides = array<i32>} : memref<2x16x1024xf32, #tpu.memory_space<vmem>>, vector<1x1x16xf32>,
      %get3A_526 = vector.shape_cast %get3A_525 : vector<1x1x16xf32> to vector<16xf32>
      %add3A_527 = arith.addf %get3A_520, %get3A_526 : vector<16xf32>
      %swap3A_528 = arith.constant 0 : i32
      %swap3A_529 = arith.index_cast %swap3A_528 : i32 to index
      %swap3A_530 = arith.index_cast %shift_right_arithmetic3A_510 : i32 to index
      %swap3A_531 = arith.index_cast %mul3A_514 : i32 to index
      %swap3A_532 = tpu.vector_load %arg6[%swap3A_529, %swap3A_530, %swap3A_531] {strides = array<i32>} : memref<2x16x1024xf32, #tpu.memory_space<vmem>>, vector<1x1x16xf32>,
      %swap3A_533 = vector.shape_cast %swap3A_532 : vector<1x1x16xf32> to vector<16xf32>
      %swap3A_534 = vector.shape_cast %add3A_527 : vector<16xf32> to vector<1x1x16xf32>
      tpu.vector_store %arg6[%swap3A_529, %swap3A_530, %swap3A_531], %swap3A_534 {strides = array<i32>} : memref<2x16x1024xf32, #tpu.memory_space<vmem>>, vector<1x1x16xf32>,
      %scan3A_535 = arith.constant 7 : i32
      %scan3A_536 = arith.addi %scan3A_344, %scan3A_535 : i32
      %shift_right_arithmetic3A_537 = arith.constant 6 : i32
      %shift_right_arithmetic3A_538 = arith.shrsi %scan3A_536, %shift_right_arithmetic3A_537 : i32
      %and3A_539 = arith.constant 63 : i32
      %and3A_540 = arith.andi %scan3A_536, %and3A_539 : i32
      %mul3A_541 = arith.constant 16 : i32
      %mul3A_542 = arith.muli %and3A_540, %mul3A_541 : i32
      %get3A_543 = arith.constant 0 : i32
      %get3A_544 = arith.index_cast %get3A_543 : i32 to index
      %get3A_545 = arith.index_cast %shift_right_arithmetic3A_538 : i32 to index
      %get3A_546 = arith.index_cast %mul3A_542 : i32 to index
      %get3A_547 = tpu.vector_load %arg6[%get3A_544, %get3A_545, %get3A_546] {strides = array<i32>} : memref<2x16x1024xf32, #tpu.memory_space<vmem>>, vector<1x1x16xf32>,
      %get3A_548 = vector.shape_cast %get3A_547 : vector<1x1x16xf32> to vector<16xf32>
      %get3A_549 = arith.constant 0 : i32
      %get3A_550 = arith.index_cast %get3A_549 : i32 to index
      %get3A_551 = arith.index_cast %shift_right_arithmetic3A_538 : i32 to index
      %get3A_552 = arith.index_cast %mul3A_542 : i32 to index
      %get3A_553 = tpu.vector_load %arg7[%get3A_550, %get3A_551, %get3A_552] {strides = array<i32>} : memref<2x16x1024xf32, #tpu.memory_space<vmem>>, vector<1x1x16xf32>,
      %get3A_554 = vector.shape_cast %get3A_553 : vector<1x1x16xf32> to vector<16xf32>
      %add3A_555 = arith.addf %get3A_548, %get3A_554 : vector<16xf32>
      %swap3A_556 = arith.constant 0 : i32
      %swap3A_557 = arith.index_cast %swap3A_556 : i32 to index
      %swap3A_558 = arith.index_cast %shift_right_arithmetic3A_538 : i32 to index
      %swap3A_559 = arith.index_cast %mul3A_542 : i32 to index
      %swap3A_560 = tpu.vector_load %arg6[%swap3A_557, %swap3A_558, %swap3A_559] {strides = array<i32>} : memref<2x16x1024xf32, #tpu.memory_space<vmem>>, vector<1x1x16xf32>,
      %swap3A_561 = vector.shape_cast %swap3A_560 : vector<1x1x16xf32> to vector<16xf32>
      %swap3A_562 = vector.shape_cast %add3A_555 : vector<16xf32> to vector<1x1x16xf32>
      tpu.vector_store %arg6[%swap3A_557, %swap3A_558, %swap3A_559], %swap3A_562 {strides = array<i32>} : memref<2x16x1024xf32, #tpu.memory_space<vmem>>, vector<1x1x16xf32>,
    }
    %scan3A_83 = arith.constant 1024 : i32
    %add3A_84 = arith.constant 0 : i32
    %add3A_85 = arith.addi %mul3A_2, %add3A_84 : i32
    %dma_start3A_86 = arith.constant 0 : i32
    %dma_start3A_87 = arith.constant 0 : i32
    %dma_start3A_88 = arith.constant 0 : i32
    %dma_start3A_89 = tpu.memref_slice %arg6[%dma_start3A_86, %dma_start3A_87, %dma_start3A_88] : memref<2x16x1024xf32, #tpu.memory_space<vmem>> -> memref<1x16x1024xf32, #tpu.memory_space<vmem>>
    %dma_start3A_90 = tpu.memref_squeeze %dma_start3A_89 : memref<1x16x1024xf32, #tpu.memory_space<vmem>> -> memref<16x1024xf32, #tpu.memory_space<vmem>>
    %dma_start3A_91 = arith.constant 0 : i32
    %dma_start3A_92 = tpu.memref_slice %arg4[%add3A_85, %dma_start3A_91] : memref<2048x1024xf32, #tpu.memory_space<hbm>> -> memref<16x1024xf32, #tpu.memory_space<hbm>>
    %dma_start3A_93 = arith.constant 0 : i32
    %dma_start3A_94 = tpu.memref_slice %arg4[%add3A_85, %dma_start3A_93] : memref<2048x1024xf32, #tpu.memory_space<hbm>> -> memref<16x1024xf32, #tpu.memory_space<hbm>>
    %dma_start3A_95 = arith.constant 0 : i32
    %dma_start3A_96 = arith.constant 0 : i32
    %dma_start3A_97 = tpu.memref_slice %arg6[%dma_start3A_86, %dma_start3A_95, %dma_start3A_96] : memref<2x16x1024xf32, #tpu.memory_space<vmem>> -> memref<1x16x1024xf32, #tpu.memory_space<vmem>>
    %dma_start3A_98 = tpu.memref_squeeze %dma_start3A_97 : memref<1x16x1024xf32, #tpu.memory_space<vmem>> -> memref<16x1024xf32, #tpu.memory_space<vmem>>
    tpu.enqueue_dma source(%dma_start3A_98 : memref<16x1024xf32, #tpu.memory_space<vmem>>) target(%dma_start3A_94 : memref<16x1024xf32, #tpu.memory_space<hbm>>) target_semaphore(%arg10 : memref<!tpu.dma_semaphore, #tpu.memory_space<semaphore_mem>>)
    %dma_wait3A_99 = arith.constant 0 : i32
    %dma_wait3A_100 = arith.constant 0 : i32
    %dma_wait3A_101 = arith.constant 0 : i32
    %dma_wait3A_102 = tpu.memref_slice %arg6[%dma_wait3A_99, %dma_wait3A_100, %dma_wait3A_101] : memref<2x16x1024xf32, #tpu.memory_space<vmem>> -> memref<1x16x1024xf32, #tpu.memory_space<vmem>>
    %dma_wait3A_103 = tpu.memref_squeeze %dma_wait3A_102 : memref<1x16x1024xf32, #tpu.memory_space<vmem>> -> memref<16x1024xf32, #tpu.memory_space<vmem>>
    %dma_wait3A_104 = arith.constant 0 : i32
    %dma_wait3A_105 = tpu.memref_slice %arg4[%add3A_85, %dma_wait3A_104] : memref<2048x1024xf32, #tpu.memory_space<hbm>> -> memref<16x1024xf32, #tpu.memory_space<hbm>>
    %dma_wait3A_106 = arith.constant 0 : i32
    %dma_wait3A_107 = tpu.memref_slice %arg4[%add3A_85, %dma_wait3A_106] : memref<2048x1024xf32, #tpu.memory_space<hbm>> -> memref<16x1024xf32, #tpu.memory_space<hbm>>
    %dma_wait3A_108 = arith.constant 0 : i32
    %dma_wait3A_109 = arith.constant 0 : i32
    %dma_wait3A_110 = tpu.memref_slice %arg6[%dma_wait3A_99, %dma_wait3A_108, %dma_wait3A_109] : memref<2x16x1024xf32, #tpu.memory_space<vmem>> -> memref<1x16x1024xf32, #tpu.memory_space<vmem>>
    %dma_wait3A_111 = tpu.memref_squeeze %dma_wait3A_110 : memref<1x16x1024xf32, #tpu.memory_space<vmem>> -> memref<16x1024xf32, #tpu.memory_space<vmem>>
    tpu.wait_dma2 semaphore(%arg10 : memref<!tpu.dma_semaphore, #tpu.memory_space<semaphore_mem>>) src(%dma_wait3A_111 : memref<16x1024xf32, #tpu.memory_space<vmem>>) dst(%dma_wait3A_107 : memref<16x1024xf32, #tpu.memory_space<hbm>>)
    %dma_start3A_112 = arith.constant 0 : i32
    %dma_start3A_113 = arith.constant 2 : i32
    %dma_start3A_114 = arith.constant 0 : i32
    %dma_start3A_115 = arith.constant 0 : i32
    %dma_start3A_116 = arith.constant 0 : i32
    %dma_start3A_117 = tpu.memref_slice %arg6[%dma_start3A_114, %dma_start3A_115, %dma_start3A_116] : memref<2x16x1024xf32, #tpu.memory_space<vmem>> -> memref<1x16x1024xf32, #tpu.memory_space<vmem>>
    %dma_start3A_118 = tpu.memref_squeeze %dma_start3A_117 : memref<1x16x1024xf32, #tpu.memory_space<vmem>> -> memref<16x1024xf32, #tpu.memory_space<vmem>>
    %dma_start3A_119 = arith.constant 0 : i32
    %dma_start3A_120 = tpu.memref_slice %arg5[%dma_start3A_112, %dma_start3A_113, %dma_start3A_119] : memref<2x4x16xi32, #tpu.memory_space<vmem>> -> memref<1x1x16xi32, #tpu.memory_space<vmem>>
    %dma_start3A_121 = tpu.memref_squeeze %dma_start3A_120 : memref<1x1x16xi32, #tpu.memory_space<vmem>> -> memref<16xi32, #tpu.memory_space<vmem>>
    %dma_start3A_122 = arith.constant 0 : i32
    %dma_start3A_123 = arith.constant 0 : i32
    %dma_start3A_124 = tpu.memref_slice %arg2[%dma_start3A_122, %dma_start3A_123] : memref<5120x1024xf32, #tpu.memory_space<hbm>> -> memref<5120x1024xf32, #tpu.memory_space<hbm>>
    tpu.enqueue_indirect_dma source(%dma_start3A_124 : memref<5120x1024xf32, #tpu.memory_space<hbm>>) target(%dma_start3A_118 : memref<16x1024xf32, #tpu.memory_space<vmem>>) offsets(%dma_start3A_121 : memref<16xi32, #tpu.memory_space<vmem>>) semaphore(%arg8 : memref<!tpu.dma_semaphore, #tpu.memory_space<semaphore_mem>>)
    %dma_start3A_125 = arith.constant 1 : i32
    %dma_start3A_126 = arith.constant 2 : i32
    %dma_start3A_127 = arith.constant 0 : i32
    %dma_start3A_128 = arith.constant 0 : i32
    %dma_start3A_129 = arith.constant 0 : i32
    %dma_start3A_130 = tpu.memref_slice %arg7[%dma_start3A_127, %dma_start3A_128, %dma_start3A_129] : memref<2x16x1024xf32, #tpu.memory_space<vmem>> -> memref<1x16x1024xf32, #tpu.memory_space<vmem>>
    %dma_start3A_131 = tpu.memref_squeeze %dma_start3A_130 : memref<1x16x1024xf32, #tpu.memory_space<vmem>> -> memref<16x1024xf32, #tpu.memory_space<vmem>>
    %dma_start3A_132 = arith.constant 0 : i32
    %dma_start3A_133 = tpu.memref_slice %arg5[%dma_start3A_125, %dma_start3A_126, %dma_start3A_132] : memref<2x4x16xi32, #tpu.memory_space<vmem>> -> memref<1x1x16xi32, #tpu.memory_space<vmem>>
    %dma_start3A_134 = tpu.memref_squeeze %dma_start3A_133 : memref<1x1x16xi32, #tpu.memory_space<vmem>> -> memref<16xi32, #tpu.memory_space<vmem>>
    %dma_start3A_135 = arith.constant 0 : i32
    %dma_start3A_136 = arith.constant 0 : i32
    %dma_start3A_137 = tpu.memref_slice %arg2[%dma_start3A_135, %dma_start3A_136] : memref<5120x1024xf32, #tpu.memory_space<hbm>> -> memref<5120x1024xf32, #tpu.memory_space<hbm>>
    tpu.enqueue_indirect_dma source(%dma_start3A_137 : memref<5120x1024xf32, #tpu.memory_space<hbm>>) target(%dma_start3A_131 : memref<16x1024xf32, #tpu.memory_space<vmem>>) offsets(%dma_start3A_134 : memref<16xi32, #tpu.memory_space<vmem>>) semaphore(%arg9 : memref<!tpu.dma_semaphore, #tpu.memory_space<semaphore_mem>>)
    %dma_wait3A_138 = arith.constant 0 : i32
    %dma_wait3A_139 = arith.constant 1 : i32
    %dma_wait3A_140 = arith.constant 1 : i32
    %dma_wait3A_141 = arith.constant 0 : i32
    %dma_wait3A_142 = arith.constant 0 : i32
    %dma_wait3A_143 = tpu.memref_slice %arg6[%dma_wait3A_140, %dma_wait3A_141, %dma_wait3A_142] : memref<2x16x1024xf32, #tpu.memory_space<vmem>> -> memref<1x16x1024xf32, #tpu.memory_space<vmem>>
    %dma_wait3A_144 = tpu.memref_squeeze %dma_wait3A_143 : memref<1x16x1024xf32, #tpu.memory_space<vmem>> -> memref<16x1024xf32, #tpu.memory_space<vmem>>
    %dma_wait3A_145 = arith.constant 0 : i32
    %dma_wait3A_146 = tpu.memref_slice %arg5[%dma_wait3A_138, %dma_wait3A_139, %dma_wait3A_145] : memref<2x4x16xi32, #tpu.memory_space<vmem>> -> memref<1x1x16xi32, #tpu.memory_space<vmem>>
    %dma_wait3A_147 = tpu.memref_squeeze %dma_wait3A_146 : memref<1x1x16xi32, #tpu.memory_space<vmem>> -> memref<16xi32, #tpu.memory_space<vmem>>
    %dma_wait3A_148 = arith.constant 0 : i32
    %dma_wait3A_149 = arith.constant 0 : i32
    %dma_wait3A_150 = tpu.memref_slice %arg2[%dma_wait3A_148, %dma_wait3A_149] : memref<5120x1024xf32, #tpu.memory_space<hbm>> -> memref<5120x1024xf32, #tpu.memory_space<hbm>>
    tpu.wait_indirect_dma semaphore(%arg8 : memref<!tpu.dma_semaphore, #tpu.memory_space<semaphore_mem>>) src(%dma_wait3A_150 : memref<5120x1024xf32, #tpu.memory_space<hbm>>) dst(%dma_wait3A_144 : memref<16x1024xf32, #tpu.memory_space<vmem>>)
    %dma_wait3A_151 = arith.constant 1 : i32
    %dma_wait3A_152 = arith.constant 1 : i32
    %dma_wait3A_153 = arith.constant 1 : i32
    %dma_wait3A_154 = arith.constant 0 : i32
    %dma_wait3A_155 = arith.constant 0 : i32
    %dma_wait3A_156 = tpu.memref_slice %arg7[%dma_wait3A_153, %dma_wait3A_154, %dma_wait3A_155] : memref<2x16x1024xf32, #tpu.memory_space<vmem>> -> memref<1x16x1024xf32, #tpu.memory_space<vmem>>
    %dma_wait3A_157 = tpu.memref_squeeze %dma_wait3A_156 : memref<1x16x1024xf32, #tpu.memory_space<vmem>> -> memref<16x1024xf32, #tpu.memory_space<vmem>>
    %dma_wait3A_158 = arith.constant 0 : i32
    %dma_wait3A_159 = tpu.memref_slice %arg5[%dma_wait3A_151, %dma_wait3A_152, %dma_wait3A_158] : memref<2x4x16xi32, #tpu.memory_space<vmem>> -> memref<1x1x16xi32, #tpu.memory_space<vmem>>
    %dma_wait3A_160 = tpu.memref_squeeze %dma_wait3A_159 : memref<1x1x16xi32, #tpu.memory_space<vmem>> -> memref<16xi32, #tpu.memory_space<vmem>>
    %dma_wait3A_161 = arith.constant 0 : i32
    %dma_wait3A_162 = arith.constant 0 : i32
    %dma_wait3A_163 = tpu.memref_slice %arg2[%dma_wait3A_161, %dma_wait3A_162] : memref<5120x1024xf32, #tpu.memory_space<hbm>> -> memref<5120x1024xf32, #tpu.memory_space<hbm>>
    tpu.wait_indirect_dma semaphore(%arg9 : memref<!tpu.dma_semaphore, #tpu.memory_space<semaphore_mem>>) src(%dma_wait3A_163 : memref<5120x1024xf32, #tpu.memory_space<hbm>>) dst(%dma_wait3A_157 : memref<16x1024xf32, #tpu.memory_space<vmem>>)
    %scan3A_164 = arith.constant 0 : i32
    %scan3A_165 = arith.constant 0 : i32
    %scan3A_166 = arith.constant 1024 : i32
    %scan3A_167 = arith.addi %scan3A_165, %scan3A_166 : i32
    %scan3A_168 = arith.constant 8 : i32
    scf.for %scan3A_344 = %scan3A_165 to %scan3A_167 step %scan3A_168  : i32 {
      %shift_right_arithmetic3A = arith.constant 6 : i32
      %shift_right_arithmetic3A_345 = arith.shrsi %scan3A_344, %shift_right_arithmetic3A : i32
      %and3A = arith.constant 63 : i32
      %and3A_346 = arith.andi %scan3A_344, %and3A : i32
      %mul3A_347 = arith.constant 16 : i32
      %mul3A_348 = arith.muli %and3A_346, %mul3A_347 : i32
      %get3A = arith.constant 1 : i32
      %get3A_349 = arith.index_cast %get3A : i32 to index
      %get3A_350 = arith.index_cast %shift_right_arithmetic3A_345 : i32 to index
      %get3A_351 = arith.index_cast %mul3A_348 : i32 to index
      %get3A_352 = tpu.vector_load %arg6[%get3A_349, %get3A_350, %get3A_351] {strides = array<i32>} : memref<2x16x1024xf32, #tpu.memory_space<vmem>>, vector<1x1x16xf32>,
      %get3A_353 = vector.shape_cast %get3A_352 : vector<1x1x16xf32> to vector<16xf32>
      %get3A_354 = arith.constant 1 : i32
      %get3A_355 = arith.index_cast %get3A_354 : i32 to index
      %get3A_356 = arith.index_cast %shift_right_arithmetic3A_345 : i32 to index
      %get3A_357 = arith.index_cast %mul3A_348 : i32 to index
      %get3A_358 = tpu.vector_load %arg7[%get3A_355, %get3A_356, %get3A_357] {strides = array<i32>} : memref<2x16x1024xf32, #tpu.memory_space<vmem>>, vector<1x1x16xf32>,
      %get3A_359 = vector.shape_cast %get3A_358 : vector<1x1x16xf32> to vector<16xf32>
      %add3A_360 = arith.addf %get3A_353, %get3A_359 : vector<16xf32>
      %swap3A = arith.constant 1 : i32
      %swap3A_361 = arith.index_cast %swap3A : i32 to index
      %swap3A_362 = arith.index_cast %shift_right_arithmetic3A_345 : i32 to index
      %swap3A_363 = arith.index_cast %mul3A_348 : i32 to index
      %swap3A_364 = tpu.vector_load %arg6[%swap3A_361, %swap3A_362, %swap3A_363] {strides = array<i32>} : memref<2x16x1024xf32, #tpu.memory_space<vmem>>, vector<1x1x16xf32>,
      %swap3A_365 = vector.shape_cast %swap3A_364 : vector<1x1x16xf32> to vector<16xf32>
      %swap3A_366 = vector.shape_cast %add3A_360 : vector<16xf32> to vector<1x1x16xf32>
      tpu.vector_store %arg6[%swap3A_361, %swap3A_362, %swap3A_363], %swap3A_366 {strides = array<i32>} : memref<2x16x1024xf32, #tpu.memory_space<vmem>>, vector<1x1x16xf32>,
      %scan3A_367 = arith.constant 1 : i32
      %scan3A_368 = arith.addi %scan3A_344, %scan3A_367 : i32
      %shift_right_arithmetic3A_369 = arith.constant 6 : i32
      %shift_right_arithmetic3A_370 = arith.shrsi %scan3A_368, %shift_right_arithmetic3A_369 : i32
      %and3A_371 = arith.constant 63 : i32
      %and3A_372 = arith.andi %scan3A_368, %and3A_371 : i32
      %mul3A_373 = arith.constant 16 : i32
      %mul3A_374 = arith.muli %and3A_372, %mul3A_373 : i32
      %get3A_375 = arith.constant 1 : i32
      %get3A_376 = arith.index_cast %get3A_375 : i32 to index
      %get3A_377 = arith.index_cast %shift_right_arithmetic3A_370 : i32 to index
      %get3A_378 = arith.index_cast %mul3A_374 : i32 to index
      %get3A_379 = tpu.vector_load %arg6[%get3A_376, %get3A_377, %get3A_378] {strides = array<i32>} : memref<2x16x1024xf32, #tpu.memory_space<vmem>>, vector<1x1x16xf32>,
      %get3A_380 = vector.shape_cast %get3A_379 : vector<1x1x16xf32> to vector<16xf32>
      %get3A_381 = arith.constant 1 : i32
      %get3A_382 = arith.index_cast %get3A_381 : i32 to index
      %get3A_383 = arith.index_cast %shift_right_arithmetic3A_370 : i32 to index
      %get3A_384 = arith.index_cast %mul3A_374 : i32 to index
      %get3A_385 = tpu.vector_load %arg7[%get3A_382, %get3A_383, %get3A_384] {strides = array<i32>} : memref<2x16x1024xf32, #tpu.memory_space<vmem>>, vector<1x1x16xf32>,
      %get3A_386 = vector.shape_cast %get3A_385 : vector<1x1x16xf32> to vector<16xf32>
      %add3A_387 = arith.addf %get3A_380, %get3A_386 : vector<16xf32>
      %swap3A_388 = arith.constant 1 : i32
      %swap3A_389 = arith.index_cast %swap3A_388 : i32 to index
      %swap3A_390 = arith.index_cast %shift_right_arithmetic3A_370 : i32 to index
      %swap3A_391 = arith.index_cast %mul3A_374 : i32 to index
      %swap3A_392 = tpu.vector_load %arg6[%swap3A_389, %swap3A_390, %swap3A_391] {strides = array<i32>} : memref<2x16x1024xf32, #tpu.memory_space<vmem>>, vector<1x1x16xf32>,
      %swap3A_393 = vector.shape_cast %swap3A_392 : vector<1x1x16xf32> to vector<16xf32>
      %swap3A_394 = vector.shape_cast %add3A_387 : vector<16xf32> to vector<1x1x16xf32>
      tpu.vector_store %arg6[%swap3A_389, %swap3A_390, %swap3A_391], %swap3A_394 {strides = array<i32>} : memref<2x16x1024xf32, #tpu.memory_space<vmem>>, vector<1x1x16xf32>,
      %scan3A_395 = arith.constant 2 : i32
      %scan3A_396 = arith.addi %scan3A_344, %scan3A_395 : i32
      %shift_right_arithmetic3A_397 = arith.constant 6 : i32
      %shift_right_arithmetic3A_398 = arith.shrsi %scan3A_396, %shift_right_arithmetic3A_397 : i32
      %and3A_399 = arith.constant 63 : i32
      %and3A_400 = arith.andi %scan3A_396, %and3A_399 : i32
      %mul3A_401 = arith.constant 16 : i32
      %mul3A_402 = arith.muli %and3A_400, %mul3A_401 : i32
      %get3A_403 = arith.constant 1 : i32
      %get3A_404 = arith.index_cast %get3A_403 : i32 to index
      %get3A_405 = arith.index_cast %shift_right_arithmetic3A_398 : i32 to index
      %get3A_406 = arith.index_cast %mul3A_402 : i32 to index
      %get3A_407 = tpu.vector_load %arg6[%get3A_404, %get3A_405, %get3A_406] {strides = array<i32>} : memref<2x16x1024xf32, #tpu.memory_space<vmem>>, vector<1x1x16xf32>,
      %get3A_408 = vector.shape_cast %get3A_407 : vector<1x1x16xf32> to vector<16xf32>
      %get3A_409 = arith.constant 1 : i32
      %get3A_410 = arith.index_cast %get3A_409 : i32 to index
      %get3A_411 = arith.index_cast %shift_right_arithmetic3A_398 : i32 to index
      %get3A_412 = arith.index_cast %mul3A_402 : i32 to index
      %get3A_413 = tpu.vector_load %arg7[%get3A_410, %get3A_411, %get3A_412] {strides = array<i32>} : memref<2x16x1024xf32, #tpu.memory_space<vmem>>, vector<1x1x16xf32>,
      %get3A_414 = vector.shape_cast %get3A_413 : vector<1x1x16xf32> to vector<16xf32>
      %add3A_415 = arith.addf %get3A_408, %get3A_414 : vector<16xf32>
      %swap3A_416 = arith.constant 1 : i32
      %swap3A_417 = arith.index_cast %swap3A_416 : i32 to index
      %swap3A_418 = arith.index_cast %shift_right_arithmetic3A_398 : i32 to index
      %swap3A_419 = arith.index_cast %mul3A_402 : i32 to index
      %swap3A_420 = tpu.vector_load %arg6[%swap3A_417, %swap3A_418, %swap3A_419] {strides = array<i32>} : memref<2x16x1024xf32, #tpu.memory_space<vmem>>, vector<1x1x16xf32>,
      %swap3A_421 = vector.shape_cast %swap3A_420 : vector<1x1x16xf32> to vector<16xf32>
      %swap3A_422 = vector.shape_cast %add3A_415 : vector<16xf32> to vector<1x1x16xf32>
      tpu.vector_store %arg6[%swap3A_417, %swap3A_418, %swap3A_419], %swap3A_422 {strides = array<i32>} : memref<2x16x1024xf32, #tpu.memory_space<vmem>>, vector<1x1x16xf32>,
      %scan3A_423 = arith.constant 3 : i32
      %scan3A_424 = arith.addi %scan3A_344, %scan3A_423 : i32
      %shift_right_arithmetic3A_425 = arith.constant 6 : i32
      %shift_right_arithmetic3A_426 = arith.shrsi %scan3A_424, %shift_right_arithmetic3A_425 : i32
      %and3A_427 = arith.constant 63 : i32
      %and3A_428 = arith.andi %scan3A_424, %and3A_427 : i32
      %mul3A_429 = arith.constant 16 : i32
      %mul3A_430 = arith.muli %and3A_428, %mul3A_429 : i32
      %get3A_431 = arith.constant 1 : i32
      %get3A_432 = arith.index_cast %get3A_431 : i32 to index
      %get3A_433 = arith.index_cast %shift_right_arithmetic3A_426 : i32 to index
      %get3A_434 = arith.index_cast %mul3A_430 : i32 to index
      %get3A_435 = tpu.vector_load %arg6[%get3A_432, %get3A_433, %get3A_434] {strides = array<i32>} : memref<2x16x1024xf32, #tpu.memory_space<vmem>>, vector<1x1x16xf32>,
      %get3A_436 = vector.shape_cast %get3A_435 : vector<1x1x16xf32> to vector<16xf32>
      %get3A_437 = arith.constant 1 : i32
      %get3A_438 = arith.index_cast %get3A_437 : i32 to index
      %get3A_439 = arith.index_cast %shift_right_arithmetic3A_426 : i32 to index
      %get3A_440 = arith.index_cast %mul3A_430 : i32 to index
      %get3A_441 = tpu.vector_load %arg7[%get3A_438, %get3A_439, %get3A_440] {strides = array<i32>} : memref<2x16x1024xf32, #tpu.memory_space<vmem>>, vector<1x1x16xf32>,
      %get3A_442 = vector.shape_cast %get3A_441 : vector<1x1x16xf32> to vector<16xf32>
      %add3A_443 = arith.addf %get3A_436, %get3A_442 : vector<16xf32>
      %swap3A_444 = arith.constant 1 : i32
      %swap3A_445 = arith.index_cast %swap3A_444 : i32 to index
      %swap3A_446 = arith.index_cast %shift_right_arithmetic3A_426 : i32 to index
      %swap3A_447 = arith.index_cast %mul3A_430 : i32 to index
      %swap3A_448 = tpu.vector_load %arg6[%swap3A_445, %swap3A_446, %swap3A_447] {strides = array<i32>} : memref<2x16x1024xf32, #tpu.memory_space<vmem>>, vector<1x1x16xf32>,
      %swap3A_449 = vector.shape_cast %swap3A_448 : vector<1x1x16xf32> to vector<16xf32>
      %swap3A_450 = vector.shape_cast %add3A_443 : vector<16xf32> to vector<1x1x16xf32>
      tpu.vector_store %arg6[%swap3A_445, %swap3A_446, %swap3A_447], %swap3A_450 {strides = array<i32>} : memref<2x16x1024xf32, #tpu.memory_space<vmem>>, vector<1x1x16xf32>,
      %scan3A_451 = arith.constant 4 : i32
      %scan3A_452 = arith.addi %scan3A_344, %scan3A_451 : i32
      %shift_right_arithmetic3A_453 = arith.constant 6 : i32
      %shift_right_arithmetic3A_454 = arith.shrsi %scan3A_452, %shift_right_arithmetic3A_453 : i32
      %and3A_455 = arith.constant 63 : i32
      %and3A_456 = arith.andi %scan3A_452, %and3A_455 : i32
      %mul3A_457 = arith.constant 16 : i32
      %mul3A_458 = arith.muli %and3A_456, %mul3A_457 : i32
      %get3A_459 = arith.constant 1 : i32
      %get3A_460 = arith.index_cast %get3A_459 : i32 to index
      %get3A_461 = arith.index_cast %shift_right_arithmetic3A_454 : i32 to index
      %get3A_462 = arith.index_cast %mul3A_458 : i32 to index
      %get3A_463 = tpu.vector_load %arg6[%get3A_460, %get3A_461, %get3A_462] {strides = array<i32>} : memref<2x16x1024xf32, #tpu.memory_space<vmem>>, vector<1x1x16xf32>,
      %get3A_464 = vector.shape_cast %get3A_463 : vector<1x1x16xf32> to vector<16xf32>
      %get3A_465 = arith.constant 1 : i32
      %get3A_466 = arith.index_cast %get3A_465 : i32 to index
      %get3A_467 = arith.index_cast %shift_right_arithmetic3A_454 : i32 to index
      %get3A_468 = arith.index_cast %mul3A_458 : i32 to index
      %get3A_469 = tpu.vector_load %arg7[%get3A_466, %get3A_467, %get3A_468] {strides = array<i32>} : memref<2x16x1024xf32, #tpu.memory_space<vmem>>, vector<1x1x16xf32>,
      %get3A_470 = vector.shape_cast %get3A_469 : vector<1x1x16xf32> to vector<16xf32>
      %add3A_471 = arith.addf %get3A_464, %get3A_470 : vector<16xf32>
      %swap3A_472 = arith.constant 1 : i32
      %swap3A_473 = arith.index_cast %swap3A_472 : i32 to index
      %swap3A_474 = arith.index_cast %shift_right_arithmetic3A_454 : i32 to index
      %swap3A_475 = arith.index_cast %mul3A_458 : i32 to index
      %swap3A_476 = tpu.vector_load %arg6[%swap3A_473, %swap3A_474, %swap3A_475] {strides = array<i32>} : memref<2x16x1024xf32, #tpu.memory_space<vmem>>, vector<1x1x16xf32>,
      %swap3A_477 = vector.shape_cast %swap3A_476 : vector<1x1x16xf32> to vector<16xf32>
      %swap3A_478 = vector.shape_cast %add3A_471 : vector<16xf32> to vector<1x1x16xf32>
      tpu.vector_store %arg6[%swap3A_473, %swap3A_474, %swap3A_475], %swap3A_478 {strides = array<i32>} : memref<2x16x1024xf32, #tpu.memory_space<vmem>>, vector<1x1x16xf32>,
      %scan3A_479 = arith.constant 5 : i32
      %scan3A_480 = arith.addi %scan3A_344, %scan3A_479 : i32
      %shift_right_arithmetic3A_481 = arith.constant 6 : i32
      %shift_right_arithmetic3A_482 = arith.shrsi %scan3A_480, %shift_right_arithmetic3A_481 : i32
      %and3A_483 = arith.constant 63 : i32
      %and3A_484 = arith.andi %scan3A_480, %and3A_483 : i32
      %mul3A_485 = arith.constant 16 : i32
      %mul3A_486 = arith.muli %and3A_484, %mul3A_485 : i32
      %get3A_487 = arith.constant 1 : i32
      %get3A_488 = arith.index_cast %get3A_487 : i32 to index
      %get3A_489 = arith.index_cast %shift_right_arithmetic3A_482 : i32 to index
      %get3A_490 = arith.index_cast %mul3A_486 : i32 to index
      %get3A_491 = tpu.vector_load %arg6[%get3A_488, %get3A_489, %get3A_490] {strides = array<i32>} : memref<2x16x1024xf32, #tpu.memory_space<vmem>>, vector<1x1x16xf32>,
      %get3A_492 = vector.shape_cast %get3A_491 : vector<1x1x16xf32> to vector<16xf32>
      %get3A_493 = arith.constant 1 : i32
      %get3A_494 = arith.index_cast %get3A_493 : i32 to index
      %get3A_495 = arith.index_cast %shift_right_arithmetic3A_482 : i32 to index
      %get3A_496 = arith.index_cast %mul3A_486 : i32 to index
      %get3A_497 = tpu.vector_load %arg7[%get3A_494, %get3A_495, %get3A_496] {strides = array<i32>} : memref<2x16x1024xf32, #tpu.memory_space<vmem>>, vector<1x1x16xf32>,
      %get3A_498 = vector.shape_cast %get3A_497 : vector<1x1x16xf32> to vector<16xf32>
      %add3A_499 = arith.addf %get3A_492, %get3A_498 : vector<16xf32>
      %swap3A_500 = arith.constant 1 : i32
      %swap3A_501 = arith.index_cast %swap3A_500 : i32 to index
      %swap3A_502 = arith.index_cast %shift_right_arithmetic3A_482 : i32 to index
      %swap3A_503 = arith.index_cast %mul3A_486 : i32 to index
      %swap3A_504 = tpu.vector_load %arg6[%swap3A_501, %swap3A_502, %swap3A_503] {strides = array<i32>} : memref<2x16x1024xf32, #tpu.memory_space<vmem>>, vector<1x1x16xf32>,
      %swap3A_505 = vector.shape_cast %swap3A_504 : vector<1x1x16xf32> to vector<16xf32>
      %swap3A_506 = vector.shape_cast %add3A_499 : vector<16xf32> to vector<1x1x16xf32>
      tpu.vector_store %arg6[%swap3A_501, %swap3A_502, %swap3A_503], %swap3A_506 {strides = array<i32>} : memref<2x16x1024xf32, #tpu.memory_space<vmem>>, vector<1x1x16xf32>,
      %scan3A_507 = arith.constant 6 : i32
      %scan3A_508 = arith.addi %scan3A_344, %scan3A_507 : i32
      %shift_right_arithmetic3A_509 = arith.constant 6 : i32
      %shift_right_arithmetic3A_510 = arith.shrsi %scan3A_508, %shift_right_arithmetic3A_509 : i32
      %and3A_511 = arith.constant 63 : i32
      %and3A_512 = arith.andi %scan3A_508, %and3A_511 : i32
      %mul3A_513 = arith.constant 16 : i32
      %mul3A_514 = arith.muli %and3A_512, %mul3A_513 : i32
      %get3A_515 = arith.constant 1 : i32
      %get3A_516 = arith.index_cast %get3A_515 : i32 to index
      %get3A_517 = arith.index_cast %shift_right_arithmetic3A_510 : i32 to index
      %get3A_518 = arith.index_cast %mul3A_514 : i32 to index
      %get3A_519 = tpu.vector_load %arg6[%get3A_516, %get3A_517, %get3A_518] {strides = array<i32>} : memref<2x16x1024xf32, #tpu.memory_space<vmem>>, vector<1x1x16xf32>,
      %get3A_520 = vector.shape_cast %get3A_519 : vector<1x1x16xf32> to vector<16xf32>
      %get3A_521 = arith.constant 1 : i32
      %get3A_522 = arith.index_cast %get3A_521 : i32 to index
      %get3A_523 = arith.index_cast %shift_right_arithmetic3A_510 : i32 to index
      %get3A_524 = arith.index_cast %mul3A_514 : i32 to index
      %get3A_525 = tpu.vector_load %arg7[%get3A_522, %get3A_523, %get3A_524] {strides = array<i32>} : memref<2x16x1024xf32, #tpu.memory_space<vmem>>, vector<1x1x16xf32>,
      %get3A_526 = vector.shape_cast %get3A_525 : vector<1x1x16xf32> to vector<16xf32>
      %add3A_527 = arith.addf %get3A_520, %get3A_526 : vector<16xf32>
      %swap3A_528 = arith.constant 1 : i32
      %swap3A_529 = arith.index_cast %swap3A_528 : i32 to index
      %swap3A_530 = arith.index_cast %shift_right_arithmetic3A_510 : i32 to index
      %swap3A_531 = arith.index_cast %mul3A_514 : i32 to index
      %swap3A_532 = tpu.vector_load %arg6[%swap3A_529, %swap3A_530, %swap3A_531] {strides = array<i32>} : memref<2x16x1024xf32, #tpu.memory_space<vmem>>, vector<1x1x16xf32>,
      %swap3A_533 = vector.shape_cast %swap3A_532 : vector<1x1x16xf32> to vector<16xf32>
      %swap3A_534 = vector.shape_cast %add3A_527 : vector<16xf32> to vector<1x1x16xf32>
      tpu.vector_store %arg6[%swap3A_529, %swap3A_530, %swap3A_531], %swap3A_534 {strides = array<i32>} : memref<2x16x1024xf32, #tpu.memory_space<vmem>>, vector<1x1x16xf32>,
      %scan3A_535 = arith.constant 7 : i32
      %scan3A_536 = arith.addi %scan3A_344, %scan3A_535 : i32
      %shift_right_arithmetic3A_537 = arith.constant 6 : i32
      %shift_right_arithmetic3A_538 = arith.shrsi %scan3A_536, %shift_right_arithmetic3A_537 : i32
      %and3A_539 = arith.constant 63 : i32
      %and3A_540 = arith.andi %scan3A_536, %and3A_539 : i32
      %mul3A_541 = arith.constant 16 : i32
      %mul3A_542 = arith.muli %and3A_540, %mul3A_541 : i32
      %get3A_543 = arith.constant 1 : i32
      %get3A_544 = arith.index_cast %get3A_543 : i32 to index
      %get3A_545 = arith.index_cast %shift_right_arithmetic3A_538 : i32 to index
      %get3A_546 = arith.index_cast %mul3A_542 : i32 to index
      %get3A_547 = tpu.vector_load %arg6[%get3A_544, %get3A_545, %get3A_546] {strides = array<i32>} : memref<2x16x1024xf32, #tpu.memory_space<vmem>>, vector<1x1x16xf32>,
      %get3A_548 = vector.shape_cast %get3A_547 : vector<1x1x16xf32> to vector<16xf32>
      %get3A_549 = arith.constant 1 : i32
      %get3A_550 = arith.index_cast %get3A_549 : i32 to index
      %get3A_551 = arith.index_cast %shift_right_arithmetic3A_538 : i32 to index
      %get3A_552 = arith.index_cast %mul3A_542 : i32 to index
      %get3A_553 = tpu.vector_load %arg7[%get3A_550, %get3A_551, %get3A_552] {strides = array<i32>} : memref<2x16x1024xf32, #tpu.memory_space<vmem>>, vector<1x1x16xf32>,
      %get3A_554 = vector.shape_cast %get3A_553 : vector<1x1x16xf32> to vector<16xf32>
      %add3A_555 = arith.addf %get3A_548, %get3A_554 : vector<16xf32>
      %swap3A_556 = arith.constant 1 : i32
      %swap3A_557 = arith.index_cast %swap3A_556 : i32 to index
      %swap3A_558 = arith.index_cast %shift_right_arithmetic3A_538 : i32 to index
      %swap3A_559 = arith.index_cast %mul3A_542 : i32 to index
      %swap3A_560 = tpu.vector_load %arg6[%swap3A_557, %swap3A_558, %swap3A_559] {strides = array<i32>} : memref<2x16x1024xf32, #tpu.memory_space<vmem>>, vector<1x1x16xf32>,
      %swap3A_561 = vector.shape_cast %swap3A_560 : vector<1x1x16xf32> to vector<16xf32>
      %swap3A_562 = vector.shape_cast %add3A_555 : vector<16xf32> to vector<1x1x16xf32>
      tpu.vector_store %arg6[%swap3A_557, %swap3A_558, %swap3A_559], %swap3A_562 {strides = array<i32>} : memref<2x16x1024xf32, #tpu.memory_space<vmem>>, vector<1x1x16xf32>,
    }
    %scan3A_169 = arith.constant 1024 : i32
    %add3A_170 = arith.constant 16 : i32
    %add3A_171 = arith.addi %mul3A_2, %add3A_170 : i32
    %dma_start3A_172 = arith.constant 1 : i32
    %dma_start3A_173 = arith.constant 0 : i32
    %dma_start3A_174 = arith.constant 0 : i32
    %dma_start3A_175 = tpu.memref_slice %arg6[%dma_start3A_172, %dma_start3A_173, %dma_start3A_174] : memref<2x16x1024xf32, #tpu.memory_space<vmem>> -> memref<1x16x1024xf32, #tpu.memory_space<vmem>>
    %dma_start3A_176 = tpu.memref_squeeze %dma_start3A_175 : memref<1x16x1024xf32, #tpu.memory_space<vmem>> -> memref<16x1024xf32, #tpu.memory_space<vmem>>
    %dma_start3A_177 = arith.constant 0 : i32
    %dma_start3A_178 = tpu.memref_slice %arg4[%add3A_171, %dma_start3A_177] : memref<2048x1024xf32, #tpu.memory_space<hbm>> -> memref<16x1024xf32, #tpu.memory_space<hbm>>
    %dma_start3A_179 = arith.constant 0 : i32
    %dma_start3A_180 = tpu.memref_slice %arg4[%add3A_171, %dma_start3A_179] : memref<2048x1024xf32, #tpu.memory_space<hbm>> -> memref<16x1024xf32, #tpu.memory_space<hbm>>
    %dma_start3A_181 = arith.constant 0 : i32
    %dma_start3A_182 = arith.constant 0 : i32
    %dma_start3A_183 = tpu.memref_slice %arg6[%dma_start3A_172, %dma_start3A_181, %dma_start3A_182] : memref<2x16x1024xf32, #tpu.memory_space<vmem>> -> memref<1x16x1024xf32, #tpu.memory_space<vmem>>
    %dma_start3A_184 = tpu.memref_squeeze %dma_start3A_183 : memref<1x16x1024xf32, #tpu.memory_space<vmem>> -> memref<16x1024xf32, #tpu.memory_space<vmem>>
    tpu.enqueue_dma source(%dma_start3A_184 : memref<16x1024xf32, #tpu.memory_space<vmem>>) target(%dma_start3A_180 : memref<16x1024xf32, #tpu.memory_space<hbm>>) target_semaphore(%arg10 : memref<!tpu.dma_semaphore, #tpu.memory_space<semaphore_mem>>)
    %dma_wait3A_185 = arith.constant 1 : i32
    %dma_wait3A_186 = arith.constant 0 : i32
    %dma_wait3A_187 = arith.constant 0 : i32
    %dma_wait3A_188 = tpu.memref_slice %arg6[%dma_wait3A_185, %dma_wait3A_186, %dma_wait3A_187] : memref<2x16x1024xf32, #tpu.memory_space<vmem>> -> memref<1x16x1024xf32, #tpu.memory_space<vmem>>
    %dma_wait3A_189 = tpu.memref_squeeze %dma_wait3A_188 : memref<1x16x1024xf32, #tpu.memory_space<vmem>> -> memref<16x1024xf32, #tpu.memory_space<vmem>>
    %dma_wait3A_190 = arith.constant 0 : i32
    %dma_wait3A_191 = tpu.memref_slice %arg4[%add3A_171, %dma_wait3A_190] : memref<2048x1024xf32, #tpu.memory_space<hbm>> -> memref<16x1024xf32, #tpu.memory_space<hbm>>
    %dma_wait3A_192 = arith.constant 0 : i32
    %dma_wait3A_193 = tpu.memref_slice %arg4[%add3A_171, %dma_wait3A_192] : memref<2048x1024xf32, #tpu.memory_space<hbm>> -> memref<16x1024xf32, #tpu.memory_space<hbm>>
    %dma_wait3A_194 = arith.constant 0 : i32
    %dma_wait3A_195 = arith.constant 0 : i32
    %dma_wait3A_196 = tpu.memref_slice %arg6[%dma_wait3A_185, %dma_wait3A_194, %dma_wait3A_195] : memref<2x16x1024xf32, #tpu.memory_space<vmem>> -> memref<1x16x1024xf32, #tpu.memory_space<vmem>>
    %dma_wait3A_197 = tpu.memref_squeeze %dma_wait3A_196 : memref<1x16x1024xf32, #tpu.memory_space<vmem>> -> memref<16x1024xf32, #tpu.memory_space<vmem>>
    tpu.wait_dma2 semaphore(%arg10 : memref<!tpu.dma_semaphore, #tpu.memory_space<semaphore_mem>>) src(%dma_wait3A_197 : memref<16x1024xf32, #tpu.memory_space<vmem>>) dst(%dma_wait3A_193 : memref<16x1024xf32, #tpu.memory_space<hbm>>)
    %dma_start3A_198 = arith.constant 0 : i32
    %dma_start3A_199 = arith.constant 3 : i32
    %dma_start3A_200 = arith.constant 1 : i32
    %dma_start3A_201 = arith.constant 0 : i32
    %dma_start3A_202 = arith.constant 0 : i32
    %dma_start3A_203 = tpu.memref_slice %arg6[%dma_start3A_200, %dma_start3A_201, %dma_start3A_202] : memref<2x16x1024xf32, #tpu.memory_space<vmem>> -> memref<1x16x1024xf32, #tpu.memory_space<vmem>>
    %dma_start3A_204 = tpu.memref_squeeze %dma_start3A_203 : memref<1x16x1024xf32, #tpu.memory_space<vmem>> -> memref<16x1024xf32, #tpu.memory_space<vmem>>
    %dma_start3A_205 = arith.constant 0 : i32
    %dma_start3A_206 = tpu.memref_slice %arg5[%dma_start3A_198, %dma_start3A_199, %dma_start3A_205] : memref<2x4x16xi32, #tpu.memory_space<vmem>> -> memref<1x1x16xi32, #tpu.memory_space<vmem>>
    %dma_start3A_207 = tpu.memref_squeeze %dma_start3A_206 : memref<1x1x16xi32, #tpu.memory_space<vmem>> -> memref<16xi32, #tpu.memory_space<vmem>>
    %dma_start3A_208 = arith.constant 0 : i32
    %dma_start3A_209 = arith.constant 0 : i32
    %dma_start3A_210 = tpu.memref_slice %arg2[%dma_start3A_208, %dma_start3A_209] : memref<5120x1024xf32, #tpu.memory_space<hbm>> -> memref<5120x1024xf32, #tpu.memory_space<hbm>>
    tpu.enqueue_indirect_dma source(%dma_start3A_210 : memref<5120x1024xf32, #tpu.memory_space<hbm>>) target(%dma_start3A_204 : memref<16x1024xf32, #tpu.memory_space<vmem>>) offsets(%dma_start3A_207 : memref<16xi32, #tpu.memory_space<vmem>>) semaphore(%arg8 : memref<!tpu.dma_semaphore, #tpu.memory_space<semaphore_mem>>)
    %dma_start3A_211 = arith.constant 1 : i32
    %dma_start3A_212 = arith.constant 3 : i32
    %dma_start3A_213 = arith.constant 1 : i32
    %dma_start3A_214 = arith.constant 0 : i32
    %dma_start3A_215 = arith.constant 0 : i32
    %dma_start3A_216 = tpu.memref_slice %arg7[%dma_start3A_213, %dma_start3A_214, %dma_start3A_215] : memref<2x16x1024xf32, #tpu.memory_space<vmem>> -> memref<1x16x1024xf32, #tpu.memory_space<vmem>>
    %dma_start3A_217 = tpu.memref_squeeze %dma_start3A_216 : memref<1x16x1024xf32, #tpu.memory_space<vmem>> -> memref<16x1024xf32, #tpu.memory_space<vmem>>
    %dma_start3A_218 = arith.constant 0 : i32
    %dma_start3A_219 = tpu.memref_slice %arg5[%dma_start3A_211, %dma_start3A_212, %dma_start3A_218] : memref<2x4x16xi32, #tpu.memory_space<vmem>> -> memref<1x1x16xi32, #tpu.memory_space<vmem>>
    %dma_start3A_220 = tpu.memref_squeeze %dma_start3A_219 : memref<1x1x16xi32, #tpu.memory_space<vmem>> -> memref<16xi32, #tpu.memory_space<vmem>>
    %dma_start3A_221 = arith.constant 0 : i32
    %dma_start3A_222 = arith.constant 0 : i32
    %dma_start3A_223 = tpu.memref_slice %arg2[%dma_start3A_221, %dma_start3A_222] : memref<5120x1024xf32, #tpu.memory_space<hbm>> -> memref<5120x1024xf32, #tpu.memory_space<hbm>>
    tpu.enqueue_indirect_dma source(%dma_start3A_223 : memref<5120x1024xf32, #tpu.memory_space<hbm>>) target(%dma_start3A_217 : memref<16x1024xf32, #tpu.memory_space<vmem>>) offsets(%dma_start3A_220 : memref<16xi32, #tpu.memory_space<vmem>>) semaphore(%arg9 : memref<!tpu.dma_semaphore, #tpu.memory_space<semaphore_mem>>)
    %dma_wait3A_224 = arith.constant 0 : i32
    %dma_wait3A_225 = arith.constant 2 : i32
    %dma_wait3A_226 = arith.constant 0 : i32
    %dma_wait3A_227 = arith.constant 0 : i32
    %dma_wait3A_228 = arith.constant 0 : i32
    %dma_wait3A_229 = tpu.memref_slice %arg6[%dma_wait3A_226, %dma_wait3A_227, %dma_wait3A_228] : memref<2x16x1024xf32, #tpu.memory_space<vmem>> -> memref<1x16x1024xf32, #tpu.memory_space<vmem>>
    %dma_wait3A_230 = tpu.memref_squeeze %dma_wait3A_229 : memref<1x16x1024xf32, #tpu.memory_space<vmem>> -> memref<16x1024xf32, #tpu.memory_space<vmem>>
    %dma_wait3A_231 = arith.constant 0 : i32
    %dma_wait3A_232 = tpu.memref_slice %arg5[%dma_wait3A_224, %dma_wait3A_225, %dma_wait3A_231] : memref<2x4x16xi32, #tpu.memory_space<vmem>> -> memref<1x1x16xi32, #tpu.memory_space<vmem>>
    %dma_wait3A_233 = tpu.memref_squeeze %dma_wait3A_232 : memref<1x1x16xi32, #tpu.memory_space<vmem>> -> memref<16xi32, #tpu.memory_space<vmem>>
    %dma_wait3A_234 = arith.constant 0 : i32
    %dma_wait3A_235 = arith.constant 0 : i32
    %dma_wait3A_236 = tpu.memref_slice %arg2[%dma_wait3A_234, %dma_wait3A_235] : memref<5120x1024xf32, #tpu.memory_space<hbm>> -> memref<5120x1024xf32, #tpu.memory_space<hbm>>
    tpu.wait_indirect_dma semaphore(%arg8 : memref<!tpu.dma_semaphore, #tpu.memory_space<semaphore_mem>>) src(%dma_wait3A_236 : memref<5120x1024xf32, #tpu.memory_space<hbm>>) dst(%dma_wait3A_230 : memref<16x1024xf32, #tpu.memory_space<vmem>>)
    %dma_wait3A_237 = arith.constant 1 : i32
    %dma_wait3A_238 = arith.constant 2 : i32
    %dma_wait3A_239 = arith.constant 0 : i32
    %dma_wait3A_240 = arith.constant 0 : i32
    %dma_wait3A_241 = arith.constant 0 : i32
    %dma_wait3A_242 = tpu.memref_slice %arg7[%dma_wait3A_239, %dma_wait3A_240, %dma_wait3A_241] : memref<2x16x1024xf32, #tpu.memory_space<vmem>> -> memref<1x16x1024xf32, #tpu.memory_space<vmem>>
    %dma_wait3A_243 = tpu.memref_squeeze %dma_wait3A_242 : memref<1x16x1024xf32, #tpu.memory_space<vmem>> -> memref<16x1024xf32, #tpu.memory_space<vmem>>
    %dma_wait3A_244 = arith.constant 0 : i32
    %dma_wait3A_245 = tpu.memref_slice %arg5[%dma_wait3A_237, %dma_wait3A_238, %dma_wait3A_244] : memref<2x4x16xi32, #tpu.memory_space<vmem>> -> memref<1x1x16xi32, #tpu.memory_space<vmem>>
    %dma_wait3A_246 = tpu.memref_squeeze %dma_wait3A_245 : memref<1x1x16xi32, #tpu.memory_space<vmem>> -> memref<16xi32, #tpu.memory_space<vmem>>
    %dma_wait3A_247 = arith.constant 0 : i32
    %dma_wait3A_248 = arith.constant 0 : i32
    %dma_wait3A_249 = tpu.memref_slice %arg2[%dma_wait3A_247, %dma_wait3A_248] : memref<5120x1024xf32, #tpu.memory_space<hbm>> -> memref<5120x1024xf32, #tpu.memory_space<hbm>>
    tpu.wait_indirect_dma semaphore(%arg9 : memref<!tpu.dma_semaphore, #tpu.memory_space<semaphore_mem>>) src(%dma_wait3A_249 : memref<5120x1024xf32, #tpu.memory_space<hbm>>) dst(%dma_wait3A_243 : memref<16x1024xf32, #tpu.memory_space<vmem>>)
    %scan3A_250 = arith.constant 0 : i32
    %scan3A_251 = arith.constant 0 : i32
    %scan3A_252 = arith.constant 1024 : i32
    %scan3A_253 = arith.addi %scan3A_251, %scan3A_252 : i32
    %scan3A_254 = arith.constant 8 : i32
    scf.for %scan3A_344 = %scan3A_251 to %scan3A_253 step %scan3A_254  : i32 {
      %shift_right_arithmetic3A = arith.constant 6 : i32
      %shift_right_arithmetic3A_345 = arith.shrsi %scan3A_344, %shift_right_arithmetic3A : i32
      %and3A = arith.constant 63 : i32
      %and3A_346 = arith.andi %scan3A_344, %and3A : i32
      %mul3A_347 = arith.constant 16 : i32
      %mul3A_348 = arith.muli %and3A_346, %mul3A_347 : i32
      %get3A = arith.constant 0 : i32
      %get3A_349 = arith.index_cast %get3A : i32 to index
      %get3A_350 = arith.index_cast %shift_right_arithmetic3A_345 : i32 to index
      %get3A_351 = arith.index_cast %mul3A_348 : i32 to index
      %get3A_352 = tpu.vector_load %arg6[%get3A_349, %get3A_350, %get3A_351] {strides = array<i32>} : memref<2x16x1024xf32, #tpu.memory_space<vmem>>, vector<1x1x16xf32>,
      %get3A_353 = vector.shape_cast %get3A_352 : vector<1x1x16xf32> to vector<16xf32>
      %get3A_354 = arith.constant 0 : i32
      %get3A_355 = arith.index_cast %get3A_354 : i32 to index
      %get3A_356 = arith.index_cast %shift_right_arithmetic3A_345 : i32 to index
      %get3A_357 = arith.index_cast %mul3A_348 : i32 to index
      %get3A_358 = tpu.vector_load %arg7[%get3A_355, %get3A_356, %get3A_357] {strides = array<i32>} : memref<2x16x1024xf32, #tpu.memory_space<vmem>>, vector<1x1x16xf32>,
      %get3A_359 = vector.shape_cast %get3A_358 : vector<1x1x16xf32> to vector<16xf32>
      %add3A_360 = arith.addf %get3A_353, %get3A_359 : vector<16xf32>
      %swap3A = arith.constant 0 : i32
      %swap3A_361 = arith.index_cast %swap3A : i32 to index
      %swap3A_362 = arith.index_cast %shift_right_arithmetic3A_345 : i32 to index
      %swap3A_363 = arith.index_cast %mul3A_348 : i32 to index
      %swap3A_364 = tpu.vector_load %arg6[%swap3A_361, %swap3A_362, %swap3A_363] {strides = array<i32>} : memref<2x16x1024xf32, #tpu.memory_space<vmem>>, vector<1x1x16xf32>,
      %swap3A_365 = vector.shape_cast %swap3A_364 : vector<1x1x16xf32> to vector<16xf32>
      %swap3A_366 = vector.shape_cast %add3A_360 : vector<16xf32> to vector<1x1x16xf32>
      tpu.vector_store %arg6[%swap3A_361, %swap3A_362, %swap3A_363], %swap3A_366 {strides = array<i32>} : memref<2x16x1024xf32, #tpu.memory_space<vmem>>, vector<1x1x16xf32>,
      %scan3A_367 = arith.constant 1 : i32
      %scan3A_368 = arith.addi %scan3A_344, %scan3A_367 : i32
      %shift_right_arithmetic3A_369 = arith.constant 6 : i32
      %shift_right_arithmetic3A_370 = arith.shrsi %scan3A_368, %shift_right_arithmetic3A_369 : i32
      %and3A_371 = arith.constant 63 : i32
      %and3A_372 = arith.andi %scan3A_368, %and3A_371 : i32
      %mul3A_373 = arith.constant 16 : i32
      %mul3A_374 = arith.muli %and3A_372, %mul3A_373 : i32
      %get3A_375 = arith.constant 0 : i32
      %get3A_376 = arith.index_cast %get3A_375 : i32 to index
      %get3A_377 = arith.index_cast %shift_right_arithmetic3A_370 : i32 to index
      %get3A_378 = arith.index_cast %mul3A_374 : i32 to index
      %get3A_379 = tpu.vector_load %arg6[%get3A_376, %get3A_377, %get3A_378] {strides = array<i32>} : memref<2x16x1024xf32, #tpu.memory_space<vmem>>, vector<1x1x16xf32>,
      %get3A_380 = vector.shape_cast %get3A_379 : vector<1x1x16xf32> to vector<16xf32>
      %get3A_381 = arith.constant 0 : i32
      %get3A_382 = arith.index_cast %get3A_381 : i32 to index
      %get3A_383 = arith.index_cast %shift_right_arithmetic3A_370 : i32 to index
      %get3A_384 = arith.index_cast %mul3A_374 : i32 to index
      %get3A_385 = tpu.vector_load %arg7[%get3A_382, %get3A_383, %get3A_384] {strides = array<i32>} : memref<2x16x1024xf32, #tpu.memory_space<vmem>>, vector<1x1x16xf32>,
      %get3A_386 = vector.shape_cast %get3A_385 : vector<1x1x16xf32> to vector<16xf32>
      %add3A_387 = arith.addf %get3A_380, %get3A_386 : vector<16xf32>
      %swap3A_388 = arith.constant 0 : i32
      %swap3A_389 = arith.index_cast %swap3A_388 : i32 to index
      %swap3A_390 = arith.index_cast %shift_right_arithmetic3A_370 : i32 to index
      %swap3A_391 = arith.index_cast %mul3A_374 : i32 to index
      %swap3A_392 = tpu.vector_load %arg6[%swap3A_389, %swap3A_390, %swap3A_391] {strides = array<i32>} : memref<2x16x1024xf32, #tpu.memory_space<vmem>>, vector<1x1x16xf32>,
      %swap3A_393 = vector.shape_cast %swap3A_392 : vector<1x1x16xf32> to vector<16xf32>
      %swap3A_394 = vector.shape_cast %add3A_387 : vector<16xf32> to vector<1x1x16xf32>
      tpu.vector_store %arg6[%swap3A_389, %swap3A_390, %swap3A_391], %swap3A_394 {strides = array<i32>} : memref<2x16x1024xf32, #tpu.memory_space<vmem>>, vector<1x1x16xf32>,
      %scan3A_395 = arith.constant 2 : i32
      %scan3A_396 = arith.addi %scan3A_344, %scan3A_395 : i32
      %shift_right_arithmetic3A_397 = arith.constant 6 : i32
      %shift_right_arithmetic3A_398 = arith.shrsi %scan3A_396, %shift_right_arithmetic3A_397 : i32
      %and3A_399 = arith.constant 63 : i32
      %and3A_400 = arith.andi %scan3A_396, %and3A_399 : i32
      %mul3A_401 = arith.constant 16 : i32
      %mul3A_402 = arith.muli %and3A_400, %mul3A_401 : i32
      %get3A_403 = arith.constant 0 : i32
      %get3A_404 = arith.index_cast %get3A_403 : i32 to index
      %get3A_405 = arith.index_cast %shift_right_arithmetic3A_398 : i32 to index
      %get3A_406 = arith.index_cast %mul3A_402 : i32 to index
      %get3A_407 = tpu.vector_load %arg6[%get3A_404, %get3A_405, %get3A_406] {strides = array<i32>} : memref<2x16x1024xf32, #tpu.memory_space<vmem>>, vector<1x1x16xf32>,
      %get3A_408 = vector.shape_cast %get3A_407 : vector<1x1x16xf32> to vector<16xf32>
      %get3A_409 = arith.constant 0 : i32
      %get3A_410 = arith.index_cast %get3A_409 : i32 to index
      %get3A_411 = arith.index_cast %shift_right_arithmetic3A_398 : i32 to index
      %get3A_412 = arith.index_cast %mul3A_402 : i32 to index
      %get3A_413 = tpu.vector_load %arg7[%get3A_410, %get3A_411, %get3A_412] {strides = array<i32>} : memref<2x16x1024xf32, #tpu.memory_space<vmem>>, vector<1x1x16xf32>,
      %get3A_414 = vector.shape_cast %get3A_413 : vector<1x1x16xf32> to vector<16xf32>
      %add3A_415 = arith.addf %get3A_408, %get3A_414 : vector<16xf32>
      %swap3A_416 = arith.constant 0 : i32
      %swap3A_417 = arith.index_cast %swap3A_416 : i32 to index
      %swap3A_418 = arith.index_cast %shift_right_arithmetic3A_398 : i32 to index
      %swap3A_419 = arith.index_cast %mul3A_402 : i32 to index
      %swap3A_420 = tpu.vector_load %arg6[%swap3A_417, %swap3A_418, %swap3A_419] {strides = array<i32>} : memref<2x16x1024xf32, #tpu.memory_space<vmem>>, vector<1x1x16xf32>,
      %swap3A_421 = vector.shape_cast %swap3A_420 : vector<1x1x16xf32> to vector<16xf32>
      %swap3A_422 = vector.shape_cast %add3A_415 : vector<16xf32> to vector<1x1x16xf32>
      tpu.vector_store %arg6[%swap3A_417, %swap3A_418, %swap3A_419], %swap3A_422 {strides = array<i32>} : memref<2x16x1024xf32, #tpu.memory_space<vmem>>, vector<1x1x16xf32>,
      %scan3A_423 = arith.constant 3 : i32
      %scan3A_424 = arith.addi %scan3A_344, %scan3A_423 : i32
      %shift_right_arithmetic3A_425 = arith.constant 6 : i32
      %shift_right_arithmetic3A_426 = arith.shrsi %scan3A_424, %shift_right_arithmetic3A_425 : i32
      %and3A_427 = arith.constant 63 : i32
      %and3A_428 = arith.andi %scan3A_424, %and3A_427 : i32
      %mul3A_429 = arith.constant 16 : i32
      %mul3A_430 = arith.muli %and3A_428, %mul3A_429 : i32
      %get3A_431 = arith.constant 0 : i32
      %get3A_432 = arith.index_cast %get3A_431 : i32 to index
      %get3A_433 = arith.index_cast %shift_right_arithmetic3A_426 : i32 to index
      %get3A_434 = arith.index_cast %mul3A_430 : i32 to index
      %get3A_435 = tpu.vector_load %arg6[%get3A_432, %get3A_433, %get3A_434] {strides = array<i32>} : memref<2x16x1024xf32, #tpu.memory_space<vmem>>, vector<1x1x16xf32>,
      %get3A_436 = vector.shape_cast %get3A_435 : vector<1x1x16xf32> to vector<16xf32>
      %get3A_437 = arith.constant 0 : i32
      %get3A_438 = arith.index_cast %get3A_437 : i32 to index
      %get3A_439 = arith.index_cast %shift_right_arithmetic3A_426 : i32 to index
      %get3A_440 = arith.index_cast %mul3A_430 : i32 to index
      %get3A_441 = tpu.vector_load %arg7[%get3A_438, %get3A_439, %get3A_440] {strides = array<i32>} : memref<2x16x1024xf32, #tpu.memory_space<vmem>>, vector<1x1x16xf32>,
      %get3A_442 = vector.shape_cast %get3A_441 : vector<1x1x16xf32> to vector<16xf32>
      %add3A_443 = arith.addf %get3A_436, %get3A_442 : vector<16xf32>
      %swap3A_444 = arith.constant 0 : i32
      %swap3A_445 = arith.index_cast %swap3A_444 : i32 to index
      %swap3A_446 = arith.index_cast %shift_right_arithmetic3A_426 : i32 to index
      %swap3A_447 = arith.index_cast %mul3A_430 : i32 to index
      %swap3A_448 = tpu.vector_load %arg6[%swap3A_445, %swap3A_446, %swap3A_447] {strides = array<i32>} : memref<2x16x1024xf32, #tpu.memory_space<vmem>>, vector<1x1x16xf32>,
      %swap3A_449 = vector.shape_cast %swap3A_448 : vector<1x1x16xf32> to vector<16xf32>
      %swap3A_450 = vector.shape_cast %add3A_443 : vector<16xf32> to vector<1x1x16xf32>
      tpu.vector_store %arg6[%swap3A_445, %swap3A_446, %swap3A_447], %swap3A_450 {strides = array<i32>} : memref<2x16x1024xf32, #tpu.memory_space<vmem>>, vector<1x1x16xf32>,
      %scan3A_451 = arith.constant 4 : i32
      %scan3A_452 = arith.addi %scan3A_344, %scan3A_451 : i32
      %shift_right_arithmetic3A_453 = arith.constant 6 : i32
      %shift_right_arithmetic3A_454 = arith.shrsi %scan3A_452, %shift_right_arithmetic3A_453 : i32
      %and3A_455 = arith.constant 63 : i32
      %and3A_456 = arith.andi %scan3A_452, %and3A_455 : i32
      %mul3A_457 = arith.constant 16 : i32
      %mul3A_458 = arith.muli %and3A_456, %mul3A_457 : i32
      %get3A_459 = arith.constant 0 : i32
      %get3A_460 = arith.index_cast %get3A_459 : i32 to index
      %get3A_461 = arith.index_cast %shift_right_arithmetic3A_454 : i32 to index
      %get3A_462 = arith.index_cast %mul3A_458 : i32 to index
      %get3A_463 = tpu.vector_load %arg6[%get3A_460, %get3A_461, %get3A_462] {strides = array<i32>} : memref<2x16x1024xf32, #tpu.memory_space<vmem>>, vector<1x1x16xf32>,
      %get3A_464 = vector.shape_cast %get3A_463 : vector<1x1x16xf32> to vector<16xf32>
      %get3A_465 = arith.constant 0 : i32
      %get3A_466 = arith.index_cast %get3A_465 : i32 to index
      %get3A_467 = arith.index_cast %shift_right_arithmetic3A_454 : i32 to index
      %get3A_468 = arith.index_cast %mul3A_458 : i32 to index
      %get3A_469 = tpu.vector_load %arg7[%get3A_466, %get3A_467, %get3A_468] {strides = array<i32>} : memref<2x16x1024xf32, #tpu.memory_space<vmem>>, vector<1x1x16xf32>,
      %get3A_470 = vector.shape_cast %get3A_469 : vector<1x1x16xf32> to vector<16xf32>
      %add3A_471 = arith.addf %get3A_464, %get3A_470 : vector<16xf32>
      %swap3A_472 = arith.constant 0 : i32
      %swap3A_473 = arith.index_cast %swap3A_472 : i32 to index
      %swap3A_474 = arith.index_cast %shift_right_arithmetic3A_454 : i32 to index
      %swap3A_475 = arith.index_cast %mul3A_458 : i32 to index
      %swap3A_476 = tpu.vector_load %arg6[%swap3A_473, %swap3A_474, %swap3A_475] {strides = array<i32>} : memref<2x16x1024xf32, #tpu.memory_space<vmem>>, vector<1x1x16xf32>,
      %swap3A_477 = vector.shape_cast %swap3A_476 : vector<1x1x16xf32> to vector<16xf32>
      %swap3A_478 = vector.shape_cast %add3A_471 : vector<16xf32> to vector<1x1x16xf32>
      tpu.vector_store %arg6[%swap3A_473, %swap3A_474, %swap3A_475], %swap3A_478 {strides = array<i32>} : memref<2x16x1024xf32, #tpu.memory_space<vmem>>, vector<1x1x16xf32>,
      %scan3A_479 = arith.constant 5 : i32
      %scan3A_480 = arith.addi %scan3A_344, %scan3A_479 : i32
      %shift_right_arithmetic3A_481 = arith.constant 6 : i32
      %shift_right_arithmetic3A_482 = arith.shrsi %scan3A_480, %shift_right_arithmetic3A_481 : i32
      %and3A_483 = arith.constant 63 : i32
      %and3A_484 = arith.andi %scan3A_480, %and3A_483 : i32
      %mul3A_485 = arith.constant 16 : i32
      %mul3A_486 = arith.muli %and3A_484, %mul3A_485 : i32
      %get3A_487 = arith.constant 0 : i32
      %get3A_488 = arith.index_cast %get3A_487 : i32 to index
      %get3A_489 = arith.index_cast %shift_right_arithmetic3A_482 : i32 to index
      %get3A_490 = arith.index_cast %mul3A_486 : i32 to index
      %get3A_491 = tpu.vector_load %arg6[%get3A_488, %get3A_489, %get3A_490] {strides = array<i32>} : memref<2x16x1024xf32, #tpu.memory_space<vmem>>, vector<1x1x16xf32>,
      %get3A_492 = vector.shape_cast %get3A_491 : vector<1x1x16xf32> to vector<16xf32>
      %get3A_493 = arith.constant 0 : i32
      %get3A_494 = arith.index_cast %get3A_493 : i32 to index
      %get3A_495 = arith.index_cast %shift_right_arithmetic3A_482 : i32 to index
      %get3A_496 = arith.index_cast %mul3A_486 : i32 to index
      %get3A_497 = tpu.vector_load %arg7[%get3A_494, %get3A_495, %get3A_496] {strides = array<i32>} : memref<2x16x1024xf32, #tpu.memory_space<vmem>>, vector<1x1x16xf32>,
      %get3A_498 = vector.shape_cast %get3A_497 : vector<1x1x16xf32> to vector<16xf32>
      %add3A_499 = arith.addf %get3A_492, %get3A_498 : vector<16xf32>
      %swap3A_500 = arith.constant 0 : i32
      %swap3A_501 = arith.index_cast %swap3A_500 : i32 to index
      %swap3A_502 = arith.index_cast %shift_right_arithmetic3A_482 : i32 to index
      %swap3A_503 = arith.index_cast %mul3A_486 : i32 to index
      %swap3A_504 = tpu.vector_load %arg6[%swap3A_501, %swap3A_502, %swap3A_503] {strides = array<i32>} : memref<2x16x1024xf32, #tpu.memory_space<vmem>>, vector<1x1x16xf32>,
      %swap3A_505 = vector.shape_cast %swap3A_504 : vector<1x1x16xf32> to vector<16xf32>
      %swap3A_506 = vector.shape_cast %add3A_499 : vector<16xf32> to vector<1x1x16xf32>
      tpu.vector_store %arg6[%swap3A_501, %swap3A_502, %swap3A_503], %swap3A_506 {strides = array<i32>} : memref<2x16x1024xf32, #tpu.memory_space<vmem>>, vector<1x1x16xf32>,
      %scan3A_507 = arith.constant 6 : i32
      %scan3A_508 = arith.addi %scan3A_344, %scan3A_507 : i32
      %shift_right_arithmetic3A_509 = arith.constant 6 : i32
      %shift_right_arithmetic3A_510 = arith.shrsi %scan3A_508, %shift_right_arithmetic3A_509 : i32
      %and3A_511 = arith.constant 63 : i32
      %and3A_512 = arith.andi %scan3A_508, %and3A_511 : i32
      %mul3A_513 = arith.constant 16 : i32
      %mul3A_514 = arith.muli %and3A_512, %mul3A_513 : i32
      %get3A_515 = arith.constant 0 : i32
      %get3A_516 = arith.index_cast %get3A_515 : i32 to index
      %get3A_517 = arith.index_cast %shift_right_arithmetic3A_510 : i32 to index
      %get3A_518 = arith.index_cast %mul3A_514 : i32 to index
      %get3A_519 = tpu.vector_load %arg6[%get3A_516, %get3A_517, %get3A_518] {strides = array<i32>} : memref<2x16x1024xf32, #tpu.memory_space<vmem>>, vector<1x1x16xf32>,
      %get3A_520 = vector.shape_cast %get3A_519 : vector<1x1x16xf32> to vector<16xf32>
      %get3A_521 = arith.constant 0 : i32
      %get3A_522 = arith.index_cast %get3A_521 : i32 to index
      %get3A_523 = arith.index_cast %shift_right_arithmetic3A_510 : i32 to index
      %get3A_524 = arith.index_cast %mul3A_514 : i32 to index
      %get3A_525 = tpu.vector_load %arg7[%get3A_522, %get3A_523, %get3A_524] {strides = array<i32>} : memref<2x16x1024xf32, #tpu.memory_space<vmem>>, vector<1x1x16xf32>,
      %get3A_526 = vector.shape_cast %get3A_525 : vector<1x1x16xf32> to vector<16xf32>
      %add3A_527 = arith.addf %get3A_520, %get3A_526 : vector<16xf32>
      %swap3A_528 = arith.constant 0 : i32
      %swap3A_529 = arith.index_cast %swap3A_528 : i32 to index
      %swap3A_530 = arith.index_cast %shift_right_arithmetic3A_510 : i32 to index
      %swap3A_531 = arith.index_cast %mul3A_514 : i32 to index
      %swap3A_532 = tpu.vector_load %arg6[%swap3A_529, %swap3A_530, %swap3A_531] {strides = array<i32>} : memref<2x16x1024xf32, #tpu.memory_space<vmem>>, vector<1x1x16xf32>,
      %swap3A_533 = vector.shape_cast %swap3A_532 : vector<1x1x16xf32> to vector<16xf32>
      %swap3A_534 = vector.shape_cast %add3A_527 : vector<16xf32> to vector<1x1x16xf32>
      tpu.vector_store %arg6[%swap3A_529, %swap3A_530, %swap3A_531], %swap3A_534 {strides = array<i32>} : memref<2x16x1024xf32, #tpu.memory_space<vmem>>, vector<1x1x16xf32>,
      %scan3A_535 = arith.constant 7 : i32
      %scan3A_536 = arith.addi %scan3A_344, %scan3A_535 : i32
      %shift_right_arithmetic3A_537 = arith.constant 6 : i32
      %shift_right_arithmetic3A_538 = arith.shrsi %scan3A_536, %shift_right_arithmetic3A_537 : i32
      %and3A_539 = arith.constant 63 : i32
      %and3A_540 = arith.andi %scan3A_536, %and3A_539 : i32
      %mul3A_541 = arith.constant 16 : i32
      %mul3A_542 = arith.muli %and3A_540, %mul3A_541 : i32
      %get3A_543 = arith.constant 0 : i32
      %get3A_544 = arith.index_cast %get3A_543 : i32 to index
      %get3A_545 = arith.index_cast %shift_right_arithmetic3A_538 : i32 to index
      %get3A_546 = arith.index_cast %mul3A_542 : i32 to index
      %get3A_547 = tpu.vector_load %arg6[%get3A_544, %get3A_545, %get3A_546] {strides = array<i32>} : memref<2x16x1024xf32, #tpu.memory_space<vmem>>, vector<1x1x16xf32>,
      %get3A_548 = vector.shape_cast %get3A_547 : vector<1x1x16xf32> to vector<16xf32>
      %get3A_549 = arith.constant 0 : i32
      %get3A_550 = arith.index_cast %get3A_549 : i32 to index
      %get3A_551 = arith.index_cast %shift_right_arithmetic3A_538 : i32 to index
      %get3A_552 = arith.index_cast %mul3A_542 : i32 to index
      %get3A_553 = tpu.vector_load %arg7[%get3A_550, %get3A_551, %get3A_552] {strides = array<i32>} : memref<2x16x1024xf32, #tpu.memory_space<vmem>>, vector<1x1x16xf32>,
      %get3A_554 = vector.shape_cast %get3A_553 : vector<1x1x16xf32> to vector<16xf32>
      %add3A_555 = arith.addf %get3A_548, %get3A_554 : vector<16xf32>
      %swap3A_556 = arith.constant 0 : i32
      %swap3A_557 = arith.index_cast %swap3A_556 : i32 to index
      %swap3A_558 = arith.index_cast %shift_right_arithmetic3A_538 : i32 to index
      %swap3A_559 = arith.index_cast %mul3A_542 : i32 to index
      %swap3A_560 = tpu.vector_load %arg6[%swap3A_557, %swap3A_558, %swap3A_559] {strides = array<i32>} : memref<2x16x1024xf32, #tpu.memory_space<vmem>>, vector<1x1x16xf32>,
      %swap3A_561 = vector.shape_cast %swap3A_560 : vector<1x1x16xf32> to vector<16xf32>
      %swap3A_562 = vector.shape_cast %add3A_555 : vector<16xf32> to vector<1x1x16xf32>
      tpu.vector_store %arg6[%swap3A_557, %swap3A_558, %swap3A_559], %swap3A_562 {strides = array<i32>} : memref<2x16x1024xf32, #tpu.memory_space<vmem>>, vector<1x1x16xf32>,
    }
    %scan3A_255 = arith.constant 1024 : i32
    %add3A_256 = arith.constant 32 : i32
    %add3A_257 = arith.addi %mul3A_2, %add3A_256 : i32
    %dma_start3A_258 = arith.constant 0 : i32
    %dma_start3A_259 = arith.constant 0 : i32
    %dma_start3A_260 = arith.constant 0 : i32
    %dma_start3A_261 = tpu.memref_slice %arg6[%dma_start3A_258, %dma_start3A_259, %dma_start3A_260] : memref<2x16x1024xf32, #tpu.memory_space<vmem>> -> memref<1x16x1024xf32, #tpu.memory_space<vmem>>
    %dma_start3A_262 = tpu.memref_squeeze %dma_start3A_261 : memref<1x16x1024xf32, #tpu.memory_space<vmem>> -> memref<16x1024xf32, #tpu.memory_space<vmem>>
    %dma_start3A_263 = arith.constant 0 : i32
    %dma_start3A_264 = tpu.memref_slice %arg4[%add3A_257, %dma_start3A_263] : memref<2048x1024xf32, #tpu.memory_space<hbm>> -> memref<16x1024xf32, #tpu.memory_space<hbm>>
    %dma_start3A_265 = arith.constant 0 : i32
    %dma_start3A_266 = tpu.memref_slice %arg4[%add3A_257, %dma_start3A_265] : memref<2048x1024xf32, #tpu.memory_space<hbm>> -> memref<16x1024xf32, #tpu.memory_space<hbm>>
    %dma_start3A_267 = arith.constant 0 : i32
    %dma_start3A_268 = arith.constant 0 : i32
    %dma_start3A_269 = tpu.memref_slice %arg6[%dma_start3A_258, %dma_start3A_267, %dma_start3A_268] : memref<2x16x1024xf32, #tpu.memory_space<vmem>> -> memref<1x16x1024xf32, #tpu.memory_space<vmem>>
    %dma_start3A_270 = tpu.memref_squeeze %dma_start3A_269 : memref<1x16x1024xf32, #tpu.memory_space<vmem>> -> memref<16x1024xf32, #tpu.memory_space<vmem>>
    tpu.enqueue_dma source(%dma_start3A_270 : memref<16x1024xf32, #tpu.memory_space<vmem>>) target(%dma_start3A_266 : memref<16x1024xf32, #tpu.memory_space<hbm>>) target_semaphore(%arg10 : memref<!tpu.dma_semaphore, #tpu.memory_space<semaphore_mem>>)
    %dma_wait3A_271 = arith.constant 0 : i32
    %dma_wait3A_272 = arith.constant 3 : i32
    %dma_wait3A_273 = arith.constant 1 : i32
    %dma_wait3A_274 = arith.constant 0 : i32
    %dma_wait3A_275 = arith.constant 0 : i32
    %dma_wait3A_276 = tpu.memref_slice %arg6[%dma_wait3A_273, %dma_wait3A_274, %dma_wait3A_275] : memref<2x16x1024xf32, #tpu.memory_space<vmem>> -> memref<1x16x1024xf32, #tpu.memory_space<vmem>>
    %dma_wait3A_277 = tpu.memref_squeeze %dma_wait3A_276 : memref<1x16x1024xf32, #tpu.memory_space<vmem>> -> memref<16x1024xf32, #tpu.memory_space<vmem>>
    %dma_wait3A_278 = arith.constant 0 : i32
    %dma_wait3A_279 = tpu.memref_slice %arg5[%dma_wait3A_271, %dma_wait3A_272, %dma_wait3A_278] : memref<2x4x16xi32, #tpu.memory_space<vmem>> -> memref<1x1x16xi32, #tpu.memory_space<vmem>>
    %dma_wait3A_280 = tpu.memref_squeeze %dma_wait3A_279 : memref<1x1x16xi32, #tpu.memory_space<vmem>> -> memref<16xi32, #tpu.memory_space<vmem>>
    %dma_wait3A_281 = arith.constant 0 : i32
    %dma_wait3A_282 = arith.constant 0 : i32
    %dma_wait3A_283 = tpu.memref_slice %arg2[%dma_wait3A_281, %dma_wait3A_282] : memref<5120x1024xf32, #tpu.memory_space<hbm>> -> memref<5120x1024xf32, #tpu.memory_space<hbm>>
    tpu.wait_indirect_dma semaphore(%arg8 : memref<!tpu.dma_semaphore, #tpu.memory_space<semaphore_mem>>) src(%dma_wait3A_283 : memref<5120x1024xf32, #tpu.memory_space<hbm>>) dst(%dma_wait3A_277 : memref<16x1024xf32, #tpu.memory_space<vmem>>)
    %dma_wait3A_284 = arith.constant 1 : i32
    %dma_wait3A_285 = arith.constant 3 : i32
    %dma_wait3A_286 = arith.constant 1 : i32
    %dma_wait3A_287 = arith.constant 0 : i32
    %dma_wait3A_288 = arith.constant 0 : i32
    %dma_wait3A_289 = tpu.memref_slice %arg7[%dma_wait3A_286, %dma_wait3A_287, %dma_wait3A_288] : memref<2x16x1024xf32, #tpu.memory_space<vmem>> -> memref<1x16x1024xf32, #tpu.memory_space<vmem>>
    %dma_wait3A_290 = tpu.memref_squeeze %dma_wait3A_289 : memref<1x16x1024xf32, #tpu.memory_space<vmem>> -> memref<16x1024xf32, #tpu.memory_space<vmem>>
    %dma_wait3A_291 = arith.constant 0 : i32
    %dma_wait3A_292 = tpu.memref_slice %arg5[%dma_wait3A_284, %dma_wait3A_285, %dma_wait3A_291] : memref<2x4x16xi32, #tpu.memory_space<vmem>> -> memref<1x1x16xi32, #tpu.memory_space<vmem>>
    %dma_wait3A_293 = tpu.memref_squeeze %dma_wait3A_292 : memref<1x1x16xi32, #tpu.memory_space<vmem>> -> memref<16xi32, #tpu.memory_space<vmem>>
    %dma_wait3A_294 = arith.constant 0 : i32
    %dma_wait3A_295 = arith.constant 0 : i32
    %dma_wait3A_296 = tpu.memref_slice %arg2[%dma_wait3A_294, %dma_wait3A_295] : memref<5120x1024xf32, #tpu.memory_space<hbm>> -> memref<5120x1024xf32, #tpu.memory_space<hbm>>
    tpu.wait_indirect_dma semaphore(%arg9 : memref<!tpu.dma_semaphore, #tpu.memory_space<semaphore_mem>>) src(%dma_wait3A_296 : memref<5120x1024xf32, #tpu.memory_space<hbm>>) dst(%dma_wait3A_290 : memref<16x1024xf32, #tpu.memory_space<vmem>>)
    %scan3A_297 = arith.constant 0 : i32
    %scan3A_298 = arith.constant 0 : i32
    %scan3A_299 = arith.constant 1024 : i32
    %scan3A_300 = arith.addi %scan3A_298, %scan3A_299 : i32
    %scan3A_301 = arith.constant 8 : i32
    scf.for %scan3A_344 = %scan3A_298 to %scan3A_300 step %scan3A_301  : i32 {
      %shift_right_arithmetic3A = arith.constant 6 : i32
      %shift_right_arithmetic3A_345 = arith.shrsi %scan3A_344, %shift_right_arithmetic3A : i32
      %and3A = arith.constant 63 : i32
      %and3A_346 = arith.andi %scan3A_344, %and3A : i32
      %mul3A_347 = arith.constant 16 : i32
      %mul3A_348 = arith.muli %and3A_346, %mul3A_347 : i32
      %get3A = arith.constant 1 : i32
      %get3A_349 = arith.index_cast %get3A : i32 to index
      %get3A_350 = arith.index_cast %shift_right_arithmetic3A_345 : i32 to index
      %get3A_351 = arith.index_cast %mul3A_348 : i32 to index
      %get3A_352 = tpu.vector_load %arg6[%get3A_349, %get3A_350, %get3A_351] {strides = array<i32>} : memref<2x16x1024xf32, #tpu.memory_space<vmem>>, vector<1x1x16xf32>,
      %get3A_353 = vector.shape_cast %get3A_352 : vector<1x1x16xf32> to vector<16xf32>
      %get3A_354 = arith.constant 1 : i32
      %get3A_355 = arith.index_cast %get3A_354 : i32 to index
      %get3A_356 = arith.index_cast %shift_right_arithmetic3A_345 : i32 to index
      %get3A_357 = arith.index_cast %mul3A_348 : i32 to index
      %get3A_358 = tpu.vector_load %arg7[%get3A_355, %get3A_356, %get3A_357] {strides = array<i32>} : memref<2x16x1024xf32, #tpu.memory_space<vmem>>, vector<1x1x16xf32>,
      %get3A_359 = vector.shape_cast %get3A_358 : vector<1x1x16xf32> to vector<16xf32>
      %add3A_360 = arith.addf %get3A_353, %get3A_359 : vector<16xf32>
      %swap3A = arith.constant 1 : i32
      %swap3A_361 = arith.index_cast %swap3A : i32 to index
      %swap3A_362 = arith.index_cast %shift_right_arithmetic3A_345 : i32 to index
      %swap3A_363 = arith.index_cast %mul3A_348 : i32 to index
      %swap3A_364 = tpu.vector_load %arg6[%swap3A_361, %swap3A_362, %swap3A_363] {strides = array<i32>} : memref<2x16x1024xf32, #tpu.memory_space<vmem>>, vector<1x1x16xf32>,
      %swap3A_365 = vector.shape_cast %swap3A_364 : vector<1x1x16xf32> to vector<16xf32>
      %swap3A_366 = vector.shape_cast %add3A_360 : vector<16xf32> to vector<1x1x16xf32>
      tpu.vector_store %arg6[%swap3A_361, %swap3A_362, %swap3A_363], %swap3A_366 {strides = array<i32>} : memref<2x16x1024xf32, #tpu.memory_space<vmem>>, vector<1x1x16xf32>,
      %scan3A_367 = arith.constant 1 : i32
      %scan3A_368 = arith.addi %scan3A_344, %scan3A_367 : i32
      %shift_right_arithmetic3A_369 = arith.constant 6 : i32
      %shift_right_arithmetic3A_370 = arith.shrsi %scan3A_368, %shift_right_arithmetic3A_369 : i32
      %and3A_371 = arith.constant 63 : i32
      %and3A_372 = arith.andi %scan3A_368, %and3A_371 : i32
      %mul3A_373 = arith.constant 16 : i32
      %mul3A_374 = arith.muli %and3A_372, %mul3A_373 : i32
      %get3A_375 = arith.constant 1 : i32
      %get3A_376 = arith.index_cast %get3A_375 : i32 to index
      %get3A_377 = arith.index_cast %shift_right_arithmetic3A_370 : i32 to index
      %get3A_378 = arith.index_cast %mul3A_374 : i32 to index
      %get3A_379 = tpu.vector_load %arg6[%get3A_376, %get3A_377, %get3A_378] {strides = array<i32>} : memref<2x16x1024xf32, #tpu.memory_space<vmem>>, vector<1x1x16xf32>,
      %get3A_380 = vector.shape_cast %get3A_379 : vector<1x1x16xf32> to vector<16xf32>
      %get3A_381 = arith.constant 1 : i32
      %get3A_382 = arith.index_cast %get3A_381 : i32 to index
      %get3A_383 = arith.index_cast %shift_right_arithmetic3A_370 : i32 to index
      %get3A_384 = arith.index_cast %mul3A_374 : i32 to index
      %get3A_385 = tpu.vector_load %arg7[%get3A_382, %get3A_383, %get3A_384] {strides = array<i32>} : memref<2x16x1024xf32, #tpu.memory_space<vmem>>, vector<1x1x16xf32>,
      %get3A_386 = vector.shape_cast %get3A_385 : vector<1x1x16xf32> to vector<16xf32>
      %add3A_387 = arith.addf %get3A_380, %get3A_386 : vector<16xf32>
      %swap3A_388 = arith.constant 1 : i32
      %swap3A_389 = arith.index_cast %swap3A_388 : i32 to index
      %swap3A_390 = arith.index_cast %shift_right_arithmetic3A_370 : i32 to index
      %swap3A_391 = arith.index_cast %mul3A_374 : i32 to index
      %swap3A_392 = tpu.vector_load %arg6[%swap3A_389, %swap3A_390, %swap3A_391] {strides = array<i32>} : memref<2x16x1024xf32, #tpu.memory_space<vmem>>, vector<1x1x16xf32>,
      %swap3A_393 = vector.shape_cast %swap3A_392 : vector<1x1x16xf32> to vector<16xf32>
      %swap3A_394 = vector.shape_cast %add3A_387 : vector<16xf32> to vector<1x1x16xf32>
      tpu.vector_store %arg6[%swap3A_389, %swap3A_390, %swap3A_391], %swap3A_394 {strides = array<i32>} : memref<2x16x1024xf32, #tpu.memory_space<vmem>>, vector<1x1x16xf32>,
      %scan3A_395 = arith.constant 2 : i32
      %scan3A_396 = arith.addi %scan3A_344, %scan3A_395 : i32
      %shift_right_arithmetic3A_397 = arith.constant 6 : i32
      %shift_right_arithmetic3A_398 = arith.shrsi %scan3A_396, %shift_right_arithmetic3A_397 : i32
      %and3A_399 = arith.constant 63 : i32
      %and3A_400 = arith.andi %scan3A_396, %and3A_399 : i32
      %mul3A_401 = arith.constant 16 : i32
      %mul3A_402 = arith.muli %and3A_400, %mul3A_401 : i32
      %get3A_403 = arith.constant 1 : i32
      %get3A_404 = arith.index_cast %get3A_403 : i32 to index
      %get3A_405 = arith.index_cast %shift_right_arithmetic3A_398 : i32 to index
      %get3A_406 = arith.index_cast %mul3A_402 : i32 to index
      %get3A_407 = tpu.vector_load %arg6[%get3A_404, %get3A_405, %get3A_406] {strides = array<i32>} : memref<2x16x1024xf32, #tpu.memory_space<vmem>>, vector<1x1x16xf32>,
      %get3A_408 = vector.shape_cast %get3A_407 : vector<1x1x16xf32> to vector<16xf32>
      %get3A_409 = arith.constant 1 : i32
      %get3A_410 = arith.index_cast %get3A_409 : i32 to index
      %get3A_411 = arith.index_cast %shift_right_arithmetic3A_398 : i32 to index
      %get3A_412 = arith.index_cast %mul3A_402 : i32 to index
      %get3A_413 = tpu.vector_load %arg7[%get3A_410, %get3A_411, %get3A_412] {strides = array<i32>} : memref<2x16x1024xf32, #tpu.memory_space<vmem>>, vector<1x1x16xf32>,
      %get3A_414 = vector.shape_cast %get3A_413 : vector<1x1x16xf32> to vector<16xf32>
      %add3A_415 = arith.addf %get3A_408, %get3A_414 : vector<16xf32>
      %swap3A_416 = arith.constant 1 : i32
      %swap3A_417 = arith.index_cast %swap3A_416 : i32 to index
      %swap3A_418 = arith.index_cast %shift_right_arithmetic3A_398 : i32 to index
      %swap3A_419 = arith.index_cast %mul3A_402 : i32 to index
      %swap3A_420 = tpu.vector_load %arg6[%swap3A_417, %swap3A_418, %swap3A_419] {strides = array<i32>} : memref<2x16x1024xf32, #tpu.memory_space<vmem>>, vector<1x1x16xf32>,
      %swap3A_421 = vector.shape_cast %swap3A_420 : vector<1x1x16xf32> to vector<16xf32>
      %swap3A_422 = vector.shape_cast %add3A_415 : vector<16xf32> to vector<1x1x16xf32>
      tpu.vector_store %arg6[%swap3A_417, %swap3A_418, %swap3A_419], %swap3A_422 {strides = array<i32>} : memref<2x16x1024xf32, #tpu.memory_space<vmem>>, vector<1x1x16xf32>,
      %scan3A_423 = arith.constant 3 : i32
      %scan3A_424 = arith.addi %scan3A_344, %scan3A_423 : i32
      %shift_right_arithmetic3A_425 = arith.constant 6 : i32
      %shift_right_arithmetic3A_426 = arith.shrsi %scan3A_424, %shift_right_arithmetic3A_425 : i32
      %and3A_427 = arith.constant 63 : i32
      %and3A_428 = arith.andi %scan3A_424, %and3A_427 : i32
      %mul3A_429 = arith.constant 16 : i32
      %mul3A_430 = arith.muli %and3A_428, %mul3A_429 : i32
      %get3A_431 = arith.constant 1 : i32
      %get3A_432 = arith.index_cast %get3A_431 : i32 to index
      %get3A_433 = arith.index_cast %shift_right_arithmetic3A_426 : i32 to index
      %get3A_434 = arith.index_cast %mul3A_430 : i32 to index
      %get3A_435 = tpu.vector_load %arg6[%get3A_432, %get3A_433, %get3A_434] {strides = array<i32>} : memref<2x16x1024xf32, #tpu.memory_space<vmem>>, vector<1x1x16xf32>,
      %get3A_436 = vector.shape_cast %get3A_435 : vector<1x1x16xf32> to vector<16xf32>
      %get3A_437 = arith.constant 1 : i32
      %get3A_438 = arith.index_cast %get3A_437 : i32 to index
      %get3A_439 = arith.index_cast %shift_right_arithmetic3A_426 : i32 to index
      %get3A_440 = arith.index_cast %mul3A_430 : i32 to index
      %get3A_441 = tpu.vector_load %arg7[%get3A_438, %get3A_439, %get3A_440] {strides = array<i32>} : memref<2x16x1024xf32, #tpu.memory_space<vmem>>, vector<1x1x16xf32>,
      %get3A_442 = vector.shape_cast %get3A_441 : vector<1x1x16xf32> to vector<16xf32>
      %add3A_443 = arith.addf %get3A_436, %get3A_442 : vector<16xf32>
      %swap3A_444 = arith.constant 1 : i32
      %swap3A_445 = arith.index_cast %swap3A_444 : i32 to index
      %swap3A_446 = arith.index_cast %shift_right_arithmetic3A_426 : i32 to index
      %swap3A_447 = arith.index_cast %mul3A_430 : i32 to index
      %swap3A_448 = tpu.vector_load %arg6[%swap3A_445, %swap3A_446, %swap3A_447] {strides = array<i32>} : memref<2x16x1024xf32, #tpu.memory_space<vmem>>, vector<1x1x16xf32>,
      %swap3A_449 = vector.shape_cast %swap3A_448 : vector<1x1x16xf32> to vector<16xf32>
      %swap3A_450 = vector.shape_cast %add3A_443 : vector<16xf32> to vector<1x1x16xf32>
      tpu.vector_store %arg6[%swap3A_445, %swap3A_446, %swap3A_447], %swap3A_450 {strides = array<i32>} : memref<2x16x1024xf32, #tpu.memory_space<vmem>>, vector<1x1x16xf32>,
      %scan3A_451 = arith.constant 4 : i32
      %scan3A_452 = arith.addi %scan3A_344, %scan3A_451 : i32
      %shift_right_arithmetic3A_453 = arith.constant 6 : i32
      %shift_right_arithmetic3A_454 = arith.shrsi %scan3A_452, %shift_right_arithmetic3A_453 : i32
      %and3A_455 = arith.constant 63 : i32
      %and3A_456 = arith.andi %scan3A_452, %and3A_455 : i32
      %mul3A_457 = arith.constant 16 : i32
      %mul3A_458 = arith.muli %and3A_456, %mul3A_457 : i32
      %get3A_459 = arith.constant 1 : i32
      %get3A_460 = arith.index_cast %get3A_459 : i32 to index
      %get3A_461 = arith.index_cast %shift_right_arithmetic3A_454 : i32 to index
      %get3A_462 = arith.index_cast %mul3A_458 : i32 to index
      %get3A_463 = tpu.vector_load %arg6[%get3A_460, %get3A_461, %get3A_462] {strides = array<i32>} : memref<2x16x1024xf32, #tpu.memory_space<vmem>>, vector<1x1x16xf32>,
      %get3A_464 = vector.shape_cast %get3A_463 : vector<1x1x16xf32> to vector<16xf32>
      %get3A_465 = arith.constant 1 : i32
      %get3A_466 = arith.index_cast %get3A_465 : i32 to index
      %get3A_467 = arith.index_cast %shift_right_arithmetic3A_454 : i32 to index
      %get3A_468 = arith.index_cast %mul3A_458 : i32 to index
      %get3A_469 = tpu.vector_load %arg7[%get3A_466, %get3A_467, %get3A_468] {strides = array<i32>} : memref<2x16x1024xf32, #tpu.memory_space<vmem>>, vector<1x1x16xf32>,
      %get3A_470 = vector.shape_cast %get3A_469 : vector<1x1x16xf32> to vector<16xf32>
      %add3A_471 = arith.addf %get3A_464, %get3A_470 : vector<16xf32>
      %swap3A_472 = arith.constant 1 : i32
      %swap3A_473 = arith.index_cast %swap3A_472 : i32 to index
      %swap3A_474 = arith.index_cast %shift_right_arithmetic3A_454 : i32 to index
      %swap3A_475 = arith.index_cast %mul3A_458 : i32 to index
      %swap3A_476 = tpu.vector_load %arg6[%swap3A_473, %swap3A_474, %swap3A_475] {strides = array<i32>} : memref<2x16x1024xf32, #tpu.memory_space<vmem>>, vector<1x1x16xf32>,
      %swap3A_477 = vector.shape_cast %swap3A_476 : vector<1x1x16xf32> to vector<16xf32>
      %swap3A_478 = vector.shape_cast %add3A_471 : vector<16xf32> to vector<1x1x16xf32>
      tpu.vector_store %arg6[%swap3A_473, %swap3A_474, %swap3A_475], %swap3A_478 {strides = array<i32>} : memref<2x16x1024xf32, #tpu.memory_space<vmem>>, vector<1x1x16xf32>,
      %scan3A_479 = arith.constant 5 : i32
      %scan3A_480 = arith.addi %scan3A_344, %scan3A_479 : i32
      %shift_right_arithmetic3A_481 = arith.constant 6 : i32
      %shift_right_arithmetic3A_482 = arith.shrsi %scan3A_480, %shift_right_arithmetic3A_481 : i32
      %and3A_483 = arith.constant 63 : i32
      %and3A_484 = arith.andi %scan3A_480, %and3A_483 : i32
      %mul3A_485 = arith.constant 16 : i32
      %mul3A_486 = arith.muli %and3A_484, %mul3A_485 : i32
      %get3A_487 = arith.constant 1 : i32
      %get3A_488 = arith.index_cast %get3A_487 : i32 to index
      %get3A_489 = arith.index_cast %shift_right_arithmetic3A_482 : i32 to index
      %get3A_490 = arith.index_cast %mul3A_486 : i32 to index
      %get3A_491 = tpu.vector_load %arg6[%get3A_488, %get3A_489, %get3A_490] {strides = array<i32>} : memref<2x16x1024xf32, #tpu.memory_space<vmem>>, vector<1x1x16xf32>,
      %get3A_492 = vector.shape_cast %get3A_491 : vector<1x1x16xf32> to vector<16xf32>
      %get3A_493 = arith.constant 1 : i32
      %get3A_494 = arith.index_cast %get3A_493 : i32 to index
      %get3A_495 = arith.index_cast %shift_right_arithmetic3A_482 : i32 to index
      %get3A_496 = arith.index_cast %mul3A_486 : i32 to index
      %get3A_497 = tpu.vector_load %arg7[%get3A_494, %get3A_495, %get3A_496] {strides = array<i32>} : memref<2x16x1024xf32, #tpu.memory_space<vmem>>, vector<1x1x16xf32>,
      %get3A_498 = vector.shape_cast %get3A_497 : vector<1x1x16xf32> to vector<16xf32>
      %add3A_499 = arith.addf %get3A_492, %get3A_498 : vector<16xf32>
      %swap3A_500 = arith.constant 1 : i32
      %swap3A_501 = arith.index_cast %swap3A_500 : i32 to index
      %swap3A_502 = arith.index_cast %shift_right_arithmetic3A_482 : i32 to index
      %swap3A_503 = arith.index_cast %mul3A_486 : i32 to index
      %swap3A_504 = tpu.vector_load %arg6[%swap3A_501, %swap3A_502, %swap3A_503] {strides = array<i32>} : memref<2x16x1024xf32, #tpu.memory_space<vmem>>, vector<1x1x16xf32>,
      %swap3A_505 = vector.shape_cast %swap3A_504 : vector<1x1x16xf32> to vector<16xf32>
      %swap3A_506 = vector.shape_cast %add3A_499 : vector<16xf32> to vector<1x1x16xf32>
      tpu.vector_store %arg6[%swap3A_501, %swap3A_502, %swap3A_503], %swap3A_506 {strides = array<i32>} : memref<2x16x1024xf32, #tpu.memory_space<vmem>>, vector<1x1x16xf32>,
      %scan3A_507 = arith.constant 6 : i32
      %scan3A_508 = arith.addi %scan3A_344, %scan3A_507 : i32
      %shift_right_arithmetic3A_509 = arith.constant 6 : i32
      %shift_right_arithmetic3A_510 = arith.shrsi %scan3A_508, %shift_right_arithmetic3A_509 : i32
      %and3A_511 = arith.constant 63 : i32
      %and3A_512 = arith.andi %scan3A_508, %and3A_511 : i32
      %mul3A_513 = arith.constant 16 : i32
      %mul3A_514 = arith.muli %and3A_512, %mul3A_513 : i32
      %get3A_515 = arith.constant 1 : i32
      %get3A_516 = arith.index_cast %get3A_515 : i32 to index
      %get3A_517 = arith.index_cast %shift_right_arithmetic3A_510 : i32 to index
      %get3A_518 = arith.index_cast %mul3A_514 : i32 to index
      %get3A_519 = tpu.vector_load %arg6[%get3A_516, %get3A_517, %get3A_518] {strides = array<i32>} : memref<2x16x1024xf32, #tpu.memory_space<vmem>>, vector<1x1x16xf32>,
      %get3A_520 = vector.shape_cast %get3A_519 : vector<1x1x16xf32> to vector<16xf32>
      %get3A_521 = arith.constant 1 : i32
      %get3A_522 = arith.index_cast %get3A_521 : i32 to index
      %get3A_523 = arith.index_cast %shift_right_arithmetic3A_510 : i32 to index
      %get3A_524 = arith.index_cast %mul3A_514 : i32 to index
      %get3A_525 = tpu.vector_load %arg7[%get3A_522, %get3A_523, %get3A_524] {strides = array<i32>} : memref<2x16x1024xf32, #tpu.memory_space<vmem>>, vector<1x1x16xf32>,
      %get3A_526 = vector.shape_cast %get3A_525 : vector<1x1x16xf32> to vector<16xf32>
      %add3A_527 = arith.addf %get3A_520, %get3A_526 : vector<16xf32>
      %swap3A_528 = arith.constant 1 : i32
      %swap3A_529 = arith.index_cast %swap3A_528 : i32 to index
      %swap3A_530 = arith.index_cast %shift_right_arithmetic3A_510 : i32 to index
      %swap3A_531 = arith.index_cast %mul3A_514 : i32 to index
      %swap3A_532 = tpu.vector_load %arg6[%swap3A_529, %swap3A_530, %swap3A_531] {strides = array<i32>} : memref<2x16x1024xf32, #tpu.memory_space<vmem>>, vector<1x1x16xf32>,
      %swap3A_533 = vector.shape_cast %swap3A_532 : vector<1x1x16xf32> to vector<16xf32>
      %swap3A_534 = vector.shape_cast %add3A_527 : vector<16xf32> to vector<1x1x16xf32>
      tpu.vector_store %arg6[%swap3A_529, %swap3A_530, %swap3A_531], %swap3A_534 {strides = array<i32>} : memref<2x16x1024xf32, #tpu.memory_space<vmem>>, vector<1x1x16xf32>,
      %scan3A_535 = arith.constant 7 : i32
      %scan3A_536 = arith.addi %scan3A_344, %scan3A_535 : i32
      %shift_right_arithmetic3A_537 = arith.constant 6 : i32
      %shift_right_arithmetic3A_538 = arith.shrsi %scan3A_536, %shift_right_arithmetic3A_537 : i32
      %and3A_539 = arith.constant 63 : i32
      %and3A_540 = arith.andi %scan3A_536, %and3A_539 : i32
      %mul3A_541 = arith.constant 16 : i32
      %mul3A_542 = arith.muli %and3A_540, %mul3A_541 : i32
      %get3A_543 = arith.constant 1 : i32
      %get3A_544 = arith.index_cast %get3A_543 : i32 to index
      %get3A_545 = arith.index_cast %shift_right_arithmetic3A_538 : i32 to index
      %get3A_546 = arith.index_cast %mul3A_542 : i32 to index
      %get3A_547 = tpu.vector_load %arg6[%get3A_544, %get3A_545, %get3A_546] {strides = array<i32>} : memref<2x16x1024xf32, #tpu.memory_space<vmem>>, vector<1x1x16xf32>,
      %get3A_548 = vector.shape_cast %get3A_547 : vector<1x1x16xf32> to vector<16xf32>
      %get3A_549 = arith.constant 1 : i32
      %get3A_550 = arith.index_cast %get3A_549 : i32 to index
      %get3A_551 = arith.index_cast %shift_right_arithmetic3A_538 : i32 to index
      %get3A_552 = arith.index_cast %mul3A_542 : i32 to index
      %get3A_553 = tpu.vector_load %arg7[%get3A_550, %get3A_551, %get3A_552] {strides = array<i32>} : memref<2x16x1024xf32, #tpu.memory_space<vmem>>, vector<1x1x16xf32>,
      %get3A_554 = vector.shape_cast %get3A_553 : vector<1x1x16xf32> to vector<16xf32>
      %add3A_555 = arith.addf %get3A_548, %get3A_554 : vector<16xf32>
      %swap3A_556 = arith.constant 1 : i32
      %swap3A_557 = arith.index_cast %swap3A_556 : i32 to index
      %swap3A_558 = arith.index_cast %shift_right_arithmetic3A_538 : i32 to index
      %swap3A_559 = arith.index_cast %mul3A_542 : i32 to index
      %swap3A_560 = tpu.vector_load %arg6[%swap3A_557, %swap3A_558, %swap3A_559] {strides = array<i32>} : memref<2x16x1024xf32, #tpu.memory_space<vmem>>, vector<1x1x16xf32>,
      %swap3A_561 = vector.shape_cast %swap3A_560 : vector<1x1x16xf32> to vector<16xf32>
      %swap3A_562 = vector.shape_cast %add3A_555 : vector<16xf32> to vector<1x1x16xf32>
      tpu.vector_store %arg6[%swap3A_557, %swap3A_558, %swap3A_559], %swap3A_562 {strides = array<i32>} : memref<2x16x1024xf32, #tpu.memory_space<vmem>>, vector<1x1x16xf32>,
    }
    %scan3A_302 = arith.constant 1024 : i32
    %add3A_303 = arith.constant 48 : i32
    %add3A_304 = arith.addi %mul3A_2, %add3A_303 : i32
    %dma_start3A_305 = arith.constant 1 : i32
    %dma_start3A_306 = arith.constant 0 : i32
    %dma_start3A_307 = arith.constant 0 : i32
    %dma_start3A_308 = tpu.memref_slice %arg6[%dma_start3A_305, %dma_start3A_306, %dma_start3A_307] : memref<2x16x1024xf32, #tpu.memory_space<vmem>> -> memref<1x16x1024xf32, #tpu.memory_space<vmem>>
    %dma_start3A_309 = tpu.memref_squeeze %dma_start3A_308 : memref<1x16x1024xf32, #tpu.memory_space<vmem>> -> memref<16x1024xf32, #tpu.memory_space<vmem>>
    %dma_start3A_310 = arith.constant 0 : i32
    %dma_start3A_311 = tpu.memref_slice %arg4[%add3A_304, %dma_start3A_310] : memref<2048x1024xf32, #tpu.memory_space<hbm>> -> memref<16x1024xf32, #tpu.memory_space<hbm>>
    %dma_start3A_312 = arith.constant 0 : i32
    %dma_start3A_313 = tpu.memref_slice %arg4[%add3A_304, %dma_start3A_312] : memref<2048x1024xf32, #tpu.memory_space<hbm>> -> memref<16x1024xf32, #tpu.memory_space<hbm>>
    %dma_start3A_314 = arith.constant 0 : i32
    %dma_start3A_315 = arith.constant 0 : i32
    %dma_start3A_316 = tpu.memref_slice %arg6[%dma_start3A_305, %dma_start3A_314, %dma_start3A_315] : memref<2x16x1024xf32, #tpu.memory_space<vmem>> -> memref<1x16x1024xf32, #tpu.memory_space<vmem>>
    %dma_start3A_317 = tpu.memref_squeeze %dma_start3A_316 : memref<1x16x1024xf32, #tpu.memory_space<vmem>> -> memref<16x1024xf32, #tpu.memory_space<vmem>>
    tpu.enqueue_dma source(%dma_start3A_317 : memref<16x1024xf32, #tpu.memory_space<vmem>>) target(%dma_start3A_313 : memref<16x1024xf32, #tpu.memory_space<hbm>>) target_semaphore(%arg10 : memref<!tpu.dma_semaphore, #tpu.memory_space<semaphore_mem>>)
    %dma_wait3A_318 = arith.constant 0 : i32
    %dma_wait3A_319 = arith.constant 0 : i32
    %dma_wait3A_320 = arith.constant 0 : i32
    %dma_wait3A_321 = tpu.memref_slice %arg6[%dma_wait3A_318, %dma_wait3A_319, %dma_wait3A_320] : memref<2x16x1024xf32, #tpu.memory_space<vmem>> -> memref<1x16x1024xf32, #tpu.memory_space<vmem>>
    %dma_wait3A_322 = tpu.memref_squeeze %dma_wait3A_321 : memref<1x16x1024xf32, #tpu.memory_space<vmem>> -> memref<16x1024xf32, #tpu.memory_space<vmem>>
    %dma_wait3A_323 = arith.constant 0 : i32
    %dma_wait3A_324 = tpu.memref_slice %arg4[%add3A_257, %dma_wait3A_323] : memref<2048x1024xf32, #tpu.memory_space<hbm>> -> memref<16x1024xf32, #tpu.memory_space<hbm>>
    %dma_wait3A_325 = arith.constant 0 : i32
    %dma_wait3A_326 = tpu.memref_slice %arg4[%add3A_257, %dma_wait3A_325] : memref<2048x1024xf32, #tpu.memory_space<hbm>> -> memref<16x1024xf32, #tpu.memory_space<hbm>>
    %dma_wait3A_327 = arith.constant 0 : i32
    %dma_wait3A_328 = arith.constant 0 : i32
    %dma_wait3A_329 = tpu.memref_slice %arg6[%dma_wait3A_318, %dma_wait3A_327, %dma_wait3A_328] : memref<2x16x1024xf32, #tpu.memory_space<vmem>> -> memref<1x16x1024xf32, #tpu.memory_space<vmem>>
    %dma_wait3A_330 = tpu.memref_squeeze %dma_wait3A_329 : memref<1x16x1024xf32, #tpu.memory_space<vmem>> -> memref<16x1024xf32, #tpu.memory_space<vmem>>
    tpu.wait_dma2 semaphore(%arg10 : memref<!tpu.dma_semaphore, #tpu.memory_space<semaphore_mem>>) src(%dma_wait3A_330 : memref<16x1024xf32, #tpu.memory_space<vmem>>) dst(%dma_wait3A_326 : memref<16x1024xf32, #tpu.memory_space<hbm>>)
    %dma_wait3A_331 = arith.constant 1 : i32
    %dma_wait3A_332 = arith.constant 0 : i32
    %dma_wait3A_333 = arith.constant 0 : i32
    %dma_wait3A_334 = tpu.memref_slice %arg6[%dma_wait3A_331, %dma_wait3A_332, %dma_wait3A_333] : memref<2x16x1024xf32, #tpu.memory_space<vmem>> -> memref<1x16x1024xf32, #tpu.memory_space<vmem>>
    %dma_wait3A_335 = tpu.memref_squeeze %dma_wait3A_334 : memref<1x16x1024xf32, #tpu.memory_space<vmem>> -> memref<16x1024xf32, #tpu.memory_space<vmem>>
    %dma_wait3A_336 = arith.constant 0 : i32
    %dma_wait3A_337 = tpu.memref_slice %arg4[%add3A_304, %dma_wait3A_336] : memref<2048x1024xf32, #tpu.memory_space<hbm>> -> memref<16x1024xf32, #tpu.memory_space<hbm>>
    %dma_wait3A_338 = arith.constant 0 : i32
    %dma_wait3A_339 = tpu.memref_slice %arg4[%add3A_304, %dma_wait3A_338] : memref<2048x1024xf32, #tpu.memory_space<hbm>> -> memref<16x1024xf32, #tpu.memory_space<hbm>>
    %dma_wait3A_340 = arith.constant 0 : i32
    %dma_wait3A_341 = arith.constant 0 : i32
    %dma_wait3A_342 = tpu.memref_slice %arg6[%dma_wait3A_331, %dma_wait3A_340, %dma_wait3A_341] : memref<2x16x1024xf32, #tpu.memory_space<vmem>> -> memref<1x16x1024xf32, #tpu.memory_space<vmem>>
    %dma_wait3A_343 = tpu.memref_squeeze %dma_wait3A_342 : memref<1x16x1024xf32, #tpu.memory_space<vmem>> -> memref<16x1024xf32, #tpu.memory_space<vmem>>
    tpu.wait_dma2 semaphore(%arg10 : memref<!tpu.dma_semaphore, #tpu.memory_space<semaphore_mem>>) src(%dma_wait3A_343 : memref<16x1024xf32, #tpu.memory_space<vmem>>) dst(%dma_wait3A_339 : memref<16x1024xf32, #tpu.memory_space<hbm>>)
    return
  }
}

#map = affine_map<(d0, d1) -> (0, 0)>
#map1 = affine_map<(d0, d1) -> (0, 0, 0, 0)>
#map2 = affine_map<(d0, d1) -> (0, 0, 0)>
module attributes {stable_mosaic.version = 14 : i64} {
  func.func @k(%arg0: i32, %arg1: i32, %arg2: memref<2048x1024xf32, #tpu.memory_space<hbm>>, %arg3: memref<32x2x2x32xi32, #tpu.memory_space<hbm>>, %arg4: memref<32x128x128xf32, #tpu.memory_space<hbm>>, %arg5: memref<5120x1024xf32, #tpu.memory_space<hbm>>, %arg6: memref<5120x128xf32, #tpu.memory_space<hbm>>, %arg7: memref<2x2x32xi32, #tpu.memory_space<vmem>>, %arg8: memref<128x128xf32, #tpu.memory_space<vmem>>, %arg9: memref<2x32x1024xf32, #tpu.memory_space<vmem>>, %arg10: memref<!tpu.dma_semaphore, #tpu.memory_space<semaphore_mem>>, %arg11: memref<!tpu.dma_semaphore, #tpu.memory_space<semaphore_mem>>, %arg12: memref<!tpu.dma_semaphore, #tpu.memory_space<semaphore_mem>>, %arg13: memref<!tpu.dma_semaphore, #tpu.memory_space<semaphore_mem>>) attributes {dimension_semantics = [#tpu.dimension_semantics<core_parallel>, #tpu.dimension_semantics<subcore_parallel>], iteration_bounds = array<i64: 2, 16>, scalar_prefetch = 0 : i64, scratch_operands = 7 : i64, tpu.core_type = #tpu.core_type<sc_vector_subcore>, window_params = [{transform_indices = #map}, {transform_indices = #map1}, {transform_indices = #map2}, {transform_indices = #map}, {transform_indices = #map}]} {
    %mul3A = arith.constant 2 : i32
    %mul3A_0 = arith.muli %arg1, %mul3A : i32
    %add3A = arith.addi %mul3A_0, %arg0 : i32
    %mul3A_1 = arith.constant 64 : i32
    %mul3A_2 = arith.muli %add3A, %mul3A_1 : i32
    %dma_start3A = arith.constant 0 : i32
    %dma_start3A_3 = arith.constant 0 : i32
    %dma_start3A_4 = arith.constant 0 : i32
    %dma_start3A_5 = tpu.memref_slice %arg3[%add3A, %dma_start3A, %dma_start3A_3, %dma_start3A_4] : memref<32x2x2x32xi32, #tpu.memory_space<hbm>> -> memref<1x2x2x32xi32, #tpu.memory_space<hbm>>
    %dma_start3A_6 = tpu.memref_squeeze %dma_start3A_5 : memref<1x2x2x32xi32, #tpu.memory_space<hbm>> -> memref<2x2x32xi32, #tpu.memory_space<hbm>>
    %dma_start3A_7 = arith.constant 0 : i32
    %dma_start3A_8 = arith.constant 0 : i32
    %dma_start3A_9 = arith.constant 0 : i32
    %dma_start3A_10 = tpu.memref_slice %arg3[%add3A, %dma_start3A_7, %dma_start3A_8, %dma_start3A_9] : memref<32x2x2x32xi32, #tpu.memory_space<hbm>> -> memref<1x2x2x32xi32, #tpu.memory_space<hbm>>
    %dma_start3A_11 = tpu.memref_squeeze %dma_start3A_10 : memref<1x2x2x32xi32, #tpu.memory_space<hbm>> -> memref<2x2x32xi32, #tpu.memory_space<hbm>>
    tpu.enqueue_dma source(%dma_start3A_11 : memref<2x2x32xi32, #tpu.memory_space<hbm>>) target(%arg7 : memref<2x2x32xi32, #tpu.memory_space<vmem>>) target_semaphore(%arg11 : memref<!tpu.dma_semaphore, #tpu.memory_space<semaphore_mem>>)
    %dma_start3A_12 = arith.constant 0 : i32
    %dma_start3A_13 = arith.constant 0 : i32
    %dma_start3A_14 = tpu.memref_slice %arg4[%add3A, %dma_start3A_12, %dma_start3A_13] : memref<32x128x128xf32, #tpu.memory_space<hbm>> -> memref<1x128x128xf32, #tpu.memory_space<hbm>>
    %dma_start3A_15 = tpu.memref_squeeze %dma_start3A_14 : memref<1x128x128xf32, #tpu.memory_space<hbm>> -> memref<128x128xf32, #tpu.memory_space<hbm>>
    %dma_start3A_16 = arith.constant 0 : i32
    %dma_start3A_17 = arith.constant 0 : i32
    %dma_start3A_18 = tpu.memref_slice %arg4[%add3A, %dma_start3A_16, %dma_start3A_17] : memref<32x128x128xf32, #tpu.memory_space<hbm>> -> memref<1x128x128xf32, #tpu.memory_space<hbm>>
    %dma_start3A_19 = tpu.memref_squeeze %dma_start3A_18 : memref<1x128x128xf32, #tpu.memory_space<hbm>> -> memref<128x128xf32, #tpu.memory_space<hbm>>
    tpu.enqueue_dma source(%dma_start3A_19 : memref<128x128xf32, #tpu.memory_space<hbm>>) target(%arg8 : memref<128x128xf32, #tpu.memory_space<vmem>>) target_semaphore(%arg12 : memref<!tpu.dma_semaphore, #tpu.memory_space<semaphore_mem>>)
    %add3A_20 = arith.constant 0 : i32
    %add3A_21 = arith.addi %mul3A_2, %add3A_20 : i32
    %dma_start3A_22 = arith.constant 0 : i32
    %dma_start3A_23 = arith.constant 0 : i32
    %dma_start3A_24 = arith.constant 0 : i32
    %dma_start3A_25 = tpu.memref_slice %arg9[%dma_start3A_22, %dma_start3A_23, %dma_start3A_24] : memref<2x32x1024xf32, #tpu.memory_space<vmem>> -> memref<1x32x1024xf32, #tpu.memory_space<vmem>>
    %dma_start3A_26 = tpu.memref_squeeze %dma_start3A_25 : memref<1x32x1024xf32, #tpu.memory_space<vmem>> -> memref<32x1024xf32, #tpu.memory_space<vmem>>
    %dma_start3A_27 = arith.constant 0 : i32
    %dma_start3A_28 = tpu.memref_slice %arg2[%add3A_21, %dma_start3A_27] : memref<2048x1024xf32, #tpu.memory_space<hbm>> -> memref<32x1024xf32, #tpu.memory_space<hbm>>
    %dma_start3A_29 = arith.constant 0 : i32
    %dma_start3A_30 = arith.constant 0 : i32
    %dma_start3A_31 = tpu.memref_slice %arg9[%dma_start3A_22, %dma_start3A_29, %dma_start3A_30] : memref<2x32x1024xf32, #tpu.memory_space<vmem>> -> memref<1x32x1024xf32, #tpu.memory_space<vmem>>
    %dma_start3A_32 = tpu.memref_squeeze %dma_start3A_31 : memref<1x32x1024xf32, #tpu.memory_space<vmem>> -> memref<32x1024xf32, #tpu.memory_space<vmem>>
    %dma_start3A_33 = arith.constant 0 : i32
    %dma_start3A_34 = tpu.memref_slice %arg2[%add3A_21, %dma_start3A_33] : memref<2048x1024xf32, #tpu.memory_space<hbm>> -> memref<32x1024xf32, #tpu.memory_space<hbm>>
    tpu.enqueue_dma source(%dma_start3A_34 : memref<32x1024xf32, #tpu.memory_space<hbm>>) target(%dma_start3A_32 : memref<32x1024xf32, #tpu.memory_space<vmem>>) target_semaphore(%arg10 : memref<!tpu.dma_semaphore, #tpu.memory_space<semaphore_mem>>)
    %dma_wait3A = arith.constant 0 : i32
    %dma_wait3A_35 = arith.constant 0 : i32
    %dma_wait3A_36 = arith.constant 0 : i32
    %dma_wait3A_37 = tpu.memref_slice %arg3[%add3A, %dma_wait3A, %dma_wait3A_35, %dma_wait3A_36] : memref<32x2x2x32xi32, #tpu.memory_space<hbm>> -> memref<1x2x2x32xi32, #tpu.memory_space<hbm>>
    %dma_wait3A_38 = tpu.memref_squeeze %dma_wait3A_37 : memref<1x2x2x32xi32, #tpu.memory_space<hbm>> -> memref<2x2x32xi32, #tpu.memory_space<hbm>>
    %dma_wait3A_39 = arith.constant 0 : i32
    %dma_wait3A_40 = arith.constant 0 : i32
    %dma_wait3A_41 = arith.constant 0 : i32
    %dma_wait3A_42 = tpu.memref_slice %arg3[%add3A, %dma_wait3A_39, %dma_wait3A_40, %dma_wait3A_41] : memref<32x2x2x32xi32, #tpu.memory_space<hbm>> -> memref<1x2x2x32xi32, #tpu.memory_space<hbm>>
    %dma_wait3A_43 = tpu.memref_squeeze %dma_wait3A_42 : memref<1x2x2x32xi32, #tpu.memory_space<hbm>> -> memref<2x2x32xi32, #tpu.memory_space<hbm>>
    tpu.wait_dma2 semaphore(%arg11 : memref<!tpu.dma_semaphore, #tpu.memory_space<semaphore_mem>>) src(%dma_wait3A_43 : memref<2x2x32xi32, #tpu.memory_space<hbm>>) dst(%arg7 : memref<2x2x32xi32, #tpu.memory_space<vmem>>)
    %dma_wait3A_44 = arith.constant 0 : i32
    %dma_wait3A_45 = arith.constant 0 : i32
    %dma_wait3A_46 = tpu.memref_slice %arg4[%add3A, %dma_wait3A_44, %dma_wait3A_45] : memref<32x128x128xf32, #tpu.memory_space<hbm>> -> memref<1x128x128xf32, #tpu.memory_space<hbm>>
    %dma_wait3A_47 = tpu.memref_squeeze %dma_wait3A_46 : memref<1x128x128xf32, #tpu.memory_space<hbm>> -> memref<128x128xf32, #tpu.memory_space<hbm>>
    %dma_wait3A_48 = arith.constant 0 : i32
    %dma_wait3A_49 = arith.constant 0 : i32
    %dma_wait3A_50 = tpu.memref_slice %arg4[%add3A, %dma_wait3A_48, %dma_wait3A_49] : memref<32x128x128xf32, #tpu.memory_space<hbm>> -> memref<1x128x128xf32, #tpu.memory_space<hbm>>
    %dma_wait3A_51 = tpu.memref_squeeze %dma_wait3A_50 : memref<1x128x128xf32, #tpu.memory_space<hbm>> -> memref<128x128xf32, #tpu.memory_space<hbm>>
    tpu.wait_dma2 semaphore(%arg12 : memref<!tpu.dma_semaphore, #tpu.memory_space<semaphore_mem>>) src(%dma_wait3A_51 : memref<128x128xf32, #tpu.memory_space<hbm>>) dst(%arg8 : memref<128x128xf32, #tpu.memory_space<vmem>>)
    %dma_wait3A_52 = arith.constant 0 : i32
    %dma_wait3A_53 = arith.constant 0 : i32
    %dma_wait3A_54 = arith.constant 0 : i32
    %dma_wait3A_55 = tpu.memref_slice %arg9[%dma_wait3A_52, %dma_wait3A_53, %dma_wait3A_54] : memref<2x32x1024xf32, #tpu.memory_space<vmem>> -> memref<1x32x1024xf32, #tpu.memory_space<vmem>>
    %dma_wait3A_56 = tpu.memref_squeeze %dma_wait3A_55 : memref<1x32x1024xf32, #tpu.memory_space<vmem>> -> memref<32x1024xf32, #tpu.memory_space<vmem>>
    %dma_wait3A_57 = arith.constant 0 : i32
    %dma_wait3A_58 = tpu.memref_slice %arg2[%add3A_21, %dma_wait3A_57] : memref<2048x1024xf32, #tpu.memory_space<hbm>> -> memref<32x1024xf32, #tpu.memory_space<hbm>>
    %dma_wait3A_59 = arith.constant 0 : i32
    %dma_wait3A_60 = arith.constant 0 : i32
    %dma_wait3A_61 = tpu.memref_slice %arg9[%dma_wait3A_52, %dma_wait3A_59, %dma_wait3A_60] : memref<2x32x1024xf32, #tpu.memory_space<vmem>> -> memref<1x32x1024xf32, #tpu.memory_space<vmem>>
    %dma_wait3A_62 = tpu.memref_squeeze %dma_wait3A_61 : memref<1x32x1024xf32, #tpu.memory_space<vmem>> -> memref<32x1024xf32, #tpu.memory_space<vmem>>
    %dma_wait3A_63 = arith.constant 0 : i32
    %dma_wait3A_64 = tpu.memref_slice %arg2[%add3A_21, %dma_wait3A_63] : memref<2048x1024xf32, #tpu.memory_space<hbm>> -> memref<32x1024xf32, #tpu.memory_space<hbm>>
    tpu.wait_dma2 semaphore(%arg10 : memref<!tpu.dma_semaphore, #tpu.memory_space<semaphore_mem>>) src(%dma_wait3A_64 : memref<32x1024xf32, #tpu.memory_space<hbm>>) dst(%dma_wait3A_62 : memref<32x1024xf32, #tpu.memory_space<vmem>>)
    %add3A_65 = arith.constant 32 : i32
    %add3A_66 = arith.addi %mul3A_2, %add3A_65 : i32
    %dma_start3A_67 = arith.constant 1 : i32
    %dma_start3A_68 = arith.constant 0 : i32
    %dma_start3A_69 = arith.constant 0 : i32
    %dma_start3A_70 = tpu.memref_slice %arg9[%dma_start3A_67, %dma_start3A_68, %dma_start3A_69] : memref<2x32x1024xf32, #tpu.memory_space<vmem>> -> memref<1x32x1024xf32, #tpu.memory_space<vmem>>
    %dma_start3A_71 = tpu.memref_squeeze %dma_start3A_70 : memref<1x32x1024xf32, #tpu.memory_space<vmem>> -> memref<32x1024xf32, #tpu.memory_space<vmem>>
    %dma_start3A_72 = arith.constant 0 : i32
    %dma_start3A_73 = tpu.memref_slice %arg2[%add3A_66, %dma_start3A_72] : memref<2048x1024xf32, #tpu.memory_space<hbm>> -> memref<32x1024xf32, #tpu.memory_space<hbm>>
    %dma_start3A_74 = arith.constant 0 : i32
    %dma_start3A_75 = arith.constant 0 : i32
    %dma_start3A_76 = tpu.memref_slice %arg9[%dma_start3A_67, %dma_start3A_74, %dma_start3A_75] : memref<2x32x1024xf32, #tpu.memory_space<vmem>> -> memref<1x32x1024xf32, #tpu.memory_space<vmem>>
    %dma_start3A_77 = tpu.memref_squeeze %dma_start3A_76 : memref<1x32x1024xf32, #tpu.memory_space<vmem>> -> memref<32x1024xf32, #tpu.memory_space<vmem>>
    %dma_start3A_78 = arith.constant 0 : i32
    %dma_start3A_79 = tpu.memref_slice %arg2[%add3A_66, %dma_start3A_78] : memref<2048x1024xf32, #tpu.memory_space<hbm>> -> memref<32x1024xf32, #tpu.memory_space<hbm>>
    tpu.enqueue_dma source(%dma_start3A_79 : memref<32x1024xf32, #tpu.memory_space<hbm>>) target(%dma_start3A_77 : memref<32x1024xf32, #tpu.memory_space<vmem>>) target_semaphore(%arg10 : memref<!tpu.dma_semaphore, #tpu.memory_space<semaphore_mem>>)
    %dma_start3A_80 = arith.constant 0 : i32
    %dma_start3A_81 = arith.constant 0 : i32
    %dma_start3A_82 = arith.constant 0 : i32
    %dma_start3A_83 = arith.constant 0 : i32
    %dma_start3A_84 = arith.constant 0 : i32
    %dma_start3A_85 = tpu.memref_slice %arg9[%dma_start3A_80, %dma_start3A_83, %dma_start3A_84] : memref<2x32x1024xf32, #tpu.memory_space<vmem>> -> memref<1x32x1024xf32, #tpu.memory_space<vmem>>
    %dma_start3A_86 = tpu.memref_squeeze %dma_start3A_85 : memref<1x32x1024xf32, #tpu.memory_space<vmem>> -> memref<32x1024xf32, #tpu.memory_space<vmem>>
    %dma_start3A_87 = arith.constant 0 : i32
    %dma_start3A_88 = tpu.memref_slice %arg7[%dma_start3A_81, %dma_start3A_82, %dma_start3A_87] : memref<2x2x32xi32, #tpu.memory_space<vmem>> -> memref<1x1x32xi32, #tpu.memory_space<vmem>>
    %dma_start3A_89 = tpu.memref_squeeze %dma_start3A_88 : memref<1x1x32xi32, #tpu.memory_space<vmem>> -> memref<32xi32, #tpu.memory_space<vmem>>
    %dma_start3A_90 = arith.constant 0 : i32
    %dma_start3A_91 = arith.constant 0 : i32
    %dma_start3A_92 = tpu.memref_slice %arg5[%dma_start3A_90, %dma_start3A_91] : memref<5120x1024xf32, #tpu.memory_space<hbm>> -> memref<5120x1024xf32, #tpu.memory_space<hbm>>
    tpu.enqueue_indirect_dma source(%dma_start3A_86 : memref<32x1024xf32, #tpu.memory_space<vmem>>) target(%dma_start3A_92 : memref<5120x1024xf32, #tpu.memory_space<hbm>>) offsets(%dma_start3A_89 : memref<32xi32, #tpu.memory_space<vmem>>) semaphore(%arg11 : memref<!tpu.dma_semaphore, #tpu.memory_space<semaphore_mem>>)
    %dma_start3A_93 = arith.constant 0 : i32
    %dma_start3A_94 = arith.constant 1 : i32
    %dma_start3A_95 = arith.constant 0 : i32
    %dma_start3A_96 = arith.constant 0 : i32
    %dma_start3A_97 = arith.constant 0 : i32
    %dma_start3A_98 = tpu.memref_slice %arg9[%dma_start3A_93, %dma_start3A_96, %dma_start3A_97] : memref<2x32x1024xf32, #tpu.memory_space<vmem>> -> memref<1x32x1024xf32, #tpu.memory_space<vmem>>
    %dma_start3A_99 = tpu.memref_squeeze %dma_start3A_98 : memref<1x32x1024xf32, #tpu.memory_space<vmem>> -> memref<32x1024xf32, #tpu.memory_space<vmem>>
    %dma_start3A_100 = arith.constant 0 : i32
    %dma_start3A_101 = tpu.memref_slice %arg7[%dma_start3A_94, %dma_start3A_95, %dma_start3A_100] : memref<2x2x32xi32, #tpu.memory_space<vmem>> -> memref<1x1x32xi32, #tpu.memory_space<vmem>>
    %dma_start3A_102 = tpu.memref_squeeze %dma_start3A_101 : memref<1x1x32xi32, #tpu.memory_space<vmem>> -> memref<32xi32, #tpu.memory_space<vmem>>
    %dma_start3A_103 = arith.constant 0 : i32
    %dma_start3A_104 = arith.constant 0 : i32
    %dma_start3A_105 = tpu.memref_slice %arg5[%dma_start3A_103, %dma_start3A_104] : memref<5120x1024xf32, #tpu.memory_space<hbm>> -> memref<5120x1024xf32, #tpu.memory_space<hbm>>
    tpu.enqueue_indirect_dma source(%dma_start3A_99 : memref<32x1024xf32, #tpu.memory_space<vmem>>) target(%dma_start3A_105 : memref<5120x1024xf32, #tpu.memory_space<hbm>>) offsets(%dma_start3A_102 : memref<32xi32, #tpu.memory_space<vmem>>) semaphore(%arg12 : memref<!tpu.dma_semaphore, #tpu.memory_space<semaphore_mem>>)
    %dma_start3A_106 = arith.constant 0 : i32
    %dma_start3A_107 = arith.constant 0 : i32
    %dma_start3A_108 = arith.constant 0 : i32
    %dma_start3A_109 = arith.constant 0 : i32
    %dma_start3A_110 = tpu.memref_slice %arg8[%dma_start3A_108, %dma_start3A_109] : memref<128x128xf32, #tpu.memory_space<vmem>> -> memref<32x128xf32, #tpu.memory_space<vmem>>
    %dma_start3A_111 = arith.constant 0 : i32
    %dma_start3A_112 = tpu.memref_slice %arg7[%dma_start3A_106, %dma_start3A_107, %dma_start3A_111] : memref<2x2x32xi32, #tpu.memory_space<vmem>> -> memref<1x1x32xi32, #tpu.memory_space<vmem>>
    %dma_start3A_113 = tpu.memref_squeeze %dma_start3A_112 : memref<1x1x32xi32, #tpu.memory_space<vmem>> -> memref<32xi32, #tpu.memory_space<vmem>>
    %dma_start3A_114 = arith.constant 0 : i32
    %dma_start3A_115 = arith.constant 0 : i32
    %dma_start3A_116 = tpu.memref_slice %arg6[%dma_start3A_114, %dma_start3A_115] : memref<5120x128xf32, #tpu.memory_space<hbm>> -> memref<5120x128xf32, #tpu.memory_space<hbm>>
    tpu.enqueue_indirect_dma source(%dma_start3A_110 : memref<32x128xf32, #tpu.memory_space<vmem>>) target(%dma_start3A_116 : memref<5120x128xf32, #tpu.memory_space<hbm>>) offsets(%dma_start3A_113 : memref<32xi32, #tpu.memory_space<vmem>>) semaphore(%arg13 : memref<!tpu.dma_semaphore, #tpu.memory_space<semaphore_mem>>)
    %dma_start3A_117 = arith.constant 1 : i32
    %dma_start3A_118 = arith.constant 0 : i32
    %dma_start3A_119 = arith.constant 64 : i32
    %dma_start3A_120 = arith.constant 0 : i32
    %dma_start3A_121 = tpu.memref_slice %arg8[%dma_start3A_119, %dma_start3A_120] : memref<128x128xf32, #tpu.memory_space<vmem>> -> memref<32x128xf32, #tpu.memory_space<vmem>>
    %dma_start3A_122 = arith.constant 0 : i32
    %dma_start3A_123 = tpu.memref_slice %arg7[%dma_start3A_117, %dma_start3A_118, %dma_start3A_122] : memref<2x2x32xi32, #tpu.memory_space<vmem>> -> memref<1x1x32xi32, #tpu.memory_space<vmem>>
    %dma_start3A_124 = tpu.memref_squeeze %dma_start3A_123 : memref<1x1x32xi32, #tpu.memory_space<vmem>> -> memref<32xi32, #tpu.memory_space<vmem>>
    %dma_start3A_125 = arith.constant 0 : i32
    %dma_start3A_126 = arith.constant 0 : i32
    %dma_start3A_127 = tpu.memref_slice %arg6[%dma_start3A_125, %dma_start3A_126] : memref<5120x128xf32, #tpu.memory_space<hbm>> -> memref<5120x128xf32, #tpu.memory_space<hbm>>
    tpu.enqueue_indirect_dma source(%dma_start3A_121 : memref<32x128xf32, #tpu.memory_space<vmem>>) target(%dma_start3A_127 : memref<5120x128xf32, #tpu.memory_space<hbm>>) offsets(%dma_start3A_124 : memref<32xi32, #tpu.memory_space<vmem>>) semaphore(%arg13 : memref<!tpu.dma_semaphore, #tpu.memory_space<semaphore_mem>>)
    %dma_wait3A_128 = arith.constant 1 : i32
    %dma_wait3A_129 = arith.constant 0 : i32
    %dma_wait3A_130 = arith.constant 0 : i32
    %dma_wait3A_131 = tpu.memref_slice %arg9[%dma_wait3A_128, %dma_wait3A_129, %dma_wait3A_130] : memref<2x32x1024xf32, #tpu.memory_space<vmem>> -> memref<1x32x1024xf32, #tpu.memory_space<vmem>>
    %dma_wait3A_132 = tpu.memref_squeeze %dma_wait3A_131 : memref<1x32x1024xf32, #tpu.memory_space<vmem>> -> memref<32x1024xf32, #tpu.memory_space<vmem>>
    %dma_wait3A_133 = arith.constant 0 : i32
    %dma_wait3A_134 = tpu.memref_slice %arg2[%add3A_66, %dma_wait3A_133] : memref<2048x1024xf32, #tpu.memory_space<hbm>> -> memref<32x1024xf32, #tpu.memory_space<hbm>>
    %dma_wait3A_135 = arith.constant 0 : i32
    %dma_wait3A_136 = arith.constant 0 : i32
    %dma_wait3A_137 = tpu.memref_slice %arg9[%dma_wait3A_128, %dma_wait3A_135, %dma_wait3A_136] : memref<2x32x1024xf32, #tpu.memory_space<vmem>> -> memref<1x32x1024xf32, #tpu.memory_space<vmem>>
    %dma_wait3A_138 = tpu.memref_squeeze %dma_wait3A_137 : memref<1x32x1024xf32, #tpu.memory_space<vmem>> -> memref<32x1024xf32, #tpu.memory_space<vmem>>
    %dma_wait3A_139 = arith.constant 0 : i32
    %dma_wait3A_140 = tpu.memref_slice %arg2[%add3A_66, %dma_wait3A_139] : memref<2048x1024xf32, #tpu.memory_space<hbm>> -> memref<32x1024xf32, #tpu.memory_space<hbm>>
    tpu.wait_dma2 semaphore(%arg10 : memref<!tpu.dma_semaphore, #tpu.memory_space<semaphore_mem>>) src(%dma_wait3A_140 : memref<32x1024xf32, #tpu.memory_space<hbm>>) dst(%dma_wait3A_138 : memref<32x1024xf32, #tpu.memory_space<vmem>>)
    %dma_wait3A_141 = arith.constant 0 : i32
    %dma_wait3A_142 = arith.constant 0 : i32
    %dma_wait3A_143 = arith.constant 0 : i32
    %dma_wait3A_144 = arith.constant 0 : i32
    %dma_wait3A_145 = arith.constant 0 : i32
    %dma_wait3A_146 = tpu.memref_slice %arg9[%dma_wait3A_141, %dma_wait3A_144, %dma_wait3A_145] : memref<2x32x1024xf32, #tpu.memory_space<vmem>> -> memref<1x32x1024xf32, #tpu.memory_space<vmem>>
    %dma_wait3A_147 = tpu.memref_squeeze %dma_wait3A_146 : memref<1x32x1024xf32, #tpu.memory_space<vmem>> -> memref<32x1024xf32, #tpu.memory_space<vmem>>
    %dma_wait3A_148 = arith.constant 0 : i32
    %dma_wait3A_149 = tpu.memref_slice %arg7[%dma_wait3A_142, %dma_wait3A_143, %dma_wait3A_148] : memref<2x2x32xi32, #tpu.memory_space<vmem>> -> memref<1x1x32xi32, #tpu.memory_space<vmem>>
    %dma_wait3A_150 = tpu.memref_squeeze %dma_wait3A_149 : memref<1x1x32xi32, #tpu.memory_space<vmem>> -> memref<32xi32, #tpu.memory_space<vmem>>
    %dma_wait3A_151 = arith.constant 0 : i32
    %dma_wait3A_152 = arith.constant 0 : i32
    %dma_wait3A_153 = tpu.memref_slice %arg5[%dma_wait3A_151, %dma_wait3A_152] : memref<5120x1024xf32, #tpu.memory_space<hbm>> -> memref<5120x1024xf32, #tpu.memory_space<hbm>>
    tpu.wait_indirect_dma semaphore(%arg11 : memref<!tpu.dma_semaphore, #tpu.memory_space<semaphore_mem>>) src(%dma_wait3A_147 : memref<32x1024xf32, #tpu.memory_space<vmem>>) dst(%dma_wait3A_153 : memref<5120x1024xf32, #tpu.memory_space<hbm>>)
    %dma_wait3A_154 = arith.constant 0 : i32
    %dma_wait3A_155 = arith.constant 1 : i32
    %dma_wait3A_156 = arith.constant 0 : i32
    %dma_wait3A_157 = arith.constant 0 : i32
    %dma_wait3A_158 = arith.constant 0 : i32
    %dma_wait3A_159 = tpu.memref_slice %arg9[%dma_wait3A_154, %dma_wait3A_157, %dma_wait3A_158] : memref<2x32x1024xf32, #tpu.memory_space<vmem>> -> memref<1x32x1024xf32, #tpu.memory_space<vmem>>
    %dma_wait3A_160 = tpu.memref_squeeze %dma_wait3A_159 : memref<1x32x1024xf32, #tpu.memory_space<vmem>> -> memref<32x1024xf32, #tpu.memory_space<vmem>>
    %dma_wait3A_161 = arith.constant 0 : i32
    %dma_wait3A_162 = tpu.memref_slice %arg7[%dma_wait3A_155, %dma_wait3A_156, %dma_wait3A_161] : memref<2x2x32xi32, #tpu.memory_space<vmem>> -> memref<1x1x32xi32, #tpu.memory_space<vmem>>
    %dma_wait3A_163 = tpu.memref_squeeze %dma_wait3A_162 : memref<1x1x32xi32, #tpu.memory_space<vmem>> -> memref<32xi32, #tpu.memory_space<vmem>>
    %dma_wait3A_164 = arith.constant 0 : i32
    %dma_wait3A_165 = arith.constant 0 : i32
    %dma_wait3A_166 = tpu.memref_slice %arg5[%dma_wait3A_164, %dma_wait3A_165] : memref<5120x1024xf32, #tpu.memory_space<hbm>> -> memref<5120x1024xf32, #tpu.memory_space<hbm>>
    tpu.wait_indirect_dma semaphore(%arg12 : memref<!tpu.dma_semaphore, #tpu.memory_space<semaphore_mem>>) src(%dma_wait3A_160 : memref<32x1024xf32, #tpu.memory_space<vmem>>) dst(%dma_wait3A_166 : memref<5120x1024xf32, #tpu.memory_space<hbm>>)
    %dma_wait3A_167 = arith.constant 0 : i32
    %dma_wait3A_168 = arith.constant 0 : i32
    %dma_wait3A_169 = arith.constant 0 : i32
    %dma_wait3A_170 = arith.constant 0 : i32
    %dma_wait3A_171 = tpu.memref_slice %arg8[%dma_wait3A_169, %dma_wait3A_170] : memref<128x128xf32, #tpu.memory_space<vmem>> -> memref<32x128xf32, #tpu.memory_space<vmem>>
    %dma_wait3A_172 = arith.constant 0 : i32
    %dma_wait3A_173 = tpu.memref_slice %arg7[%dma_wait3A_167, %dma_wait3A_168, %dma_wait3A_172] : memref<2x2x32xi32, #tpu.memory_space<vmem>> -> memref<1x1x32xi32, #tpu.memory_space<vmem>>
    %dma_wait3A_174 = tpu.memref_squeeze %dma_wait3A_173 : memref<1x1x32xi32, #tpu.memory_space<vmem>> -> memref<32xi32, #tpu.memory_space<vmem>>
    %dma_wait3A_175 = arith.constant 0 : i32
    %dma_wait3A_176 = arith.constant 0 : i32
    %dma_wait3A_177 = tpu.memref_slice %arg6[%dma_wait3A_175, %dma_wait3A_176] : memref<5120x128xf32, #tpu.memory_space<hbm>> -> memref<5120x128xf32, #tpu.memory_space<hbm>>
    tpu.wait_indirect_dma semaphore(%arg13 : memref<!tpu.dma_semaphore, #tpu.memory_space<semaphore_mem>>) src(%dma_wait3A_171 : memref<32x128xf32, #tpu.memory_space<vmem>>) dst(%dma_wait3A_177 : memref<5120x128xf32, #tpu.memory_space<hbm>>)
    %dma_wait3A_178 = arith.constant 1 : i32
    %dma_wait3A_179 = arith.constant 0 : i32
    %dma_wait3A_180 = arith.constant 64 : i32
    %dma_wait3A_181 = arith.constant 0 : i32
    %dma_wait3A_182 = tpu.memref_slice %arg8[%dma_wait3A_180, %dma_wait3A_181] : memref<128x128xf32, #tpu.memory_space<vmem>> -> memref<32x128xf32, #tpu.memory_space<vmem>>
    %dma_wait3A_183 = arith.constant 0 : i32
    %dma_wait3A_184 = tpu.memref_slice %arg7[%dma_wait3A_178, %dma_wait3A_179, %dma_wait3A_183] : memref<2x2x32xi32, #tpu.memory_space<vmem>> -> memref<1x1x32xi32, #tpu.memory_space<vmem>>
    %dma_wait3A_185 = tpu.memref_squeeze %dma_wait3A_184 : memref<1x1x32xi32, #tpu.memory_space<vmem>> -> memref<32xi32, #tpu.memory_space<vmem>>
    %dma_wait3A_186 = arith.constant 0 : i32
    %dma_wait3A_187 = arith.constant 0 : i32
    %dma_wait3A_188 = tpu.memref_slice %arg6[%dma_wait3A_186, %dma_wait3A_187] : memref<5120x128xf32, #tpu.memory_space<hbm>> -> memref<5120x128xf32, #tpu.memory_space<hbm>>
    tpu.wait_indirect_dma semaphore(%arg13 : memref<!tpu.dma_semaphore, #tpu.memory_space<semaphore_mem>>) src(%dma_wait3A_182 : memref<32x128xf32, #tpu.memory_space<vmem>>) dst(%dma_wait3A_188 : memref<5120x128xf32, #tpu.memory_space<hbm>>)
    %dma_start3A_189 = arith.constant 1 : i32
    %dma_start3A_190 = arith.constant 0 : i32
    %dma_start3A_191 = arith.constant 1 : i32
    %dma_start3A_192 = arith.constant 0 : i32
    %dma_start3A_193 = arith.constant 0 : i32
    %dma_start3A_194 = tpu.memref_slice %arg9[%dma_start3A_189, %dma_start3A_192, %dma_start3A_193] : memref<2x32x1024xf32, #tpu.memory_space<vmem>> -> memref<1x32x1024xf32, #tpu.memory_space<vmem>>
    %dma_start3A_195 = tpu.memref_squeeze %dma_start3A_194 : memref<1x32x1024xf32, #tpu.memory_space<vmem>> -> memref<32x1024xf32, #tpu.memory_space<vmem>>
    %dma_start3A_196 = arith.constant 0 : i32
    %dma_start3A_197 = tpu.memref_slice %arg7[%dma_start3A_190, %dma_start3A_191, %dma_start3A_196] : memref<2x2x32xi32, #tpu.memory_space<vmem>> -> memref<1x1x32xi32, #tpu.memory_space<vmem>>
    %dma_start3A_198 = tpu.memref_squeeze %dma_start3A_197 : memref<1x1x32xi32, #tpu.memory_space<vmem>> -> memref<32xi32, #tpu.memory_space<vmem>>
    %dma_start3A_199 = arith.constant 0 : i32
    %dma_start3A_200 = arith.constant 0 : i32
    %dma_start3A_201 = tpu.memref_slice %arg5[%dma_start3A_199, %dma_start3A_200] : memref<5120x1024xf32, #tpu.memory_space<hbm>> -> memref<5120x1024xf32, #tpu.memory_space<hbm>>
    tpu.enqueue_indirect_dma source(%dma_start3A_195 : memref<32x1024xf32, #tpu.memory_space<vmem>>) target(%dma_start3A_201 : memref<5120x1024xf32, #tpu.memory_space<hbm>>) offsets(%dma_start3A_198 : memref<32xi32, #tpu.memory_space<vmem>>) semaphore(%arg11 : memref<!tpu.dma_semaphore, #tpu.memory_space<semaphore_mem>>)
    %dma_start3A_202 = arith.constant 1 : i32
    %dma_start3A_203 = arith.constant 1 : i32
    %dma_start3A_204 = arith.constant 1 : i32
    %dma_start3A_205 = arith.constant 0 : i32
    %dma_start3A_206 = arith.constant 0 : i32
    %dma_start3A_207 = tpu.memref_slice %arg9[%dma_start3A_202, %dma_start3A_205, %dma_start3A_206] : memref<2x32x1024xf32, #tpu.memory_space<vmem>> -> memref<1x32x1024xf32, #tpu.memory_space<vmem>>
    %dma_start3A_208 = tpu.memref_squeeze %dma_start3A_207 : memref<1x32x1024xf32, #tpu.memory_space<vmem>> -> memref<32x1024xf32, #tpu.memory_space<vmem>>
    %dma_start3A_209 = arith.constant 0 : i32
    %dma_start3A_210 = tpu.memref_slice %arg7[%dma_start3A_203, %dma_start3A_204, %dma_start3A_209] : memref<2x2x32xi32, #tpu.memory_space<vmem>> -> memref<1x1x32xi32, #tpu.memory_space<vmem>>
    %dma_start3A_211 = tpu.memref_squeeze %dma_start3A_210 : memref<1x1x32xi32, #tpu.memory_space<vmem>> -> memref<32xi32, #tpu.memory_space<vmem>>
    %dma_start3A_212 = arith.constant 0 : i32
    %dma_start3A_213 = arith.constant 0 : i32
    %dma_start3A_214 = tpu.memref_slice %arg5[%dma_start3A_212, %dma_start3A_213] : memref<5120x1024xf32, #tpu.memory_space<hbm>> -> memref<5120x1024xf32, #tpu.memory_space<hbm>>
    tpu.enqueue_indirect_dma source(%dma_start3A_208 : memref<32x1024xf32, #tpu.memory_space<vmem>>) target(%dma_start3A_214 : memref<5120x1024xf32, #tpu.memory_space<hbm>>) offsets(%dma_start3A_211 : memref<32xi32, #tpu.memory_space<vmem>>) semaphore(%arg12 : memref<!tpu.dma_semaphore, #tpu.memory_space<semaphore_mem>>)
    %dma_start3A_215 = arith.constant 0 : i32
    %dma_start3A_216 = arith.constant 1 : i32
    %dma_start3A_217 = arith.constant 32 : i32
    %dma_start3A_218 = arith.constant 0 : i32
    %dma_start3A_219 = tpu.memref_slice %arg8[%dma_start3A_217, %dma_start3A_218] : memref<128x128xf32, #tpu.memory_space<vmem>> -> memref<32x128xf32, #tpu.memory_space<vmem>>
    %dma_start3A_220 = arith.constant 0 : i32
    %dma_start3A_221 = tpu.memref_slice %arg7[%dma_start3A_215, %dma_start3A_216, %dma_start3A_220] : memref<2x2x32xi32, #tpu.memory_space<vmem>> -> memref<1x1x32xi32, #tpu.memory_space<vmem>>
    %dma_start3A_222 = tpu.memref_squeeze %dma_start3A_221 : memref<1x1x32xi32, #tpu.memory_space<vmem>> -> memref<32xi32, #tpu.memory_space<vmem>>
    %dma_start3A_223 = arith.constant 0 : i32
    %dma_start3A_224 = arith.constant 0 : i32
    %dma_start3A_225 = tpu.memref_slice %arg6[%dma_start3A_223, %dma_start3A_224] : memref<5120x128xf32, #tpu.memory_space<hbm>> -> memref<5120x128xf32, #tpu.memory_space<hbm>>
    tpu.enqueue_indirect_dma source(%dma_start3A_219 : memref<32x128xf32, #tpu.memory_space<vmem>>) target(%dma_start3A_225 : memref<5120x128xf32, #tpu.memory_space<hbm>>) offsets(%dma_start3A_222 : memref<32xi32, #tpu.memory_space<vmem>>) semaphore(%arg13 : memref<!tpu.dma_semaphore, #tpu.memory_space<semaphore_mem>>)
    %dma_start3A_226 = arith.constant 1 : i32
    %dma_start3A_227 = arith.constant 1 : i32
    %dma_start3A_228 = arith.constant 96 : i32
    %dma_start3A_229 = arith.constant 0 : i32
    %dma_start3A_230 = tpu.memref_slice %arg8[%dma_start3A_228, %dma_start3A_229] : memref<128x128xf32, #tpu.memory_space<vmem>> -> memref<32x128xf32, #tpu.memory_space<vmem>>
    %dma_start3A_231 = arith.constant 0 : i32
    %dma_start3A_232 = tpu.memref_slice %arg7[%dma_start3A_226, %dma_start3A_227, %dma_start3A_231] : memref<2x2x32xi32, #tpu.memory_space<vmem>> -> memref<1x1x32xi32, #tpu.memory_space<vmem>>
    %dma_start3A_233 = tpu.memref_squeeze %dma_start3A_232 : memref<1x1x32xi32, #tpu.memory_space<vmem>> -> memref<32xi32, #tpu.memory_space<vmem>>
    %dma_start3A_234 = arith.constant 0 : i32
    %dma_start3A_235 = arith.constant 0 : i32
    %dma_start3A_236 = tpu.memref_slice %arg6[%dma_start3A_234, %dma_start3A_235] : memref<5120x128xf32, #tpu.memory_space<hbm>> -> memref<5120x128xf32, #tpu.memory_space<hbm>>
    tpu.enqueue_indirect_dma source(%dma_start3A_230 : memref<32x128xf32, #tpu.memory_space<vmem>>) target(%dma_start3A_236 : memref<5120x128xf32, #tpu.memory_space<hbm>>) offsets(%dma_start3A_233 : memref<32xi32, #tpu.memory_space<vmem>>) semaphore(%arg13 : memref<!tpu.dma_semaphore, #tpu.memory_space<semaphore_mem>>)
    %dma_wait3A_237 = arith.constant 1 : i32
    %dma_wait3A_238 = arith.constant 0 : i32
    %dma_wait3A_239 = arith.constant 1 : i32
    %dma_wait3A_240 = arith.constant 0 : i32
    %dma_wait3A_241 = arith.constant 0 : i32
    %dma_wait3A_242 = tpu.memref_slice %arg9[%dma_wait3A_237, %dma_wait3A_240, %dma_wait3A_241] : memref<2x32x1024xf32, #tpu.memory_space<vmem>> -> memref<1x32x1024xf32, #tpu.memory_space<vmem>>
    %dma_wait3A_243 = tpu.memref_squeeze %dma_wait3A_242 : memref<1x32x1024xf32, #tpu.memory_space<vmem>> -> memref<32x1024xf32, #tpu.memory_space<vmem>>
    %dma_wait3A_244 = arith.constant 0 : i32
    %dma_wait3A_245 = tpu.memref_slice %arg7[%dma_wait3A_238, %dma_wait3A_239, %dma_wait3A_244] : memref<2x2x32xi32, #tpu.memory_space<vmem>> -> memref<1x1x32xi32, #tpu.memory_space<vmem>>
    %dma_wait3A_246 = tpu.memref_squeeze %dma_wait3A_245 : memref<1x1x32xi32, #tpu.memory_space<vmem>> -> memref<32xi32, #tpu.memory_space<vmem>>
    %dma_wait3A_247 = arith.constant 0 : i32
    %dma_wait3A_248 = arith.constant 0 : i32
    %dma_wait3A_249 = tpu.memref_slice %arg5[%dma_wait3A_247, %dma_wait3A_248] : memref<5120x1024xf32, #tpu.memory_space<hbm>> -> memref<5120x1024xf32, #tpu.memory_space<hbm>>
    tpu.wait_indirect_dma semaphore(%arg11 : memref<!tpu.dma_semaphore, #tpu.memory_space<semaphore_mem>>) src(%dma_wait3A_243 : memref<32x1024xf32, #tpu.memory_space<vmem>>) dst(%dma_wait3A_249 : memref<5120x1024xf32, #tpu.memory_space<hbm>>)
    %dma_wait3A_250 = arith.constant 1 : i32
    %dma_wait3A_251 = arith.constant 1 : i32
    %dma_wait3A_252 = arith.constant 1 : i32
    %dma_wait3A_253 = arith.constant 0 : i32
    %dma_wait3A_254 = arith.constant 0 : i32
    %dma_wait3A_255 = tpu.memref_slice %arg9[%dma_wait3A_250, %dma_wait3A_253, %dma_wait3A_254] : memref<2x32x1024xf32, #tpu.memory_space<vmem>> -> memref<1x32x1024xf32, #tpu.memory_space<vmem>>
    %dma_wait3A_256 = tpu.memref_squeeze %dma_wait3A_255 : memref<1x32x1024xf32, #tpu.memory_space<vmem>> -> memref<32x1024xf32, #tpu.memory_space<vmem>>
    %dma_wait3A_257 = arith.constant 0 : i32
    %dma_wait3A_258 = tpu.memref_slice %arg7[%dma_wait3A_251, %dma_wait3A_252, %dma_wait3A_257] : memref<2x2x32xi32, #tpu.memory_space<vmem>> -> memref<1x1x32xi32, #tpu.memory_space<vmem>>
    %dma_wait3A_259 = tpu.memref_squeeze %dma_wait3A_258 : memref<1x1x32xi32, #tpu.memory_space<vmem>> -> memref<32xi32, #tpu.memory_space<vmem>>
    %dma_wait3A_260 = arith.constant 0 : i32
    %dma_wait3A_261 = arith.constant 0 : i32
    %dma_wait3A_262 = tpu.memref_slice %arg5[%dma_wait3A_260, %dma_wait3A_261] : memref<5120x1024xf32, #tpu.memory_space<hbm>> -> memref<5120x1024xf32, #tpu.memory_space<hbm>>
    tpu.wait_indirect_dma semaphore(%arg12 : memref<!tpu.dma_semaphore, #tpu.memory_space<semaphore_mem>>) src(%dma_wait3A_256 : memref<32x1024xf32, #tpu.memory_space<vmem>>) dst(%dma_wait3A_262 : memref<5120x1024xf32, #tpu.memory_space<hbm>>)
    %dma_wait3A_263 = arith.constant 0 : i32
    %dma_wait3A_264 = arith.constant 1 : i32
    %dma_wait3A_265 = arith.constant 32 : i32
    %dma_wait3A_266 = arith.constant 0 : i32
    %dma_wait3A_267 = tpu.memref_slice %arg8[%dma_wait3A_265, %dma_wait3A_266] : memref<128x128xf32, #tpu.memory_space<vmem>> -> memref<32x128xf32, #tpu.memory_space<vmem>>
    %dma_wait3A_268 = arith.constant 0 : i32
    %dma_wait3A_269 = tpu.memref_slice %arg7[%dma_wait3A_263, %dma_wait3A_264, %dma_wait3A_268] : memref<2x2x32xi32, #tpu.memory_space<vmem>> -> memref<1x1x32xi32, #tpu.memory_space<vmem>>
    %dma_wait3A_270 = tpu.memref_squeeze %dma_wait3A_269 : memref<1x1x32xi32, #tpu.memory_space<vmem>> -> memref<32xi32, #tpu.memory_space<vmem>>
    %dma_wait3A_271 = arith.constant 0 : i32
    %dma_wait3A_272 = arith.constant 0 : i32
    %dma_wait3A_273 = tpu.memref_slice %arg6[%dma_wait3A_271, %dma_wait3A_272] : memref<5120x128xf32, #tpu.memory_space<hbm>> -> memref<5120x128xf32, #tpu.memory_space<hbm>>
    tpu.wait_indirect_dma semaphore(%arg13 : memref<!tpu.dma_semaphore, #tpu.memory_space<semaphore_mem>>) src(%dma_wait3A_267 : memref<32x128xf32, #tpu.memory_space<vmem>>) dst(%dma_wait3A_273 : memref<5120x128xf32, #tpu.memory_space<hbm>>)
    %dma_wait3A_274 = arith.constant 1 : i32
    %dma_wait3A_275 = arith.constant 1 : i32
    %dma_wait3A_276 = arith.constant 96 : i32
    %dma_wait3A_277 = arith.constant 0 : i32
    %dma_wait3A_278 = tpu.memref_slice %arg8[%dma_wait3A_276, %dma_wait3A_277] : memref<128x128xf32, #tpu.memory_space<vmem>> -> memref<32x128xf32, #tpu.memory_space<vmem>>
    %dma_wait3A_279 = arith.constant 0 : i32
    %dma_wait3A_280 = tpu.memref_slice %arg7[%dma_wait3A_274, %dma_wait3A_275, %dma_wait3A_279] : memref<2x2x32xi32, #tpu.memory_space<vmem>> -> memref<1x1x32xi32, #tpu.memory_space<vmem>>
    %dma_wait3A_281 = tpu.memref_squeeze %dma_wait3A_280 : memref<1x1x32xi32, #tpu.memory_space<vmem>> -> memref<32xi32, #tpu.memory_space<vmem>>
    %dma_wait3A_282 = arith.constant 0 : i32
    %dma_wait3A_283 = arith.constant 0 : i32
    %dma_wait3A_284 = tpu.memref_slice %arg6[%dma_wait3A_282, %dma_wait3A_283] : memref<5120x128xf32, #tpu.memory_space<hbm>> -> memref<5120x128xf32, #tpu.memory_space<hbm>>
    tpu.wait_indirect_dma semaphore(%arg13 : memref<!tpu.dma_semaphore, #tpu.memory_space<semaphore_mem>>) src(%dma_wait3A_278 : memref<32x128xf32, #tpu.memory_space<vmem>>) dst(%dma_wait3A_284 : memref<5120x128xf32, #tpu.memory_space<hbm>>)
    return
  }
}

module attributes {stable_mosaic.version = 14 : i64} {
  func.func @_router_body(%arg0: i32, %arg1: memref<256x1024xf32, #tpu.memory_space<vmem>>, %arg2: memref<8x1024xf32, #tpu.memory_space<vmem>>, %arg3: memref<256x2xi32, #tpu.memory_space<vmem>>, %arg4: memref<256x2xf32, #tpu.memory_space<vmem>>) attributes {dimension_semantics = [#tpu.dimension_semantics<arbitrary>], iteration_bounds = array<i64: 8>, scalar_prefetch = 0 : i64, scratch_operands = 0 : i64, tpu.core_type = #tpu.core_type<tc>, window_params = [{transform_indices = @transform_0, window_bounds = array<i64: 256, 1024>}, {pipeline_mode = #tpu.pipeline_mode<synchronous>, transform_indices = @transform_1, window_bounds = array<i64: 8, 1024>}, {transform_indices = @transform_2, window_bounds = array<i64: 256, 2>}, {transform_indices = @transform_3, window_bounds = array<i64: 256, 2>}]} {
    %get3A = arith.constant 0 : index
    %get3A_0 = arith.constant 0 : index
    %get3A_1 = vector.load %arg1[%get3A, %get3A_0] : memref<256x1024xf32, #tpu.memory_space<vmem>>, vector<256x1024xf32>
    %get3A_2 = arith.constant 0 : index
    %get3A_3 = arith.constant 0 : index
    %get3A_4 = vector.load %arg2[%get3A_2, %get3A_3] : memref<8x1024xf32, #tpu.memory_space<vmem>>, vector<8x1024xf32>
    %dot_general3A = arith.constant dense<0.000000e+00> : vector<256x8xf32>
    %dot_general3A_5 = tpu.matmul %get3A_1, %get3A_4, %dot_general3A {dimension_numbers = #tpu.dot_dimension_numbers<[1], [1], [0], [0], [0, 0, 1, 0], [], []>, transpose_lhs_hint = false} : vector<256x1024xf32>, vector<8x1024xf32>, vector<256x8xf32> -> vector<256x8xf32>
    %reduce_max3A = arith.constant dense<0xFF800000> : vector<256xf32>
    %reduce_max3A_6 = vector.multi_reduction <maximumf>, %dot_general3A_5, %reduce_max3A [1] : vector<256x8xf32> to vector<256xf32>
    %broadcast_in_dim3A = vector.shape_cast %reduce_max3A_6 : vector<256xf32> to vector<256x1xf32>
    %sub3A = vector.broadcast %broadcast_in_dim3A : vector<256x1xf32> to vector<256x8xf32>
    %sub3A_7 = arith.subf %dot_general3A_5, %sub3A : vector<256x8xf32>
    %exp3A = math.exp %sub3A_7 : vector<256x8xf32>
    %reduce_sum3A = arith.constant dense<0.000000e+00> : vector<256xf32>
    %reduce_sum3A_8 = vector.multi_reduction <add>, %exp3A, %reduce_sum3A [1] : vector<256x8xf32> to vector<256xf32>
    %broadcast_in_dim3A_9 = vector.shape_cast %reduce_sum3A_8 : vector<256xf32> to vector<256x1xf32>
    %div3A = vector.broadcast %broadcast_in_dim3A_9 : vector<256x1xf32> to vector<256x8xf32>
    %div3A_10 = arith.divf %exp3A, %div3A : vector<256x8xf32>
    %iota3A = tpu.iota {dimensions = array<i32: 1>} : vector<256x8xi32>
    %reduce_max3A_11 = arith.constant dense<0xFF800000> : vector<256xf32>
    %reduce_max3A_12 = vector.multi_reduction <maximumf>, %div3A_10, %reduce_max3A_11 [1] : vector<256x8xf32> to vector<256xf32>
    %broadcast_in_dim3A_13 = vector.shape_cast %reduce_max3A_12 : vector<256xf32> to vector<256x1xf32>
    %eq3A = vector.broadcast %broadcast_in_dim3A_13 : vector<256x1xf32> to vector<256x8xf32>
    %eq3A_14 = arith.cmpf oeq, %div3A_10, %eq3A : vector<256x8xf32>
    %jit3A = arith.constant 8 : i32
    %broadcast_in_dim3A_15 = vector.broadcast %jit3A : i32 to vector<256x8xi32>
    %select_n3A = arith.select %eq3A_14, %iota3A, %broadcast_in_dim3A_15 : vector<256x8xi1>, vector<256x8xi32>
    %reduce_min3A = arith.constant dense<2147483647> : vector<256xi32>
    %reduce_min3A_16 = vector.multi_reduction <minsi>, %select_n3A, %reduce_min3A [1] : vector<256x8xi32> to vector<256xi32>
    %broadcast_in_dim3A_17 = vector.shape_cast %reduce_min3A_16 : vector<256xi32> to vector<256x1xi32>
    %eq3A_18 = vector.broadcast %broadcast_in_dim3A_17 : vector<256x1xi32> to vector<256x8xi32>
    %eq3A_19 = arith.cmpi eq, %iota3A, %eq3A_18 : vector<256x8xi32>
    %jit3A_20 = arith.constant 0xFF800000 : f32
    %broadcast_in_dim3A_21 = vector.broadcast %jit3A_20 : f32 to vector<256x8xf32>
    %select_n3A_22 = arith.select %eq3A_19, %broadcast_in_dim3A_21, %div3A_10 : vector<256x8xi1>, vector<256x8xf32>
    %reduce_max3A_23 = arith.constant dense<0xFF800000> : vector<256xf32>
    %reduce_max3A_24 = vector.multi_reduction <maximumf>, %select_n3A_22, %reduce_max3A_23 [1] : vector<256x8xf32> to vector<256xf32>
    %broadcast_in_dim3A_25 = vector.shape_cast %reduce_max3A_24 : vector<256xf32> to vector<256x1xf32>
    %eq3A_26 = vector.broadcast %broadcast_in_dim3A_25 : vector<256x1xf32> to vector<256x8xf32>
    %eq3A_27 = arith.cmpf oeq, %select_n3A_22, %eq3A_26 : vector<256x8xf32>
    %jit3A_28 = arith.constant 8 : i32
    %broadcast_in_dim3A_29 = vector.broadcast %jit3A_28 : i32 to vector<256x8xi32>
    %select_n3A_30 = arith.select %eq3A_27, %iota3A, %broadcast_in_dim3A_29 : vector<256x8xi1>, vector<256x8xi32>
    %reduce_min3A_31 = arith.constant dense<2147483647> : vector<256xi32>
    %reduce_min3A_32 = vector.multi_reduction <minsi>, %select_n3A_30, %reduce_min3A_31 [1] : vector<256x8xi32> to vector<256xi32>
    %broadcast_in_dim3A_33 = vector.shape_cast %reduce_min3A_32 : vector<256xi32> to vector<256x1xi32>
    %add3A = arith.addf %broadcast_in_dim3A_13, %broadcast_in_dim3A_25 : vector<256x1xf32>
    %concatenate3A = tpu.concatenate %broadcast_in_dim3A_17, %broadcast_in_dim3A_33 in 1 : vector<256x1xi32>, vector<256x1xi32> -> vector<256x2xi32>
    %swap3A = arith.constant 0 : index
    %swap3A_34 = arith.constant 0 : index
    %swap3A_35 = vector.load %arg3[%swap3A, %swap3A_34] : memref<256x2xi32, #tpu.memory_space<vmem>>, vector<256x2xi32>
    tpu.vector_store %arg3[%swap3A, %swap3A_34], %concatenate3A {strides = array<i32>} : memref<256x2xi32, #tpu.memory_space<vmem>>, vector<256x2xi32>,
    %div3A_36 = arith.divf %broadcast_in_dim3A_13, %add3A : vector<256x1xf32>
    %div3A_37 = arith.divf %broadcast_in_dim3A_25, %add3A : vector<256x1xf32>
    %concatenate3A_38 = tpu.concatenate %div3A_36, %div3A_37 in 1 : vector<256x1xf32>, vector<256x1xf32> -> vector<256x2xf32>
    %swap3A_39 = arith.constant 0 : index
    %swap3A_40 = arith.constant 0 : index
    %swap3A_41 = vector.load %arg4[%swap3A_39, %swap3A_40] : memref<256x2xf32, #tpu.memory_space<vmem>>, vector<256x2xf32>
    tpu.vector_store %arg4[%swap3A_39, %swap3A_40], %concatenate3A_38 {strides = array<i32>} : memref<256x2xf32, #tpu.memory_space<vmem>>, vector<256x2xf32>,
    return
  }
  func.func @transform_0(%arg0: i32) -> (i32, i32) {
    %c0_i32 = arith.constant 0 : i32
    %c0_i32_0 = arith.constant 0 : i32
    return %arg0, %c0_i32 : i32, i32
  }
  func.func @transform_1(%arg0: i32) -> (i32, i32) {
    %c0_i32 = arith.constant 0 : i32
    %c0_i32_0 = arith.constant 0 : i32
    %c0_i32_1 = arith.constant 0 : i32
    return %c0_i32, %c0_i32_0 : i32, i32
  }
  func.func @transform_2(%arg0: i32) -> (i32, i32) {
    %c0_i32 = arith.constant 0 : i32
    %c0_i32_0 = arith.constant 0 : i32
    return %arg0, %c0_i32 : i32, i32
  }
  func.func @transform_3(%arg0: i32) -> (i32, i32) {
    %c0_i32 = arith.constant 0 : i32
    %c0_i32_0 = arith.constant 0 : i32
    return %arg0, %c0_i32 : i32, i32
  }
}

module attributes {stable_mosaic.version = 14 : i64} {
  func.func @_moe_gemm_body(%arg0: i32, %arg1: memref<40xi32, #tpu.memory_space<smem>>, %arg2: memref<40xi32, #tpu.memory_space<smem>>, %arg3: memref<128x1024xf32, #tpu.memory_space<vmem>>, %arg4: memref<8x1024x768xf32, #tpu.memory_space<hbm>>, %arg5: memref<8x1024x768xf32, #tpu.memory_space<hbm>>, %arg6: memref<8x768x1024xf32, #tpu.memory_space<hbm>>, %arg7: memref<128x128xf32, #tpu.memory_space<vmem>>, %arg8: memref<128x1024xf32, #tpu.memory_space<vmem>>, %arg9: memref<2x1024x768xf32, #tpu.memory_space<vmem>>, %arg10: memref<2x1024x768xf32, #tpu.memory_space<vmem>>, %arg11: memref<2x768x1024xf32, #tpu.memory_space<vmem>>, %arg12: memref<2x3x!tpu.dma_semaphore, #tpu.memory_space<semaphore_mem>>) attributes {dimension_semantics = [#tpu.dimension_semantics<arbitrary>], iteration_bounds = array<i64: 40>, scalar_prefetch = 2 : i64, scratch_operands = 4 : i64, tpu.core_type = #tpu.core_type<tc>, window_params = [{transform_indices = @transform_0, window_bounds = array<i64: 128, 1024>}, {}, {}, {}, {transform_indices = @transform_4, window_bounds = array<i64: 128, 128>}, {transform_indices = @transform_5, window_bounds = array<i64: 128, 1024>}]} {
    %get3A = arith.index_cast %arg0 : i32 to index
    %get3A_0 = memref.load %arg2[%get3A] : memref<40xi32, #tpu.memory_space<smem>>
    %and3A = arith.constant 1 : i32
    %and3A_1 = arith.andi %get3A_0, %and3A : i32
    %shift_right_arithmetic3A = arith.constant 1 : i32
    %shift_right_arithmetic3A_2 = arith.shrsi %get3A_0, %shift_right_arithmetic3A : i32
    %and3A_3 = arith.constant 1 : i32
    %and3A_4 = arith.andi %shift_right_arithmetic3A_2, %and3A_3 : i32
    %shift_right_arithmetic3A_5 = arith.constant 2 : i32
    %shift_right_arithmetic3A_6 = arith.shrsi %get3A_0, %shift_right_arithmetic3A_5 : i32
    %and3A_7 = arith.constant 1 : i32
    %and3A_8 = arith.andi %shift_right_arithmetic3A_6, %and3A_7 : i32
    %shift_right_arithmetic3A_9 = arith.constant 3 : i32
    %shift_right_arithmetic3A_10 = arith.shrsi %get3A_0, %shift_right_arithmetic3A_9 : i32
    %eq3A = arith.constant 0 : i32
    %eq3A_11 = arith.cmpi eq, %arg0, %eq3A : i32
    %convert_element_type3A = arith.extui %eq3A_11 : i1 to i32
    %cond3A = arith.constant 0 : i32
    %cond3A_12 = arith.cmpi ne, %convert_element_type3A, %cond3A : i32
    scf.if %cond3A_12 {
      %get3A_27 = arith.constant 0 : index
      %get3A_28 = memref.load %arg1[%get3A_27] : memref<40xi32, #tpu.memory_space<smem>>
      %and3A_29 = arith.constant 7 : i32
      %and3A_30 = arith.andi %get3A_28, %and3A_29 : i32
      %dma_start3A = arith.constant 0 : i32
      %dma_start3A_31 = arith.constant 0 : i32
      %dma_start3A_32 = tpu.memref_slice %arg12[%dma_start3A, %dma_start3A_31] : memref<2x3x!tpu.dma_semaphore, #tpu.memory_space<semaphore_mem>> -> memref<1x1x!tpu.dma_semaphore, #tpu.memory_space<semaphore_mem>>
      %dma_start3A_33 = tpu.memref_squeeze %dma_start3A_32 : memref<1x1x!tpu.dma_semaphore, #tpu.memory_space<semaphore_mem>> -> memref<!tpu.dma_semaphore, #tpu.memory_space<semaphore_mem>>
      %dma_start3A_34 = arith.constant 0 : i32
      %dma_start3A_35 = arith.constant 0 : i32
      %dma_start3A_36 = arith.constant 0 : i32
      %dma_start3A_37 = tpu.memref_slice %arg9[%dma_start3A_34, %dma_start3A_35, %dma_start3A_36] : memref<2x1024x768xf32, #tpu.memory_space<vmem>> -> memref<1x1024x768xf32, #tpu.memory_space<vmem>>
      %dma_start3A_38 = arith.constant 0 : i32
      %dma_start3A_39 = arith.constant 0 : i32
      %dma_start3A_40 = tpu.memref_slice %arg4[%and3A_30, %dma_start3A_38, %dma_start3A_39] : memref<8x1024x768xf32, #tpu.memory_space<hbm>> -> memref<1x1024x768xf32, #tpu.memory_space<hbm>>
      tpu.enqueue_dma source(%dma_start3A_40 : memref<1x1024x768xf32, #tpu.memory_space<hbm>>) target(%dma_start3A_37 : memref<1x1024x768xf32, #tpu.memory_space<vmem>>) target_semaphore(%dma_start3A_33 : memref<!tpu.dma_semaphore, #tpu.memory_space<semaphore_mem>>)
      %dma_start3A_41 = arith.constant 0 : i32
      %dma_start3A_42 = arith.constant 1 : i32
      %dma_start3A_43 = tpu.memref_slice %arg12[%dma_start3A_41, %dma_start3A_42] : memref<2x3x!tpu.dma_semaphore, #tpu.memory_space<semaphore_mem>> -> memref<1x1x!tpu.dma_semaphore, #tpu.memory_space<semaphore_mem>>
      %dma_start3A_44 = tpu.memref_squeeze %dma_start3A_43 : memref<1x1x!tpu.dma_semaphore, #tpu.memory_space<semaphore_mem>> -> memref<!tpu.dma_semaphore, #tpu.memory_space<semaphore_mem>>
      %dma_start3A_45 = arith.constant 0 : i32
      %dma_start3A_46 = arith.constant 0 : i32
      %dma_start3A_47 = arith.constant 0 : i32
      %dma_start3A_48 = tpu.memref_slice %arg10[%dma_start3A_45, %dma_start3A_46, %dma_start3A_47] : memref<2x1024x768xf32, #tpu.memory_space<vmem>> -> memref<1x1024x768xf32, #tpu.memory_space<vmem>>
      %dma_start3A_49 = arith.constant 0 : i32
      %dma_start3A_50 = arith.constant 0 : i32
      %dma_start3A_51 = tpu.memref_slice %arg5[%and3A_30, %dma_start3A_49, %dma_start3A_50] : memref<8x1024x768xf32, #tpu.memory_space<hbm>> -> memref<1x1024x768xf32, #tpu.memory_space<hbm>>
      tpu.enqueue_dma source(%dma_start3A_51 : memref<1x1024x768xf32, #tpu.memory_space<hbm>>) target(%dma_start3A_48 : memref<1x1024x768xf32, #tpu.memory_space<vmem>>) target_semaphore(%dma_start3A_44 : memref<!tpu.dma_semaphore, #tpu.memory_space<semaphore_mem>>)
      %dma_start3A_52 = arith.constant 0 : i32
      %dma_start3A_53 = arith.constant 2 : i32
      %dma_start3A_54 = tpu.memref_slice %arg12[%dma_start3A_52, %dma_start3A_53] : memref<2x3x!tpu.dma_semaphore, #tpu.memory_space<semaphore_mem>> -> memref<1x1x!tpu.dma_semaphore, #tpu.memory_space<semaphore_mem>>
      %dma_start3A_55 = tpu.memref_squeeze %dma_start3A_54 : memref<1x1x!tpu.dma_semaphore, #tpu.memory_space<semaphore_mem>> -> memref<!tpu.dma_semaphore, #tpu.memory_space<semaphore_mem>>
      %dma_start3A_56 = arith.constant 0 : i32
      %dma_start3A_57 = arith.constant 0 : i32
      %dma_start3A_58 = arith.constant 0 : i32
      %dma_start3A_59 = tpu.memref_slice %arg11[%dma_start3A_56, %dma_start3A_57, %dma_start3A_58] : memref<2x768x1024xf32, #tpu.memory_space<vmem>> -> memref<1x768x1024xf32, #tpu.memory_space<vmem>>
      %dma_start3A_60 = arith.constant 0 : i32
      %dma_start3A_61 = arith.constant 0 : i32
      %dma_start3A_62 = tpu.memref_slice %arg6[%and3A_30, %dma_start3A_60, %dma_start3A_61] : memref<8x768x1024xf32, #tpu.memory_space<hbm>> -> memref<1x768x1024xf32, #tpu.memory_space<hbm>>
      tpu.enqueue_dma source(%dma_start3A_62 : memref<1x768x1024xf32, #tpu.memory_space<hbm>>) target(%dma_start3A_59 : memref<1x768x1024xf32, #tpu.memory_space<vmem>>) target_semaphore(%dma_start3A_55 : memref<!tpu.dma_semaphore, #tpu.memory_space<semaphore_mem>>)
    } else {
    }
    %eq3A_13 = arith.constant 1 : i32
    %eq3A_14 = arith.cmpi eq, %and3A_4, %eq3A_13 : i32
    %convert_element_type3A_15 = arith.extui %eq3A_14 : i1 to i32
    %cond3A_16 = arith.constant 0 : i32
    %cond3A_17 = arith.cmpi ne, %convert_element_type3A_15, %cond3A_16 : i32
    scf.if %cond3A_17 {
      %dma_wait3A = arith.constant 0 : i32
      %dma_wait3A_27 = tpu.memref_slice %arg12[%and3A_1, %dma_wait3A] : memref<2x3x!tpu.dma_semaphore, #tpu.memory_space<semaphore_mem>> -> memref<1x1x!tpu.dma_semaphore, #tpu.memory_space<semaphore_mem>>
      %dma_wait3A_28 = tpu.memref_squeeze %dma_wait3A_27 : memref<1x1x!tpu.dma_semaphore, #tpu.memory_space<semaphore_mem>> -> memref<!tpu.dma_semaphore, #tpu.memory_space<semaphore_mem>>
      %dma_wait3A_29 = arith.constant 0 : i32
      %dma_wait3A_30 = arith.constant 0 : i32
      %dma_wait3A_31 = tpu.memref_slice %arg9[%and3A_1, %dma_wait3A_29, %dma_wait3A_30] : memref<2x1024x768xf32, #tpu.memory_space<vmem>> -> memref<1x1024x768xf32, #tpu.memory_space<vmem>>
      %dma_wait3A_32 = arith.constant 0 : i32
      %dma_wait3A_33 = arith.constant 0 : i32
      %dma_wait3A_34 = arith.constant 0 : i32
      %dma_wait3A_35 = tpu.memref_slice %arg4[%dma_wait3A_32, %dma_wait3A_33, %dma_wait3A_34] : memref<8x1024x768xf32, #tpu.memory_space<hbm>> -> memref<1x1024x768xf32, #tpu.memory_space<hbm>>
      tpu.wait_dma2 semaphore(%dma_wait3A_28 : memref<!tpu.dma_semaphore, #tpu.memory_space<semaphore_mem>>) src(%dma_wait3A_35 : memref<1x1024x768xf32, #tpu.memory_space<hbm>>) dst(%dma_wait3A_31 : memref<1x1024x768xf32, #tpu.memory_space<vmem>>)
      %dma_wait3A_36 = arith.constant 1 : i32
      %dma_wait3A_37 = tpu.memref_slice %arg12[%and3A_1, %dma_wait3A_36] : memref<2x3x!tpu.dma_semaphore, #tpu.memory_space<semaphore_mem>> -> memref<1x1x!tpu.dma_semaphore, #tpu.memory_space<semaphore_mem>>
      %dma_wait3A_38 = tpu.memref_squeeze %dma_wait3A_37 : memref<1x1x!tpu.dma_semaphore, #tpu.memory_space<semaphore_mem>> -> memref<!tpu.dma_semaphore, #tpu.memory_space<semaphore_mem>>
      %dma_wait3A_39 = arith.constant 0 : i32
      %dma_wait3A_40 = arith.constant 0 : i32
      %dma_wait3A_41 = tpu.memref_slice %arg10[%and3A_1, %dma_wait3A_39, %dma_wait3A_40] : memref<2x1024x768xf32, #tpu.memory_space<vmem>> -> memref<1x1024x768xf32, #tpu.memory_space<vmem>>
      %dma_wait3A_42 = arith.constant 0 : i32
      %dma_wait3A_43 = arith.constant 0 : i32
      %dma_wait3A_44 = arith.constant 0 : i32
      %dma_wait3A_45 = tpu.memref_slice %arg5[%dma_wait3A_42, %dma_wait3A_43, %dma_wait3A_44] : memref<8x1024x768xf32, #tpu.memory_space<hbm>> -> memref<1x1024x768xf32, #tpu.memory_space<hbm>>
      tpu.wait_dma2 semaphore(%dma_wait3A_38 : memref<!tpu.dma_semaphore, #tpu.memory_space<semaphore_mem>>) src(%dma_wait3A_45 : memref<1x1024x768xf32, #tpu.memory_space<hbm>>) dst(%dma_wait3A_41 : memref<1x1024x768xf32, #tpu.memory_space<vmem>>)
      %dma_wait3A_46 = arith.constant 2 : i32
      %dma_wait3A_47 = tpu.memref_slice %arg12[%and3A_1, %dma_wait3A_46] : memref<2x3x!tpu.dma_semaphore, #tpu.memory_space<semaphore_mem>> -> memref<1x1x!tpu.dma_semaphore, #tpu.memory_space<semaphore_mem>>
      %dma_wait3A_48 = tpu.memref_squeeze %dma_wait3A_47 : memref<1x1x!tpu.dma_semaphore, #tpu.memory_space<semaphore_mem>> -> memref<!tpu.dma_semaphore, #tpu.memory_space<semaphore_mem>>
      %dma_wait3A_49 = arith.constant 0 : i32
      %dma_wait3A_50 = arith.constant 0 : i32
      %dma_wait3A_51 = tpu.memref_slice %arg11[%and3A_1, %dma_wait3A_49, %dma_wait3A_50] : memref<2x768x1024xf32, #tpu.memory_space<vmem>> -> memref<1x768x1024xf32, #tpu.memory_space<vmem>>
      %dma_wait3A_52 = arith.constant 0 : i32
      %dma_wait3A_53 = arith.constant 0 : i32
      %dma_wait3A_54 = arith.constant 0 : i32
      %dma_wait3A_55 = tpu.memref_slice %arg6[%dma_wait3A_52, %dma_wait3A_53, %dma_wait3A_54] : memref<8x768x1024xf32, #tpu.memory_space<hbm>> -> memref<1x768x1024xf32, #tpu.memory_space<hbm>>
      tpu.wait_dma2 semaphore(%dma_wait3A_48 : memref<!tpu.dma_semaphore, #tpu.memory_space<semaphore_mem>>) src(%dma_wait3A_55 : memref<1x768x1024xf32, #tpu.memory_space<hbm>>) dst(%dma_wait3A_51 : memref<1x768x1024xf32, #tpu.memory_space<vmem>>)
      %eq3A_56 = arith.constant 1 : i32
      %eq3A_57 = arith.cmpi eq, %and3A_8, %eq3A_56 : i32
      %convert_element_type3A_58 = arith.extui %eq3A_57 : i1 to i32
      %cond3A_59 = arith.constant 0 : i32
      %cond3A_60 = arith.cmpi ne, %convert_element_type3A_58, %cond3A_59 : i32
      scf.if %cond3A_60 {
        %sub3A = arith.constant 1 : i32
        %sub3A_61 = arith.subi %sub3A, %and3A_1 : i32
        %dma_start3A = arith.constant 0 : i32
        %dma_start3A_62 = tpu.memref_slice %arg12[%sub3A_61, %dma_start3A] : memref<2x3x!tpu.dma_semaphore, #tpu.memory_space<semaphore_mem>> -> memref<1x1x!tpu.dma_semaphore, #tpu.memory_space<semaphore_mem>>
        %dma_start3A_63 = tpu.memref_squeeze %dma_start3A_62 : memref<1x1x!tpu.dma_semaphore, #tpu.memory_space<semaphore_mem>> -> memref<!tpu.dma_semaphore, #tpu.memory_space<semaphore_mem>>
        %dma_start3A_64 = arith.constant 0 : i32
        %dma_start3A_65 = arith.constant 0 : i32
        %dma_start3A_66 = tpu.memref_slice %arg9[%sub3A_61, %dma_start3A_64, %dma_start3A_65] : memref<2x1024x768xf32, #tpu.memory_space<vmem>> -> memref<1x1024x768xf32, #tpu.memory_space<vmem>>
        %dma_start3A_67 = arith.constant 0 : i32
        %dma_start3A_68 = arith.constant 0 : i32
        %dma_start3A_69 = tpu.memref_slice %arg4[%shift_right_arithmetic3A_10, %dma_start3A_67, %dma_start3A_68] : memref<8x1024x768xf32, #tpu.memory_space<hbm>> -> memref<1x1024x768xf32, #tpu.memory_space<hbm>>
        tpu.enqueue_dma source(%dma_start3A_69 : memref<1x1024x768xf32, #tpu.memory_space<hbm>>) target(%dma_start3A_66 : memref<1x1024x768xf32, #tpu.memory_space<vmem>>) target_semaphore(%dma_start3A_63 : memref<!tpu.dma_semaphore, #tpu.memory_space<semaphore_mem>>)
        %dma_start3A_70 = arith.constant 1 : i32
        %dma_start3A_71 = tpu.memref_slice %arg12[%sub3A_61, %dma_start3A_70] : memref<2x3x!tpu.dma_semaphore, #tpu.memory_space<semaphore_mem>> -> memref<1x1x!tpu.dma_semaphore, #tpu.memory_space<semaphore_mem>>
        %dma_start3A_72 = tpu.memref_squeeze %dma_start3A_71 : memref<1x1x!tpu.dma_semaphore, #tpu.memory_space<semaphore_mem>> -> memref<!tpu.dma_semaphore, #tpu.memory_space<semaphore_mem>>
        %dma_start3A_73 = arith.constant 0 : i32
        %dma_start3A_74 = arith.constant 0 : i32
        %dma_start3A_75 = tpu.memref_slice %arg10[%sub3A_61, %dma_start3A_73, %dma_start3A_74] : memref<2x1024x768xf32, #tpu.memory_space<vmem>> -> memref<1x1024x768xf32, #tpu.memory_space<vmem>>
        %dma_start3A_76 = arith.constant 0 : i32
        %dma_start3A_77 = arith.constant 0 : i32
        %dma_start3A_78 = tpu.memref_slice %arg5[%shift_right_arithmetic3A_10, %dma_start3A_76, %dma_start3A_77] : memref<8x1024x768xf32, #tpu.memory_space<hbm>> -> memref<1x1024x768xf32, #tpu.memory_space<hbm>>
        tpu.enqueue_dma source(%dma_start3A_78 : memref<1x1024x768xf32, #tpu.memory_space<hbm>>) target(%dma_start3A_75 : memref<1x1024x768xf32, #tpu.memory_space<vmem>>) target_semaphore(%dma_start3A_72 : memref<!tpu.dma_semaphore, #tpu.memory_space<semaphore_mem>>)
        %dma_start3A_79 = arith.constant 2 : i32
        %dma_start3A_80 = tpu.memref_slice %arg12[%sub3A_61, %dma_start3A_79] : memref<2x3x!tpu.dma_semaphore, #tpu.memory_space<semaphore_mem>> -> memref<1x1x!tpu.dma_semaphore, #tpu.memory_space<semaphore_mem>>
        %dma_start3A_81 = tpu.memref_squeeze %dma_start3A_80 : memref<1x1x!tpu.dma_semaphore, #tpu.memory_space<semaphore_mem>> -> memref<!tpu.dma_semaphore, #tpu.memory_space<semaphore_mem>>
        %dma_start3A_82 = arith.constant 0 : i32
        %dma_start3A_83 = arith.constant 0 : i32
        %dma_start3A_84 = tpu.memref_slice %arg11[%sub3A_61, %dma_start3A_82, %dma_start3A_83] : memref<2x768x1024xf32, #tpu.memory_space<vmem>> -> memref<1x768x1024xf32, #tpu.memory_space<vmem>>
        %dma_start3A_85 = arith.constant 0 : i32
        %dma_start3A_86 = arith.constant 0 : i32
        %dma_start3A_87 = tpu.memref_slice %arg6[%shift_right_arithmetic3A_10, %dma_start3A_85, %dma_start3A_86] : memref<8x768x1024xf32, #tpu.memory_space<hbm>> -> memref<1x768x1024xf32, #tpu.memory_space<hbm>>
        tpu.enqueue_dma source(%dma_start3A_87 : memref<1x768x1024xf32, #tpu.memory_space<hbm>>) target(%dma_start3A_84 : memref<1x768x1024xf32, #tpu.memory_space<vmem>>) target_semaphore(%dma_start3A_81 : memref<!tpu.dma_semaphore, #tpu.memory_space<semaphore_mem>>)
      } else {
      }
    } else {
    }
    %get3A_18 = arith.index_cast %arg0 : i32 to index
    %get3A_19 = memref.load %arg1[%get3A_18] : memref<40xi32, #tpu.memory_space<smem>>
    %and3A_20 = arith.constant 8 : i32
    %and3A_21 = arith.andi %get3A_19, %and3A_20 : i32
    %eq3A_22 = arith.constant 0 : i32
    %eq3A_23 = arith.cmpi eq, %and3A_21, %eq3A_22 : i32
    %convert_element_type3A_24 = arith.extui %eq3A_23 : i1 to i32
    %cond3A_25 = arith.constant 0 : i32
    %cond3A_26 = arith.cmpi ne, %convert_element_type3A_24, %cond3A_25 : i32
    scf.if %cond3A_26 {
      %get3A_27 = arith.constant 0 : index
      %get3A_28 = arith.constant 0 : index
      %get3A_29 = vector.load %arg3[%get3A_27, %get3A_28] : memref<128x1024xf32, #tpu.memory_space<vmem>>, vector<128x1024xf32>
      %get3A_30 = arith.index_cast %and3A_1 : i32 to index
      %get3A_31 = arith.constant 0 : index
      %get3A_32 = arith.constant 0 : index
      %get3A_33 = vector.load %arg9[%get3A_30, %get3A_31, %get3A_32] : memref<2x1024x768xf32, #tpu.memory_space<vmem>>, vector<1x1024x768xf32>
      %get3A_34 = vector.shape_cast %get3A_33 : vector<1x1024x768xf32> to vector<1024x768xf32>
      %dot_general3A = arith.constant dense<0.000000e+00> : vector<128x768xf32>
      %dot_general3A_35 = tpu.matmul %get3A_29, %get3A_34, %dot_general3A {dimension_numbers = #tpu.dot_dimension_numbers<[1], [0], [0], [1], [0, 0, 1, 1], [], []>, transpose_lhs_hint = false} : vector<128x1024xf32>, vector<1024x768xf32>, vector<128x768xf32> -> vector<128x768xf32>
      %get3A_36 = arith.index_cast %and3A_1 : i32 to index
      %get3A_37 = arith.constant 0 : index
      %get3A_38 = arith.constant 0 : index
      %get3A_39 = vector.load %arg10[%get3A_36, %get3A_37, %get3A_38] : memref<2x1024x768xf32, #tpu.memory_space<vmem>>, vector<1x1024x768xf32>
      %get3A_40 = vector.shape_cast %get3A_39 : vector<1x1024x768xf32> to vector<1024x768xf32>
      %dot_general3A_41 = arith.constant dense<0.000000e+00> : vector<128x768xf32>
      %dot_general3A_42 = tpu.matmul %get3A_29, %get3A_40, %dot_general3A_41 {dimension_numbers = #tpu.dot_dimension_numbers<[1], [0], [0], [1], [0, 0, 1, 1], [], []>, transpose_lhs_hint = false} : vector<128x1024xf32>, vector<1024x768xf32>, vector<128x768xf32> -> vector<128x768xf32>
      %logistic3A = arith.negf %dot_general3A_35 : vector<128x768xf32>
      %logistic3A_43 = math.exp %logistic3A : vector<128x768xf32>
      %logistic3A_44 = arith.constant 1.000000e+00 : f32
      %logistic3A_45 = vector.broadcast %logistic3A_44 : f32 to vector<128x768xf32>
      %logistic3A_46 = arith.addf %logistic3A_45, %logistic3A_43 : vector<128x768xf32>
      %logistic3A_47 = arith.divf %logistic3A_45, %logistic3A_46 : vector<128x768xf32>
      %mul3A = arith.mulf %dot_general3A_35, %logistic3A_47 : vector<128x768xf32>
      %mul3A_48 = arith.mulf %mul3A, %dot_general3A_42 : vector<128x768xf32>
      %get3A_49 = arith.index_cast %and3A_1 : i32 to index
      %get3A_50 = arith.constant 0 : index
      %get3A_51 = arith.constant 0 : index
      %get3A_52 = vector.load %arg11[%get3A_49, %get3A_50, %get3A_51] : memref<2x768x1024xf32, #tpu.memory_space<vmem>>, vector<1x768x1024xf32>
      %get3A_53 = vector.shape_cast %get3A_52 : vector<1x768x1024xf32> to vector<768x1024xf32>
      %dot_general3A_54 = arith.constant dense<0.000000e+00> : vector<128x1024xf32>
      %dot_general3A_55 = tpu.matmul %mul3A_48, %get3A_53, %dot_general3A_54 {dimension_numbers = #tpu.dot_dimension_numbers<[1], [0], [0], [1], [0, 0, 1, 1], [], []>, transpose_lhs_hint = false} : vector<128x768xf32>, vector<768x1024xf32>, vector<128x1024xf32> -> vector<128x1024xf32>
      %get3A_56 = arith.constant 0 : index
      %get3A_57 = arith.constant 0 : index
      %get3A_58 = vector.load %arg7[%get3A_56, %get3A_57] : memref<128x128xf32, #tpu.memory_space<vmem>>, vector<128x1xf32>
      %mul3A_59 = vector.broadcast %get3A_58 : vector<128x1xf32> to vector<128x1024xf32>
      %mul3A_60 = arith.mulf %dot_general3A_55, %mul3A_59 : vector<128x1024xf32>
      %swap3A = arith.constant 0 : index
      %swap3A_61 = arith.constant 0 : index
      %swap3A_62 = vector.load %arg8[%swap3A, %swap3A_61] : memref<128x1024xf32, #tpu.memory_space<vmem>>, vector<128x1024xf32>
      tpu.vector_store %arg8[%swap3A, %swap3A_61], %mul3A_60 {strides = array<i32>} : memref<128x1024xf32, #tpu.memory_space<vmem>>, vector<128x1024xf32>,
    } else {
    }
    return
  }
  func.func @transform_0(%arg0: i32, %arg1: memref<40xi32, #tpu.memory_space<smem>>, %arg2: memref<40xi32, #tpu.memory_space<smem>>) -> (i32, i32) {
    %c0_i32 = arith.constant 0 : i32
    %c0_i32_0 = arith.constant 0 : i32
    return %arg0, %c0_i32 : i32, i32
  }
  func.func @transform_4(%arg0: i32, %arg1: memref<40xi32, #tpu.memory_space<smem>>, %arg2: memref<40xi32, #tpu.memory_space<smem>>) -> (i32, i32) {
    %c0_i32 = arith.constant 0 : i32
    %c0_i32_0 = arith.constant 0 : i32
    return %arg0, %c0_i32 : i32, i32
  }
  func.func @transform_5(%arg0: i32, %arg1: memref<40xi32, #tpu.memory_space<smem>>, %arg2: memref<40xi32, #tpu.memory_space<smem>>) -> (i32, i32) {
    %c0_i32 = arith.constant 0 : i32
    %c0_i32_0 = arith.constant 0 : i32
    return %arg0, %c0_i32 : i32, i32
  }
}

</mosaic_0001>

<sc_bundles>
// kernel: kernel.6.cloned.1.call-start
scs
__scs_entry_jumppad:
0x0: {  	(pc) =	sbr.rel $0x88, $3  }
0x1: {  	(tag) =	ssettag $0x0;
	lr =	simm.s32 $0x1  }
0x2: {  	[smem:$0x3F9C] =	sst lr;
	_ =	strace $0xD0000000  }
0x3: {  	_ = 	snop  }
0x4: {  	_ = 	snop  }
0x5: {  	_ = 	snop  }
0x6: {  	_ = 	snop  }
0x7: {  	_ = 	snop  }
__scs_overlays_trampoline_lowered:
0x8: {  	[smem:$0x3FAB] =	sst s0  }
0x9: {  	[smem:$0x3FAC] =	sst s1  }
0xa: {  	[smem:$0x3FAD] =	sst s2  }
0xb: {  	[smem:$0x3FAE] =	sst s3  }
0xc: {  	[smem:$0x3FAF] =	sst s4  }
0xd: {  	[smem:$0x3FB0] =	sst s5  }
0xe: {  	[smem:$0x3FB1] =	sst s6  }
0xf: {  	[smem:$0x3FB2] =	sst s7  }
0x10: {  	[smem:$0x3FB3] =	sst s8  }
0x11: {  	[smem:$0x3FB4] =	sst s9;
	s0 =	simm.s32 @!p0 $0x0  }
0x12: {  	s1 =	sld [smem:$0x3F9A];
	s0 =	simm.s32 @p0 $0x1  }
0x13: {  	[smem:$0x3FB5] =	sst s0;
	s0 =	simm.s32 @!p1 $0x0  }
0x14: {  	s2 =	sld [smem:$0x3F99];
	s0 =	simm.s32 @p1 $0x1  }
0x15: {  	[smem:$0x3FB6] =	sst s0;
	s0 =	simm.s32 @!p2 $0x0  }
0x16: {  	s3 =	sld [smem:$0x3FDB];
	s0 =	simm.s32 @p2 $0x1  }
0x17: {  	s4 =	simm.s32 $0x1BF5;
	[smem:$0x3FB8] =	sst s0  }
0x18: {  	s0 =	sld [smem:$0x3F9B];
	_ =	swait.ge [sflag:s4], $0x0  }
0x19: {  	s7 =	sld [smem:$0x3F9C]  }
0x1a: {  	s8 =	sadd.s32 $0xFFFFE003, lr  }
0x1b: {  	s9 =	sadd.s32 $0xFFFFFEF7, lr;
	s5 =	simm.s32 $0xFFFFFFFF;
	p2 =	slt.u32 s8, $0xFFFFF086  }
0x1c: {  	p1 =	slt.u32 s9, $0xF7A;
	s5 =	simm.s32 @!p2 $0x0  }
0x1d: {  	s5 =	simm.s32 @p1 $0x1;
	p0 =	seq.s32 s7, s2  }
0x1e: {  	s7 =	smul.u32 @!p0 $0xF7A, s2;
	p2 =	seq.s32 @!p0 s5, $0x0  }
0x1f: {  	s9 =	smul.u32 $0xF7A, s1;
	s8 =	simm.s32 @!p0 $0x1BF5;
	p2 =	por !p2, p0  }
0x20: {  	[sflag:s8] =	ssyncset.s32 @!p0 $0xFFFFF086;
	s6 =	sadd.s32 @!p0 s3, s7;
	s7 =	simm.s32 @!p0 $0x108  }
0x21: {  	s3 =	sadd.s32 s3, s9;
	s6 =	sadd.s32 @!p0 $0x88, s6;
	s7 =	simm.s32 @p2 $0x1082  }
0x22: {  	[simem:s7], [sflag:s8] =	dma.local @!p0 [hbm:s6], $0xF7A  }
0x23: {  	s9 =	sor.u32 $0xD0000000, s2;
	s6 =	simm.s32 $0x108;
	_ =	swait.ge @!p0 [sflag:s8], $0x0  }
0x24: {  	s3 =	sadd.s32 $0x88, s3;
	s6 =	simm.s32 @!p1 $0x1082;
	[sflag:s4] =	ssyncset.s32 $0xFFFFF086  }
0x25: {  	[simem:s6], [sflag:s4] =	dma.local [hbm:s3], $0xF7A  }
0x26: {  	[smem:$0x3F9C] =	sst s1;
	(tag) =	ssettag s2;
	_ =	strace s9  }
0x27: {  	s1 =	sld [smem:$0x3FAC]  }
0x28: {  	s2 =	sld [smem:$0x3FAD]  }
0x29: {  	s4 =	sld [smem:$0x3FAF]  }
0x2a: {  	p0 =	seq.s32 s5, $0x0;
	s5 =	sld [smem:$0x3FB0]  }
0x2b: {  	s6 =	sld [smem:$0x3FB1]  }
0x2c: {  	s7 =	sld [smem:$0x3FB2]  }
0x2d: {  	s3 =	simm.s32 $0x108;
	s8 =	sld [smem:$0x3FB3]  }
0x2e: {  	s3 =	simm.s32 @!p0 $0x1082;
	s9 =	sld [smem:$0x3FB4]  }
0x2f: {  	lr =	sadd.s32 s0, s3;
	s0 =	sld [smem:$0x3FAB]  }
0x30: {  	s3 =	sld [smem:$0x3FAE]  }
0x31: {  	[smem:$0x3FB7] =	sst s10  }
0x32: {  	s10 =	sld [smem:$0x3FB5];
	_ =	sdelay $0x3  }
0x33: {  	p0 =	seq.s32 s10, $0x1;
	s10 =	sld [smem:$0x3FB7];
	_ =	sdelay $0x3  }
0x34: {  	[smem:$0x3FB7] =	sst s10  }
0x35: {  	s10 =	sld [smem:$0x3FB6];
	_ =	sdelay $0x3  }
0x36: {  	p1 =	seq.s32 s10, $0x1;
	s10 =	sld [smem:$0x3FB7];
	_ =	sdelay $0x3  }
0x37: {  	[smem:$0x3FB7] =	sst s10  }
0x38: {  	s10 =	sld [smem:$0x3FB8]  }
0x39: {  	_ = 	snop;
	(pc) =	sbr.ind lr, $3  }
0x3a: {  	_ = 	snop  }
0x3b: {  	_ = 	snop  }
0x3c: {  	p2 =	seq.s32 s10, $0x1;
	s10 =	sld [smem:$0x3FB7]  }
0x3d: {  	_ =	shalt  }
0x3e: {  	_ =	shalt  }
0x3f: {  	_ =	shalt  }
0x40: {  	_ =	shalt  }
0x41: {  	_ =	shalt  }
0x42: {  	_ =	shalt  }
0x43: {  	_ =	shalt  }
0x44: {  	_ =	shalt  }
0x45: {  	_ =	shalt  }
0x46: {  	_ =	shalt  }
0x47: {  	_ =	shalt  }
0x48: {  	_ =	shalt  }
0x49: {  	_ =	shalt  }
0x4a: {  	_ =	shalt  }
0x4b: {  	_ =	shalt  }
0x4c: {  	_ =	shalt  }
0x4d: {  	_ =	shalt  }
0x4e: {  	_ =	shalt  }
0x4f: {  	_ =	shalt  }
0x50: {  	_ =	shalt  }
0x51: {  	_ =	shalt  }
0x52: {  	_ =	shalt  }
0x53: {  	_ =	shalt  }
0x54: {  	_ =	shalt  }
0x55: {  	_ =	shalt  }
0x56: {  	_ =	shalt  }
0x57: {  	_ =	shalt  }
0x58: {  	_ =	shalt  }
0x59: {  	_ =	shalt  }
0x5a: {  	_ =	shalt  }
0x5b: {  	_ =	shalt  }
0x5c: {  	_ =	shalt  }
0x5d: {  	_ =	shalt  }
0x5e: {  	_ =	shalt  }
0x5f: {  	_ =	shalt  }
0x60: {  	_ =	shalt  }
0x61: {  	_ =	shalt  }
0x62: {  	_ =	shalt  }
0x63: {  	_ =	shalt  }
0x64: {  	_ =	shalt  }
0x65: {  	_ =	shalt  }
0x66: {  	_ =	shalt  }
0x67: {  	_ =	shalt  }
0x68: {  	_ =	shalt  }
0x69: {  	_ =	shalt  }
0x6a: {  	_ =	shalt  }
0x6b: {  	_ =	shalt  }
0x6c: {  	_ =	shalt  }
0x6d: {  	_ =	shalt  }
0x6e: {  	_ =	shalt  }
0x6f: {  	_ =	shalt  }
0x70: {  	_ =	shalt  }
0x71: {  	_ =	shalt  }
0x72: {  	_ =	shalt  }
0x73: {  	_ =	shalt  }
0x74: {  	_ =	shalt  }
0x75: {  	_ =	shalt  }
0x76: {  	_ =	shalt  }
0x77: {  	_ =	shalt  }
0x78: {  	_ =	shalt  }
0x79: {  	_ =	shalt  }
0x7a: {  	_ =	shalt  }
0x7b: {  	_ =	shalt  }
0x7c: {  	_ =	shalt  }
0x7d: {  	_ =	shalt  }
0x7e: {  	_ =	shalt  }
0x7f: {  	_ =	shalt  }
0x80: {  	_ =	shalt  }
0x81: {  	_ =	shalt  }
0x82: {  	_ =	shalt  }
0x83: {  	_ =	shalt  }
0x84: {  	_ =	shalt  }
0x85: {  	_ =	shalt  }
0x86: {  	_ =	shalt  }
0x87: {  	_ =	shalt  }
.Lfunc_end0:
.L_simem_size_0:
called_computation_lowered:
.L_overlay_start_0:
0x88: {  	s2 =	sld [smem:$0x3FD9]  }
0x89: {  	s3 =	sld [smem:$0x3FFE];
	_ =	sdelay $0x1  }
0x8a: {  	s1 =	srdreg.scid  }
0x8b: {  	s0 =	sand.u32 $0x1, s1  }
0x8c: {  	s17 =	sshll.u32 s0, $0xA;
	s2 =	sadd.s32 s3, s2  }
0x8d: {  	s2 =	sadd.s32 s2, s17  }
0x8e: {  	[smem:$0x3FC3] =	sst s2  }
0x8f: {  	_ = 	snop  }
0x90: {  	s2 =	sld [smem:$0x3FC9]  }
0x91: {  	s18 =	sld [smem:$0x3FD0];
	(tm) =	ssettm $0x1  }
0x92: {  	s4 =	sld [smem:$0x3FFB];
	_ =	sdelay $0x3  }
0x93: {  	_ =	strace s4  }
0x94: {  	s4 =	sld [smem:$0x3FFC];
	_ =	sdelay $0x3  }
0x95: {  	_ =	strace s4  }
0x96: {  	s4 =	sld [smem:$0x3FFD];
	_ =	sdelay $0x3  }
0x97: {  	_ =	strace s4  }
0x98: {  	_ =	strace $0x8FFFFFFF  }
0x99: {  	s19 =	sld [smem:$0x3FDB];
	_ =	sdelay $0x1  }
0x9a: {  	s5 =	simm.s32 $_scs_section_size  }
0x9b: {  	s6 =	simm.s32 $_size__tile_overlayer_lowered;
	s7 =	simm.s32 $_tile_overlayer_lowered  }
0x9c: {  	s22 =	simm.s32 $0x1BFF;
	s21 =	sshll.u32 s7, $0x1;
	s4 =	sadd.s32 s5, s19  }
0x9d: {  	s8 =	simm.s32 $0x0;
	s20 =	sshll.u32 s6, $0x1;
	s6 =	sadd.s32 s21, s4  }
0x9e: {  	[timem:s8], [sflag:s22] =	dma.local [hbm:s6], s20  }
0x9f: {  	_ =	swait.ge [sflag:s22], s20  }
0xa0: {  	s5 =	ssub.s32 $0x0, s20;
	[sflag:s22] =	ssyncset.done $0x0  }
0xa1: {  	[sflag:s22] =	ssyncadd.s32 s5;
	_ =	sdelay $0x1  }
0xa2: {  	s23 =	simm.s32 $0x1B8B  }
0xa3: {  	_ =	swait.ge [sflag:s23], $0x1  }
0xa4: {  	[sflag:s23] =	ssyncset.done $0x0  }
0xa5: {  	s25 =	simm.s32 $0x1B8E;
	s24 =	sld [smem:$0x3FFE];
	[sflag:s23] =	ssyncadd.s32 $0xFFFFFFFF  }
0xa6: {  	s26 =	simm.s32 $execute0_lowered;
	[smem:$0x3FD2] =	sst s25  }
0xa7: {  	s6 =	sshll.u32 s26, $0x1;
	_ =	strace $0x80000046;
	[dreg:$0x1] =	wrdreg $0xFFFFFFFF  }
0xa8: {  	s28 =	simm.s32 $_size_execute0_lowered;
	s4 =	sadd.s32 s4, s6;
	[dreg:$0x0] =	wrdreg $0x0  }
0xa9: {  	s6 =	sshll.u32 s28, $0x1;
	[dreg:$0x2] =	wrdreg s4  }
0xaa: {  	[dreg:$0x3] =	wrdreg s6  }
0xab: {  	[dreg:$0x4] =	wrdreg $0xC0  }
0xac: {  	_ =	task [dreg:s8], $0x5FFFF  }
0xad: {  	[dreg:$0x1] =	wrdreg $0xFFFFFFFF  }
0xae: {  	[dreg:$0x0] =	wrdreg $0x60  }
0xaf: {  	[dreg:$0x2] =	wrdreg s2  }
0xb0: {  	[dreg:$0x3] =	wrdreg s24  }
0xb1: {  	[dreg:$0x4] =	wrdreg s18  }
0xb2: {  	[dreg:$0x5] =	wrdreg $0x9  }
0xb3: {  	_ =	task.clear_ibuf [dreg:s8], $0x6FFFF;
	_ =	strace $0x90000046  }
0xb4: {  	s29 =	simm.s32 $0x9;
	_ =	strace $0x80000048  }
0xb5: {  	_ =	swait.ge [sflag:s29], $0x1  }
0xb6: {  	[sflag:s29] =	ssyncadd.s32 $0xFFFFFFFF  }
0xb7: {  	_ =	strace $0x90000048  }
0xb8: {  	_ =	sfence  }
0xb9: {  	s30 =	sld [smem:$0x0];
	_ =	sdelay $0x2  }
0xba: {  	s31 =	sshll.u32 s1, $0xD;
	s1 =	sshrl.u32 s1, $0x2  }
0xbb: {  	s3 =	sand.u32 $0x4000, s31;
	s1 =	sadd.s32 s1, s30  }
0xbc: {  	s0 =	sor.u32 s3, s0;
	s1 =	sshll.u32 s1, $0x11  }
0xbd: {  	s0 =	sor.u32 s1, s0  }
0xbe: {  	s0 =	sadd.s32 $0x8F2B, s0  }
0xbf: {  	[sflag:s0] =	ssyncadd.remote.s32 $0x1  }
0xc0: {  	_ =	sfence.sel $0xFFFF  }
0xc1: {  	[dreg:$0x0] =	wrdreg $0xFFFFFFFF;
	(pc) =	sbr.abs _section_cstart, $3  }
0xc2: {  	[dreg:$0x1] =	wrdreg $0xFFFFFFFF  }
0xc3: {  	_ =	task.clear_ibuf [dreg:s8], $0x2FFFF;
	_ =	strace $0x9FFFFFFF  }
0xc4: {  	(tm) =	ssettm $0x7FFFFFFF  }
0xc5: {  	_ =	shalt  }
tec
execute0_lowered:
.L_overlay_start_1:
0x0: {  	(tag) =	ssettag $0x1  }
0x1: {  	s0 =	rddreg [dreg:$0x0]  }
0x2: {  	s1 =	rddreg [dreg:$0x1];
	s3 =	srdreg.scid  }
0x3: {  	s5 =	stileid.u32;
	s2 =	rddreg [dreg:$0x2];
	s11 =	simm.s32 $0x4200  }
0x4: {  	s12 =	simm.s32 $0x2;
	s13 =	simm.s32 $0x3;
	s14 =	simm.s32 $0x1  }
0x5: {  	s15 =	simm.s32 $0xC200;
	s24 =	simm.s32 $0x100;
	s25 =	simm.s32 $0x2200  }
0x6: {  	s26 =	simm.s32 $0x80;
	s4 =	sand.u32 $0x1, s3;
	s3 =	simm.s32 $0x0  }
0x7: {  	s28 =	simm.s32 $0x1200;
	s30 =	simm.s32 $0x180;
	[smem:$0x7FF] =	sst s3  }
0x8: {  	s31 =	simm.s32 $0x3200;
	_ =	strace $0x80000047;
	[dreg:$0x7] =	wrdreg s24  }
0x9: {  	s29 =	simm.s32 $0x13A00;
	s5 =	sshll.u32 s5, $0x1;
	[dreg:$0x8] =	wrdreg s25  }
0xa: {  	s8 =	sadd.s32 $0x10B00, s1;
	s5 =	sor.u32 s4, s5;
	[dreg:$0x9] =	wrdreg s26  }
0xb: {  	s4 =	ssub.s32 $0x2, s4;
	s6 =	sshll.u32 s5, $0xB;
	[dreg:$0xa] =	wrdreg s28  }
0xc: {  	s7 =	sshll.u32 s5, $0x6;
	s5 =	sshll.u32 s5, $0xD;
	[dreg:$0xb] =	wrdreg s30  }
0xd: {  	s22 =	sshrl.u32 s4, $0x1;
	[dreg:$0xc] =	wrdreg s31;
	s7 =	sadd.s32 s1, s7  }
0xe: {  	s6 =	sadd.s32 s6, s1;
	s5 =	sadd.s32 s0, s5;
	[dreg:$0x4] =	wrdreg s7  }
0xf: {  	s0 =	ssub.s32 s4, s22;
	s6 =	sadd.s32 $0x800, s6;
	[dreg:$0xd] =	wrdreg s5  }
0x10: {  	v2 =	vlaneseq.u32;
	s23 =	sadd.s32 $0x1000, s5;
	s5 =	sadd.s32 $0x10800, s1;
	s7 =	sadd.s32 $0x10A00, s1  }
0x11: {  	vm0 =	vmmov $0xffff;
	v1 =	vshrl.u32 v2, $0x3;
	s9 =	smax.u32 s0, $0x1;
	s0 =	simm.s32 $0x4;
	[dreg:$0x5] =	wrdreg s6  }
0x12: {  	v0 =	vand.u32 $0x7, v2;
	v2 =	vor.u32 $0x8, v2;
	v1 =	vmul.u32 $0x8, v1;
	[dreg:$0x6] =	wrdreg s23;
	s6 =	sadd.s32 $0x10900, s1;
	s1 =	simm.s32 $0x20  }
.LBB2_1:
0x13: {  	s30 =	rddreg [dreg:$0x4]  }
0x14: {  	[tilespmem:s3], [sflag:$0x2] =	stream.linear.gather [hbm4b:s30+s3], $0x200, $0x38;
	[tilespmem:$0x14200] =	vst v63  }
0x15: {  	s31 =	rddreg [dreg:$0x5];
	s10 =	simm.s32 $0x200  }
0x16: {  	[tilespmem:s10], [sflag:$0x3] =	stream.linear.gather [hbm4b:s31+s3], $0x4000, $0x38;
	[tilespmem:$0x14200] =	vst v63  }
0x17: {  	s4 =	rddreg [dreg:$0xd]  }
0x18: {  	[tilespmem:s11], [sflag:$0x1] =	stream.linear.gather [hbm4b:s4+s3], $0x8000, $0x38;
	[tilespmem:$0x14200] =	vst v63  }
0x19: {  	_ =	swait.ge [sflag:s12], $0x200  }
0x1a: {  	[sflag:s12] =	ssyncset.done $0x0  }
0x1b: {  	[sflag:s12] =	ssyncadd.s32 $0xFFFFFE00  }
0x1c: {  	_ =	swait.ge [sflag:s13], $0x4000  }
0x1d: {  	[sflag:s13] =	ssyncset.done $0x0  }
0x1e: {  	[sflag:s13] =	ssyncadd.s32 $0xFFFFC000  }
0x1f: {  	_ =	swait.ge [sflag:s14], $0x8000  }
0x20: {  	[sflag:s14] =	ssyncset.done $0x0  }
0x21: {  	s26 =	rddreg [dreg:$0x6];
	[sflag:s14] =	ssyncadd.s32 $0xFFFF8000  }
0x22: {  	[tilespmem:s15], [sflag:$0x1] =	stream.linear.gather [hbm4b:s26+s3], $0x8000, $0x38;
	[tilespmem:$0x14200] =	vst v63  }
0x23: {  	v3 =	vld [tilespmem:$0x0];
	_ =	sdelay $0x4  }
0x24: {  	v4 =	vshll.u32 v3, $0x3  }
0x25: {  	v3 =	vand.u32 $0x7, v3;
	v4 =	vand.u32 $0xFFFFFFC0, v4  }
0x26: {  	v3 =	vor.u32 v3, v4  }
0x27: {  	v4 =	vperm.xlane v3, v0;
	_ =	sdelay $0x1  }
0x28: {  	v4 =	vadd.s32 v1, v4;
	_ =	sdelay $0x4  }
0x29: {  	[hbm4b:s5+s3] =	stream.indirect_vreg.scatter [tilespmem:s11], [sflag:$0x2], $0x80, v4, vm0, $0xb8;
	[tilespmem:$0x14200] =	vst v63  }
0x2a: {  	s4 =	simm.s32 $0x4A00;
	v3 =	vperm.xlane v3, v2  }
0x2b: {  	[hbm4b:s6+s3] =	stream.indirect_vreg.scatter [tilespmem:s4], [sflag:$0x2], $0x80, v4, vm0, $0xb8;
	[tilespmem:$0x14200] =	vst v63  }
0x2c: {  	s30 =	simm.s32 $0x5200;
	v3 =	vadd.s32 v1, v3  }
0x2d: {  	[hbm4b:s7+s3] =	stream.indirect_vreg.scatter [tilespmem:s30], [sflag:$0x2], $0x80, v4, vm0, $0xb8;
	[tilespmem:$0x14200] =	vst v63  }
0x2e: {  	s31 =	simm.s32 $0x5A00  }
0x2f: {  	[hbm4b:s8+s3] =	stream.indirect_vreg.scatter [tilespmem:s31], [sflag:$0x2], $0x80, v4, vm0, $0xb8;
	[tilespmem:$0x14200] =	vst v63  }
0x30: {  	s16 =	simm.s32 $0x6200  }
0x31: {  	[hbm4b:s5+s3] =	stream.indirect_vreg.scatter [tilespmem:s16], [sflag:$0x2], $0x80, v3, vm0, $0xb8;
	[tilespmem:$0x14200] =	vst v63  }
0x32: {  	s17 =	simm.s32 $0x6A00  }
0x33: {  	[hbm4b:s6+s3] =	stream.indirect_vreg.scatter [tilespmem:s17], [sflag:$0x2], $0x80, v3, vm0, $0xb8;
	[tilespmem:$0x14200] =	vst v63  }
0x34: {  	s18 =	simm.s32 $0x7200  }
0x35: {  	[hbm4b:s7+s3] =	stream.indirect_vreg.scatter [tilespmem:s18], [sflag:$0x2], $0x80, v3, vm0, $0xb8;
	[tilespmem:$0x14200] =	vst v63  }
0x36: {  	s19 =	simm.s32 $0x7A00  }
0x37: {  	[hbm4b:s8+s3] =	stream.indirect_vreg.scatter [tilespmem:s19], [sflag:$0x2], $0x80, v3, vm0, $0xb8;
	[tilespmem:$0x14200] =	vst v63  }
0x38: {  	v3 =	vld [tilespmem:$0x10];
	_ =	sdelay $0x4  }
0x39: {  	v57 =	vshll.u32 v3, $0x3  }
0x3a: {  	v3 =	vand.u32 $0x7, v3;
	v4 =	vand.u32 $0xFFFFFFC0, v57  }
0x3b: {  	v3 =	vor.u32 v3, v4  }
0x3c: {  	v4 =	vperm.xlane v3, v0;
	_ =	sdelay $0x1  }
0x3d: {  	v4 =	vadd.s32 v1, v4;
	_ =	sdelay $0x3  }
0x3e: {  	s20 =	simm.s32 $0x8200  }
0x3f: {  	[hbm4b:s5+s3] =	stream.indirect_vreg.scatter [tilespmem:s20], [sflag:$0x2], $0x80, v4, vm0, $0xb8;
	[tilespmem:$0x14200] =	vst v63  }
0x40: {  	s21 =	simm.s32 $0x8A00;
	v3 =	vperm.xlane v3, v2  }
0x41: {  	[hbm4b:s6+s3] =	stream.indirect_vreg.scatter [tilespmem:s21], [sflag:$0x2], $0x80, v4, vm0, $0xb8;
	[tilespmem:$0x14200] =	vst v63  }
0x42: {  	s22 =	simm.s32 $0x9200;
	v3 =	vadd.s32 v1, v3  }
0x43: {  	[hbm4b:s7+s3] =	stream.indirect_vreg.scatter [tilespmem:s22], [sflag:$0x2], $0x80, v4, vm0, $0xb8;
	[tilespmem:$0x14200] =	vst v63  }
0x44: {  	s23 =	simm.s32 $0x9A00  }
0x45: {  	[hbm4b:s8+s3] =	stream.indirect_vreg.scatter [tilespmem:s23], [sflag:$0x2], $0x80, v4, vm0, $0xb8;
	[tilespmem:$0x14200] =	vst v63  }
0x46: {  	s24 =	simm.s32 $0xA200  }
0x47: {  	[hbm4b:s5+s3] =	stream.indirect_vreg.scatter [tilespmem:s24], [sflag:$0x2], $0x80, v3, vm0, $0xb8;
	[tilespmem:$0x14200] =	vst v63  }
0x48: {  	s25 =	simm.s32 $0xAA00  }
0x49: {  	[hbm4b:s6+s3] =	stream.indirect_vreg.scatter [tilespmem:s25], [sflag:$0x2], $0x80, v3, vm0, $0xb8;
	[tilespmem:$0x14200] =	vst v63  }
0x4a: {  	s26 =	simm.s32 $0xB200  }
0x4b: {  	[hbm4b:s7+s3] =	stream.indirect_vreg.scatter [tilespmem:s26], [sflag:$0x2], $0x80, v3, vm0, $0xb8;
	[tilespmem:$0x14200] =	vst v63  }
0x4c: {  	s28 =	simm.s32 $0xBA00  }
0x4d: {  	[hbm4b:s8+s3] =	stream.indirect_vreg.scatter [tilespmem:s28], [sflag:$0x2], $0x80, v3, vm0, $0xb8;
	[tilespmem:$0x14200] =	vst v63  }
0x4e: {  	v3 =	vld [tilespmem:$0x100];
	_ =	sdelay $0x4  }
0x4f: {  	v58 =	vshll.u32 v3, $0x3  }
0x50: {  	v3 =	vand.u32 $0x7, v3;
	v4 =	vand.u32 $0xFFFFFFC0, v58  }
0x51: {  	v3 =	vor.u32 v3, v4  }
0x52: {  	v4 =	vperm.xlane v3, v0;
	_ =	sdelay $0x1  }
0x53: {  	v4 =	vadd.s32 v1, v4;
	_ =	sdelay $0x4  }
0x54: {  	[hbm4b:s5+s3] =	stream.indirect_vreg.scatter [tilespmem:s11], [sflag:$0x3], $0x80, v4, vm0, $0xb8;
	[tilespmem:$0x14200] =	vst v63  }
0x55: {  	v3 =	vperm.xlane v3, v2  }
0x56: {  	[hbm4b:s6+s3] =	stream.indirect_vreg.scatter [tilespmem:s4], [sflag:$0x3], $0x80, v4, vm0, $0xb8;
	[tilespmem:$0x14200] =	vst v63  }
0x57: {  	v3 =	vadd.s32 v1, v3  }
0x58: {  	[hbm4b:s7+s3] =	stream.indirect_vreg.scatter [tilespmem:s30], [sflag:$0x3], $0x80, v4, vm0, $0xb8;
	[tilespmem:$0x14200] =	vst v63  }
0x59: {  	_ = 	snop  }
0x5a: {  	[hbm4b:s8+s3] =	stream.indirect_vreg.scatter [tilespmem:s31], [sflag:$0x3], $0x80, v4, vm0, $0xb8;
	[tilespmem:$0x14200] =	vst v63  }
0x5b: {  	_ = 	snop  }
0x5c: {  	[hbm4b:s5+s3] =	stream.indirect_vreg.scatter [tilespmem:s16], [sflag:$0x3], $0x80, v3, vm0, $0xb8;
	[tilespmem:$0x14200] =	vst v63  }
0x5d: {  	_ = 	snop  }
0x5e: {  	[hbm4b:s6+s3] =	stream.indirect_vreg.scatter [tilespmem:s17], [sflag:$0x3], $0x80, v3, vm0, $0xb8;
	[tilespmem:$0x14200] =	vst v63  }
0x5f: {  	_ = 	snop  }
0x60: {  	[hbm4b:s7+s3] =	stream.indirect_vreg.scatter [tilespmem:s18], [sflag:$0x3], $0x80, v3, vm0, $0xb8;
	[tilespmem:$0x14200] =	vst v63  }
0x61: {  	_ = 	snop  }
0x62: {  	[hbm4b:s8+s3] =	stream.indirect_vreg.scatter [tilespmem:s19], [sflag:$0x3], $0x80, v3, vm0, $0xb8;
	[tilespmem:$0x14200] =	vst v63  }
0x63: {  	v3 =	vld [tilespmem:$0x110];
	_ =	sdelay $0x4  }
0x64: {  	v59 =	vshll.u32 v3, $0x3  }
0x65: {  	v3 =	vand.u32 $0x7, v3;
	v4 =	vand.u32 $0xFFFFFFC0, v59  }
0x66: {  	v3 =	vor.u32 v3, v4  }
0x67: {  	v4 =	vperm.xlane v3, v0;
	_ =	sdelay $0x1  }
0x68: {  	v4 =	vadd.s32 v1, v4;
	_ =	sdelay $0x4  }
0x69: {  	[hbm4b:s5+s3] =	stream.indirect_vreg.scatter [tilespmem:s20], [sflag:$0x3], $0x80, v4, vm0, $0xb8;
	[tilespmem:$0x14200] =	vst v63  }
0x6a: {  	v3 =	vperm.xlane v3, v2  }
0x6b: {  	[hbm4b:s6+s3] =	stream.indirect_vreg.scatter [tilespmem:s21], [sflag:$0x3], $0x80, v4, vm0, $0xb8;
	[tilespmem:$0x14200] =	vst v63  }
0x6c: {  	v3 =	vadd.s32 v1, v3  }
0x6d: {  	[hbm4b:s7+s3] =	stream.indirect_vreg.scatter [tilespmem:s22], [sflag:$0x3], $0x80, v4, vm0, $0xb8;
	[tilespmem:$0x14200] =	vst v63  }
0x6e: {  	_ = 	snop  }
0x6f: {  	[hbm4b:s8+s3] =	stream.indirect_vreg.scatter [tilespmem:s23], [sflag:$0x3], $0x80, v4, vm0, $0xb8;
	[tilespmem:$0x14200] =	vst v63  }
0x70: {  	_ = 	snop  }
0x71: {  	[hbm4b:s5+s3] =	stream.indirect_vreg.scatter [tilespmem:s24], [sflag:$0x3], $0x80, v3, vm0, $0xb8;
	[tilespmem:$0x14200] =	vst v63  }
0x72: {  	_ = 	snop  }
0x73: {  	[hbm4b:s6+s3] =	stream.indirect_vreg.scatter [tilespmem:s25], [sflag:$0x3], $0x80, v3, vm0, $0xb8;
	[tilespmem:$0x14200] =	vst v63  }
0x74: {  	_ = 	snop  }
0x75: {  	[hbm4b:s7+s3] =	stream.indirect_vreg.scatter [tilespmem:s26], [sflag:$0x3], $0x80, v3, vm0, $0xb8;
	[tilespmem:$0x14200] =	vst v63  }
0x76: {  	_ = 	snop  }
0x77: {  	[hbm4b:s8+s3] =	stream.indirect_vreg.scatter [tilespmem:s28], [sflag:$0x3], $0x80, v3, vm0, $0xb8;
	[tilespmem:$0x14200] =	vst v63  }
0x78: {  	s4 =	rddreg [dreg:$0x8]  }
0x79: {  	[hbm4b:s2+s1] =	stream.indirect.scatter [tilespmem:s10], [sflag:$0x4], $0x80, s3, s1, $0xb8;
	[tilespmem:$0x14200] =	vst v63  }
0x7a: {  	s28 =	rddreg [dreg:$0x7]  }
0x7b: {  	[hbm4b:s2+s1] =	stream.indirect.scatter [tilespmem:s4], [sflag:$0x4], $0x80, s28, s1, $0xb8;
	[tilespmem:$0x14200] =	vst v63  }
0x7c: {  	_ =	swait.ge [sflag:s14], $0x8000  }
0x7d: {  	[sflag:s14] =	ssyncset.done $0x0  }
0x7e: {  	[sflag:s14] =	ssyncadd.s32 $0xFFFF8000  }
0x7f: {  	_ =	swait.ge [sflag:s12], $0x8000  }
0x80: {  	[sflag:s12] =	ssyncset.done $0x0  }
0x81: {  	[sflag:s12] =	ssyncadd.s32 $0xFFFF8000  }
0x82: {  	_ =	swait.ge [sflag:s13], $0x8000  }
0x83: {  	[sflag:s13] =	ssyncset.done $0x0  }
0x84: {  	[sflag:s13] =	ssyncadd.s32 $0xFFFF8000  }
0x85: {  	_ =	swait.ge [sflag:s0], $0x1000  }
0x86: {  	[sflag:s0] =	ssyncset.done $0x0  }
0x87: {  	[sflag:s0] =	ssyncadd.s32 $0xFFFFF000  }
0x88: {  	_ =	swait.ge [sflag:s0], $0x1000  }
0x89: {  	[sflag:s0] =	ssyncset.done $0x0  }
0x8a: {  	[sflag:s0] =	ssyncadd.s32 $0xFFFFF000  }
0x8b: {  	v3 =	vld [tilespmem:$0x80];
	_ =	sdelay $0x4  }
0x8c: {  	v60 =	vshll.u32 v3, $0x3  }
0x8d: {  	v3 =	vand.u32 $0x7, v3;
	v4 =	vand.u32 $0xFFFFFFC0, v60  }
0x8e: {  	v3 =	vor.u32 v3, v4  }
0x8f: {  	v4 =	vperm.xlane v3, v0;
	_ =	sdelay $0x1  }
0x90: {  	v4 =	vadd.s32 v1, v4;
	_ =	sdelay $0x4  }
0x91: {  	[hbm4b:s5+s3] =	stream.indirect_vreg.scatter [tilespmem:s15], [sflag:$0x2], $0x80, v4, vm0, $0xb8;
	[tilespmem:$0x14200] =	vst v63  }
0x92: {  	s10 =	simm.s32 $0xCA00;
	v3 =	vperm.xlane v3, v2  }
0x93: {  	[hbm4b:s6+s3] =	stream.indirect_vreg.scatter [tilespmem:s10], [sflag:$0x2], $0x80, v4, vm0, $0xb8;
	[tilespmem:$0x14200] =	vst v63  }
0x94: {  	s16 =	simm.s32 $0xD200;
	v3 =	vadd.s32 v1, v3  }
0x95: {  	[hbm4b:s7+s3] =	stream.indirect_vreg.scatter [tilespmem:s16], [sflag:$0x2], $0x80, v4, vm0, $0xb8;
	[tilespmem:$0x14200] =	vst v63  }
0x96: {  	s17 =	simm.s32 $0xDA00  }
0x97: {  	[hbm4b:s8+s3] =	stream.indirect_vreg.scatter [tilespmem:s17], [sflag:$0x2], $0x80, v4, vm0, $0xb8;
	[tilespmem:$0x14200] =	vst v63  }
0x98: {  	s18 =	simm.s32 $0xE200  }
0x99: {  	[hbm4b:s5+s3] =	stream.indirect_vreg.scatter [tilespmem:s18], [sflag:$0x2], $0x80, v3, vm0, $0xb8;
	[tilespmem:$0x14200] =	vst v63  }
0x9a: {  	s19 =	simm.s32 $0xEA00  }
0x9b: {  	[hbm4b:s6+s3] =	stream.indirect_vreg.scatter [tilespmem:s19], [sflag:$0x2], $0x80, v3, vm0, $0xb8;
	[tilespmem:$0x14200] =	vst v63  }
0x9c: {  	s20 =	simm.s32 $0xF200  }
0x9d: {  	[hbm4b:s7+s3] =	stream.indirect_vreg.scatter [tilespmem:s20], [sflag:$0x2], $0x80, v3, vm0, $0xb8;
	[tilespmem:$0x14200] =	vst v63  }
0x9e: {  	s21 =	simm.s32 $0xFA00  }
0x9f: {  	[hbm4b:s8+s3] =	stream.indirect_vreg.scatter [tilespmem:s21], [sflag:$0x2], $0x80, v3, vm0, $0xb8;
	[tilespmem:$0x14200] =	vst v63  }
0xa0: {  	v3 =	vld [tilespmem:$0x90];
	_ =	sdelay $0x4  }
0xa1: {  	v61 =	vshll.u32 v3, $0x3  }
0xa2: {  	v3 =	vand.u32 $0x7, v3;
	v4 =	vand.u32 $0xFFFFFFC0, v61  }
0xa3: {  	v3 =	vor.u32 v3, v4  }
0xa4: {  	v4 =	vperm.xlane v3, v0;
	_ =	sdelay $0x1  }
0xa5: {  	v4 =	vadd.s32 v1, v4;
	_ =	sdelay $0x3  }
0xa6: {  	s22 =	simm.s32 $0x10200  }
0xa7: {  	[hbm4b:s5+s3] =	stream.indirect_vreg.scatter [tilespmem:s22], [sflag:$0x2], $0x80, v4, vm0, $0xb8;
	[tilespmem:$0x14200] =	vst v63  }
0xa8: {  	s23 =	simm.s32 $0x10A00;
	v3 =	vperm.xlane v3, v2  }
0xa9: {  	[hbm4b:s6+s3] =	stream.indirect_vreg.scatter [tilespmem:s23], [sflag:$0x2], $0x80, v4, vm0, $0xb8;
	[tilespmem:$0x14200] =	vst v63  }
0xaa: {  	s24 =	simm.s32 $0x11200;
	v3 =	vadd.s32 v1, v3  }
0xab: {  	[hbm4b:s7+s3] =	stream.indirect_vreg.scatter [tilespmem:s24], [sflag:$0x2], $0x80, v4, vm0, $0xb8;
	[tilespmem:$0x14200] =	vst v63  }
0xac: {  	s25 =	simm.s32 $0x11A00  }
0xad: {  	[hbm4b:s8+s3] =	stream.indirect_vreg.scatter [tilespmem:s25], [sflag:$0x2], $0x80, v4, vm0, $0xb8;
	[tilespmem:$0x14200] =	vst v63  }
0xae: {  	s26 =	simm.s32 $0x12200  }
0xaf: {  	[hbm4b:s5+s3] =	stream.indirect_vreg.scatter [tilespmem:s26], [sflag:$0x2], $0x80, v3, vm0, $0xb8;
	[tilespmem:$0x14200] =	vst v63  }
0xb0: {  	s30 =	simm.s32 $0x12A00  }
0xb1: {  	[hbm4b:s6+s3] =	stream.indirect_vreg.scatter [tilespmem:s30], [sflag:$0x2], $0x80, v3, vm0, $0xb8;
	[tilespmem:$0x14200] =	vst v63  }
0xb2: {  	s31 =	simm.s32 $0x13200  }
0xb3: {  	[hbm4b:s7+s3] =	stream.indirect_vreg.scatter [tilespmem:s31], [sflag:$0x2], $0x80, v3, vm0, $0xb8;
	[tilespmem:$0x14200] =	vst v63  }
0xb4: {  	_ = 	snop  }
0xb5: {  	[hbm4b:s8+s3] =	stream.indirect_vreg.scatter [tilespmem:s29], [sflag:$0x2], $0x80, v3, vm0, $0xb8;
	[tilespmem:$0x14200] =	vst v63  }
0xb6: {  	v3 =	vld [tilespmem:$0x180];
	_ =	sdelay $0x4  }
0xb7: {  	v62 =	vshll.u32 v3, $0x3  }
0xb8: {  	v3 =	vand.u32 $0x7, v3;
	v4 =	vand.u32 $0xFFFFFFC0, v62  }
0xb9: {  	v3 =	vor.u32 v3, v4  }
0xba: {  	v4 =	vperm.xlane v3, v0;
	_ =	sdelay $0x1  }
0xbb: {  	v4 =	vadd.s32 v1, v4;
	_ =	sdelay $0x4  }
0xbc: {  	[hbm4b:s5+s3] =	stream.indirect_vreg.scatter [tilespmem:s15], [sflag:$0x3], $0x80, v4, vm0, $0xb8;
	[tilespmem:$0x14200] =	vst v63  }
0xbd: {  	v3 =	vperm.xlane v3, v2  }
0xbe: {  	[hbm4b:s6+s3] =	stream.indirect_vreg.scatter [tilespmem:s10], [sflag:$0x3], $0x80, v4, vm0, $0xb8;
	[tilespmem:$0x14200] =	vst v63  }
0xbf: {  	v3 =	vadd.s32 v1, v3  }
0xc0: {  	[hbm4b:s7+s3] =	stream.indirect_vreg.scatter [tilespmem:s16], [sflag:$0x3], $0x80, v4, vm0, $0xb8;
	[tilespmem:$0x14200] =	vst v63  }
0xc1: {  	_ = 	snop  }
0xc2: {  	[hbm4b:s8+s3] =	stream.indirect_vreg.scatter [tilespmem:s17], [sflag:$0x3], $0x80, v4, vm0, $0xb8;
	[tilespmem:$0x14200] =	vst v63  }
0xc3: {  	_ = 	snop  }
0xc4: {  	[hbm4b:s5+s3] =	stream.indirect_vreg.scatter [tilespmem:s18], [sflag:$0x3], $0x80, v3, vm0, $0xb8;
	[tilespmem:$0x14200] =	vst v63  }
0xc5: {  	_ = 	snop  }
0xc6: {  	[hbm4b:s6+s3] =	stream.indirect_vreg.scatter [tilespmem:s19], [sflag:$0x3], $0x80, v3, vm0, $0xb8;
	[tilespmem:$0x14200] =	vst v63  }
0xc7: {  	_ = 	snop  }
0xc8: {  	[hbm4b:s7+s3] =	stream.indirect_vreg.scatter [tilespmem:s20], [sflag:$0x3], $0x80, v3, vm0, $0xb8;
	[tilespmem:$0x14200] =	vst v63  }
0xc9: {  	_ = 	snop  }
0xca: {  	[hbm4b:s8+s3] =	stream.indirect_vreg.scatter [tilespmem:s21], [sflag:$0x3], $0x80, v3, vm0, $0xb8;
	[tilespmem:$0x14200] =	vst v63  }
0xcb: {  	v3 =	vld [tilespmem:$0x190];
	_ =	sdelay $0x4  }
0xcc: {  	v63 =	vshll.u32 v3, $0x3  }
0xcd: {  	v3 =	vand.u32 $0x7, v3;
	v4 =	vand.u32 $0xFFFFFFC0, v63  }
0xce: {  	v3 =	vor.u32 v3, v4  }
0xcf: {  	v4 =	vperm.xlane v3, v0;
	_ =	sdelay $0x1  }
0xd0: {  	v4 =	vadd.s32 v1, v4;
	_ =	sdelay $0x4  }
0xd1: {  	[hbm4b:s5+s3] =	stream.indirect_vreg.scatter [tilespmem:s22], [sflag:$0x3], $0x80, v4, vm0, $0xb8;
	[tilespmem:$0x14200] =	vst v63  }
0xd2: {  	v3 =	vperm.xlane v3, v2  }
0xd3: {  	[hbm4b:s6+s3] =	stream.indirect_vreg.scatter [tilespmem:s23], [sflag:$0x3], $0x80, v4, vm0, $0xb8;
	[tilespmem:$0x14200] =	vst v63  }
0xd4: {  	v3 =	vadd.s32 v1, v3  }
0xd5: {  	[hbm4b:s7+s3] =	stream.indirect_vreg.scatter [tilespmem:s24], [sflag:$0x3], $0x80, v4, vm0, $0xb8;
	[tilespmem:$0x14200] =	vst v63  }
0xd6: {  	_ = 	snop  }
0xd7: {  	[hbm4b:s8+s3] =	stream.indirect_vreg.scatter [tilespmem:s25], [sflag:$0x3], $0x80, v4, vm0, $0xb8;
	[tilespmem:$0x14200] =	vst v63  }
0xd8: {  	_ = 	snop  }
0xd9: {  	[hbm4b:s5+s3] =	stream.indirect_vreg.scatter [tilespmem:s26], [sflag:$0x3], $0x80, v3, vm0, $0xb8;
	[tilespmem:$0x14200] =	vst v63  }
0xda: {  	_ = 	snop  }
0xdb: {  	[hbm4b:s6+s3] =	stream.indirect_vreg.scatter [tilespmem:s30], [sflag:$0x3], $0x80, v3, vm0, $0xb8;
	[tilespmem:$0x14200] =	vst v63  }
0xdc: {  	s28 =	rddreg [dreg:$0xc]  }
0xdd: {  	[hbm4b:s7+s3] =	stream.indirect_vreg.scatter [tilespmem:s31], [sflag:$0x3], $0x80, v3, vm0, $0xb8;
	[tilespmem:$0x14200] =	vst v63  }
0xde: {  	s24 =	rddreg [dreg:$0x9]  }
0xdf: {  	[hbm4b:s8+s3] =	stream.indirect_vreg.scatter [tilespmem:s29], [sflag:$0x3], $0x80, v3, vm0, $0xb8;
	[tilespmem:$0x14200] =	vst v63  }
0xe0: {  	s25 =	rddreg [dreg:$0xa]  }
0xe1: {  	[hbm4b:s2+s1] =	stream.indirect.scatter [tilespmem:s25], [sflag:$0x4], $0x80, s24, s1, $0xb8;
	[tilespmem:$0x14200] =	vst v63  }
0xe2: {  	s26 =	rddreg [dreg:$0xb]  }
0xe3: {  	[hbm4b:s2+s1] =	stream.indirect.scatter [tilespmem:s28], [sflag:$0x4], $0x80, s26, s1, $0xb8;
	[tilespmem:$0x14200] =	vst v63  }
0xe4: {  	_ =	swait.ge [sflag:s12], $0x8000  }
0xe5: {  	[sflag:s12] =	ssyncset.done $0x0  }
0xe6: {  	[sflag:s12] =	ssyncadd.s32 $0xFFFF8000  }
0xe7: {  	_ =	swait.ge [sflag:s13], $0x8000  }
0xe8: {  	[sflag:s13] =	ssyncset.done $0x0  }
0xe9: {  	[sflag:s13] =	ssyncadd.s32 $0xFFFF8000  }
0xea: {  	p0 =	sne.s32 s9, $0x1;
	_ =	swait.ge [sflag:s0], $0x1000  }
.Ltmp0:
0xeb: {  	[sflag:s0] =	ssyncset.done $0x0;
	(pc) =	sbr.rel @p0 .LBB2_1-.Ltmp0, $4  }
0xec: {  	[sflag:s0] =	ssyncadd.s32 $0xFFFFF000  }
0xed: {  	_ =	swait.ge [sflag:s0], $0x1000  }
0xee: {  	[sflag:s0] =	ssyncset.done $0x0  }
0xef: {  	s9 =	sadd.s32 $0xFFFFFFFF, s9;
	[sflag:s0] =	ssyncadd.s32 $0xFFFFF000  }
0xf0: {  	_ =	sfence.sel $0x180000  }
0xf1: {  	[bflag:$0x0] =	sbarrier.arrive $0xFFFF  }
0xf2: {  	_ =	strace $0x90000047  }
0xf3: {  	s0 =	stileid.u32;
	[bflag:$0x2] =	sbarrier.arrive $0xFFFF  }
0xf4: {  	p0 =	sne.s32 s0, $0x0;
	s0 =	rddreg [dreg:$0x3]  }
0xf5: {  	s0 =	sadd.s32 @!p0 $0x100000, s0  }
0xf6: {  	[sflag:s0] =	ssyncadd.tile.s32 @!p0 $0x1;
	_ =	shalt  }
.Lfunc_end2:
_tile_overlayer_lowered:
.L_overlay_start_2:
0xf7: {  	(tag) =	ssettag $0x2  }
0xf8: {  	s0 =	rddreg [dreg:$0x0];
	s2 =	stileid.u32  }
0xf9: {  	s1 =	rddreg [dreg:$0x1];
	p0 =	sne.s32 s2, $0x0  }
0xfa: {  	s3 =	rddreg [dreg:$0x2];
	[bflag:$0x3] =	sbarrier.arrive $0xFFFF;
	s2 =	simm.s32 @!p0 $0x1C05  }
0xfb: {  	[timem:s3], [sflag:s2] =	dma.local @!p0 [hbm:s0], s1  }
0xfc: {  	s0 =	simm.s32 @!p0 $0x5  }
0xfd: {  	_ =	swait.ge @!p0 [sflag:s0], s1  }
0xfe: {  	s1 =	ssub.s32 @!p0 $0x0, s1;
	[sflag:s0] =	ssyncset.done @!p0 $0x0  }
0xff: {  	[sflag:s0] =	ssyncadd.s32 @!p0 s1  }
0x100: {  	[bflag:$0x3] =	sbarrier.arrive $0xFFFF  }
0x101: {  	_ =	shalt  }

// kernel: kernel.9.cloned.1.call-start
scs
__scs_entry_jumppad:
0x0: {  	(pc) =	sbr.rel $0x88, $3  }
0x1: {  	(tag) =	ssettag $0x0;
	lr =	simm.s32 $0x1  }
0x2: {  	[smem:$0x3F9C] =	sst lr;
	_ =	strace $0xD0000000  }
0x3: {  	_ = 	snop  }
0x4: {  	_ = 	snop  }
0x5: {  	_ = 	snop  }
0x6: {  	_ = 	snop  }
0x7: {  	_ = 	snop  }
__scs_overlays_trampoline_lowered:
0x8: {  	[smem:$0x3FAB] =	sst s0  }
0x9: {  	[smem:$0x3FAC] =	sst s1  }
0xa: {  	[smem:$0x3FAD] =	sst s2  }
0xb: {  	[smem:$0x3FAE] =	sst s3  }
0xc: {  	[smem:$0x3FAF] =	sst s4  }
0xd: {  	[smem:$0x3FB0] =	sst s5  }
0xe: {  	[smem:$0x3FB1] =	sst s6  }
0xf: {  	[smem:$0x3FB2] =	sst s7  }
0x10: {  	[smem:$0x3FB3] =	sst s8  }
0x11: {  	[smem:$0x3FB4] =	sst s9;
	s0 =	simm.s32 @!p0 $0x0  }
0x12: {  	s1 =	sld [smem:$0x3F9A];
	s0 =	simm.s32 @p0 $0x1  }
0x13: {  	[smem:$0x3FB5] =	sst s0;
	s0 =	simm.s32 @!p1 $0x0  }
0x14: {  	s2 =	sld [smem:$0x3F99];
	s0 =	simm.s32 @p1 $0x1  }
0x15: {  	[smem:$0x3FB6] =	sst s0;
	s0 =	simm.s32 @!p2 $0x0  }
0x16: {  	s3 =	sld [smem:$0x3FDB];
	s0 =	simm.s32 @p2 $0x1  }
0x17: {  	s4 =	simm.s32 $0x1BF5;
	[smem:$0x3FB8] =	sst s0  }
0x18: {  	s0 =	sld [smem:$0x3F9B];
	_ =	swait.ge [sflag:s4], $0x0  }
0x19: {  	s7 =	sld [smem:$0x3F9C]  }
0x1a: {  	s8 =	sadd.s32 $0xFFFFE003, lr  }
0x1b: {  	s9 =	sadd.s32 $0xFFFFFEF7, lr;
	s5 =	simm.s32 $0xFFFFFFFF;
	p2 =	slt.u32 s8, $0xFFFFF086  }
0x1c: {  	p1 =	slt.u32 s9, $0xF7A;
	s5 =	simm.s32 @!p2 $0x0  }
0x1d: {  	s5 =	simm.s32 @p1 $0x1;
	p0 =	seq.s32 s7, s2  }
0x1e: {  	s7 =	smul.u32 @!p0 $0xF7A, s2;
	p2 =	seq.s32 @!p0 s5, $0x0  }
0x1f: {  	s9 =	smul.u32 $0xF7A, s1;
	s8 =	simm.s32 @!p0 $0x1BF5;
	p2 =	por !p2, p0  }
0x20: {  	[sflag:s8] =	ssyncset.s32 @!p0 $0xFFFFF086;
	s6 =	sadd.s32 @!p0 s3, s7;
	s7 =	simm.s32 @!p0 $0x108  }
0x21: {  	s3 =	sadd.s32 s3, s9;
	s6 =	sadd.s32 @!p0 $0x88, s6;
	s7 =	simm.s32 @p2 $0x1082  }
0x22: {  	[simem:s7], [sflag:s8] =	dma.local @!p0 [hbm:s6], $0xF7A  }
0x23: {  	s9 =	sor.u32 $0xD0000000, s2;
	s6 =	simm.s32 $0x108;
	_ =	swait.ge @!p0 [sflag:s8], $0x0  }
0x24: {  	s3 =	sadd.s32 $0x88, s3;
	s6 =	simm.s32 @!p1 $0x1082;
	[sflag:s4] =	ssyncset.s32 $0xFFFFF086  }
0x25: {  	[simem:s6], [sflag:s4] =	dma.local [hbm:s3], $0xF7A  }
0x26: {  	[smem:$0x3F9C] =	sst s1;
	(tag) =	ssettag s2;
	_ =	strace s9  }
0x27: {  	s1 =	sld [smem:$0x3FAC]  }
0x28: {  	s2 =	sld [smem:$0x3FAD]  }
0x29: {  	s4 =	sld [smem:$0x3FAF]  }
0x2a: {  	p0 =	seq.s32 s5, $0x0;
	s5 =	sld [smem:$0x3FB0]  }
0x2b: {  	s6 =	sld [smem:$0x3FB1]  }
0x2c: {  	s7 =	sld [smem:$0x3FB2]  }
0x2d: {  	s3 =	simm.s32 $0x108;
	s8 =	sld [smem:$0x3FB3]  }
0x2e: {  	s3 =	simm.s32 @!p0 $0x1082;
	s9 =	sld [smem:$0x3FB4]  }
0x2f: {  	lr =	sadd.s32 s0, s3;
	s0 =	sld [smem:$0x3FAB]  }
0x30: {  	s3 =	sld [smem:$0x3FAE]  }
0x31: {  	[smem:$0x3FB7] =	sst s10  }
0x32: {  	s10 =	sld [smem:$0x3FB5];
	_ =	sdelay $0x3  }
0x33: {  	p0 =	seq.s32 s10, $0x1;
	s10 =	sld [smem:$0x3FB7];
	_ =	sdelay $0x3  }
0x34: {  	[smem:$0x3FB7] =	sst s10  }
0x35: {  	s10 =	sld [smem:$0x3FB6];
	_ =	sdelay $0x3  }
0x36: {  	p1 =	seq.s32 s10, $0x1;
	s10 =	sld [smem:$0x3FB7];
	_ =	sdelay $0x3  }
0x37: {  	[smem:$0x3FB7] =	sst s10  }
0x38: {  	s10 =	sld [smem:$0x3FB8]  }
0x39: {  	_ = 	snop;
	(pc) =	sbr.ind lr, $3  }
0x3a: {  	_ = 	snop  }
0x3b: {  	_ = 	snop  }
0x3c: {  	p2 =	seq.s32 s10, $0x1;
	s10 =	sld [smem:$0x3FB7]  }
0x3d: {  	_ =	shalt  }
0x3e: {  	_ =	shalt  }
0x3f: {  	_ =	shalt  }
0x40: {  	_ =	shalt  }
0x41: {  	_ =	shalt  }
0x42: {  	_ =	shalt  }
0x43: {  	_ =	shalt  }
0x44: {  	_ =	shalt  }
0x45: {  	_ =	shalt  }
0x46: {  	_ =	shalt  }
0x47: {  	_ =	shalt  }
0x48: {  	_ =	shalt  }
0x49: {  	_ =	shalt  }
0x4a: {  	_ =	shalt  }
0x4b: {  	_ =	shalt  }
0x4c: {  	_ =	shalt  }
0x4d: {  	_ =	shalt  }
0x4e: {  	_ =	shalt  }
0x4f: {  	_ =	shalt  }
0x50: {  	_ =	shalt  }
0x51: {  	_ =	shalt  }
0x52: {  	_ =	shalt  }
0x53: {  	_ =	shalt  }
0x54: {  	_ =	shalt  }
0x55: {  	_ =	shalt  }
0x56: {  	_ =	shalt  }
0x57: {  	_ =	shalt  }
0x58: {  	_ =	shalt  }
0x59: {  	_ =	shalt  }
0x5a: {  	_ =	shalt  }
0x5b: {  	_ =	shalt  }
0x5c: {  	_ =	shalt  }
0x5d: {  	_ =	shalt  }
0x5e: {  	_ =	shalt  }
0x5f: {  	_ =	shalt  }
0x60: {  	_ =	shalt  }
0x61: {  	_ =	shalt  }
0x62: {  	_ =	shalt  }
0x63: {  	_ =	shalt  }
0x64: {  	_ =	shalt  }
0x65: {  	_ =	shalt  }
0x66: {  	_ =	shalt  }
0x67: {  	_ =	shalt  }
0x68: {  	_ =	shalt  }
0x69: {  	_ =	shalt  }
0x6a: {  	_ =	shalt  }
0x6b: {  	_ =	shalt  }
0x6c: {  	_ =	shalt  }
0x6d: {  	_ =	shalt  }
0x6e: {  	_ =	shalt  }
0x6f: {  	_ =	shalt  }
0x70: {  	_ =	shalt  }
0x71: {  	_ =	shalt  }
0x72: {  	_ =	shalt  }
0x73: {  	_ =	shalt  }
0x74: {  	_ =	shalt  }
0x75: {  	_ =	shalt  }
0x76: {  	_ =	shalt  }
0x77: {  	_ =	shalt  }
0x78: {  	_ =	shalt  }
0x79: {  	_ =	shalt  }
0x7a: {  	_ =	shalt  }
0x7b: {  	_ =	shalt  }
0x7c: {  	_ =	shalt  }
0x7d: {  	_ =	shalt  }
0x7e: {  	_ =	shalt  }
0x7f: {  	_ =	shalt  }
0x80: {  	_ =	shalt  }
0x81: {  	_ =	shalt  }
0x82: {  	_ =	shalt  }
0x83: {  	_ =	shalt  }
0x84: {  	_ =	shalt  }
0x85: {  	_ =	shalt  }
0x86: {  	_ =	shalt  }
0x87: {  	_ =	shalt  }
.Lfunc_end0:
.L_simem_size_0:
called_computation.1_lowered:
.L_overlay_start_0:
0x88: {  	s2 =	sld [smem:$0x3FD9]  }
0x89: {  	s3 =	sld [smem:$0x3FFE];
	_ =	sdelay $0x1  }
0x8a: {  	s1 =	srdreg.scid  }
0x8b: {  	s0 =	sand.u32 $0x1, s1  }
0x8c: {  	s17 =	sshll.u32 s0, $0xA;
	s2 =	sadd.s32 s3, s2  }
0x8d: {  	s2 =	sadd.s32 s2, s17  }
0x8e: {  	[smem:$0x3FC3] =	sst s2  }
0x8f: {  	_ = 	snop  }
0x90: {  	s2 =	sld [smem:$0x3FD0];
	(tm) =	ssettm $0x1  }
0x91: {  	s18 =	sld [smem:$0x3FFB];
	_ =	sdelay $0x3  }
0x92: {  	_ =	strace s18  }
0x93: {  	s3 =	sld [smem:$0x3FFC];
	_ =	sdelay $0x3  }
0x94: {  	_ =	strace s3  }
0x95: {  	s3 =	sld [smem:$0x3FFD];
	_ =	sdelay $0x3  }
0x96: {  	_ =	strace s3  }
0x97: {  	_ =	strace $0x8FFFFFFF  }
0x98: {  	s19 =	sld [smem:$0x3FDB];
	_ =	sdelay $0x1  }
0x99: {  	s4 =	simm.s32 $_scs_section_size  }
0x9a: {  	s5 =	simm.s32 $_size__tile_overlayer_lowered;
	s6 =	simm.s32 $_tile_overlayer_lowered  }
0x9b: {  	s22 =	simm.s32 $0x1BFF;
	s21 =	sshll.u32 s6, $0x1;
	s3 =	sadd.s32 s4, s19  }
0x9c: {  	s7 =	simm.s32 $0x0;
	s20 =	sshll.u32 s5, $0x1;
	s5 =	sadd.s32 s21, s3  }
0x9d: {  	[timem:s7], [sflag:s22] =	dma.local [hbm:s5], s20  }
0x9e: {  	_ =	swait.ge [sflag:s22], s20  }
0x9f: {  	s4 =	ssub.s32 $0x0, s20;
	[sflag:s22] =	ssyncset.done $0x0  }
0xa0: {  	[sflag:s22] =	ssyncadd.s32 s4;
	_ =	sdelay $0x1  }
0xa1: {  	s23 =	simm.s32 $0x1B8B  }
0xa2: {  	_ =	swait.ge [sflag:s23], $0x1  }
0xa3: {  	[sflag:s23] =	ssyncset.done $0x0  }
0xa4: {  	s25 =	simm.s32 $0x1B8E;
	s24 =	sld [smem:$0x3FFE];
	[sflag:s23] =	ssyncadd.s32 $0xFFFFFFFF  }
0xa5: {  	s26 =	simm.s32 $execute0_lowered;
	[smem:$0x3FD2] =	sst s25  }
0xa6: {  	s5 =	sshll.u32 s26, $0x1;
	_ =	strace $0x80000049;
	[dreg:$0x1] =	wrdreg $0xFFFFFFFF  }
0xa7: {  	s28 =	simm.s32 $_size_execute0_lowered;
	s3 =	sadd.s32 s3, s5;
	[dreg:$0x0] =	wrdreg $0x0  }
0xa8: {  	s5 =	sshll.u32 s28, $0x1;
	[dreg:$0x2] =	wrdreg s3  }
0xa9: {  	[dreg:$0x3] =	wrdreg s5  }
0xaa: {  	[dreg:$0x4] =	wrdreg $0xC0  }
0xab: {  	_ =	task [dreg:s7], $0x5FFFF  }
0xac: {  	[dreg:$0x1] =	wrdreg $0xFFFFFFFF  }
0xad: {  	[dreg:$0x0] =	wrdreg $0x60  }
0xae: {  	[dreg:$0x2] =	wrdreg s24  }
0xaf: {  	[dreg:$0x3] =	wrdreg s2  }
0xb0: {  	[dreg:$0x4] =	wrdreg $0x9  }
0xb1: {  	_ =	task.clear_ibuf [dreg:s7], $0x5FFFF;
	_ =	strace $0x90000049  }
0xb2: {  	s29 =	simm.s32 $0x9;
	_ =	strace $0x8000004B  }
0xb3: {  	_ =	swait.ge [sflag:s29], $0x1  }
0xb4: {  	[sflag:s29] =	ssyncadd.s32 $0xFFFFFFFF  }
0xb5: {  	_ =	strace $0x9000004B  }
0xb6: {  	_ =	sfence  }
0xb7: {  	s30 =	sld [smem:$0x0];
	_ =	sdelay $0x2  }
0xb8: {  	s31 =	sshll.u32 s1, $0xD;
	s1 =	sshrl.u32 s1, $0x2  }
0xb9: {  	s3 =	sand.u32 $0x4000, s31;
	s1 =	sadd.s32 s1, s30  }
0xba: {  	s0 =	sor.u32 s3, s0;
	s1 =	sshll.u32 s1, $0x11  }
0xbb: {  	s0 =	sor.u32 s1, s0  }
0xbc: {  	s0 =	sadd.s32 $0x8F2B, s0  }
0xbd: {  	[sflag:s0] =	ssyncadd.remote.s32 $0x1  }
0xbe: {  	_ =	sfence.sel $0xFFFF  }
0xbf: {  	[dreg:$0x0] =	wrdreg $0xFFFFFFFF;
	(pc) =	sbr.abs _section_cstart, $3  }
0xc0: {  	[dreg:$0x1] =	wrdreg $0xFFFFFFFF  }
0xc1: {  	_ =	task.clear_ibuf [dreg:s7], $0x2FFFF;
	_ =	strace $0x9FFFFFFF  }
0xc2: {  	(tm) =	ssettm $0x7FFFFFFF  }
0xc3: {  	_ =	shalt  }
tec
execute0_lowered:
.L_overlay_start_1:
0x0: {  	(tag) =	ssettag $0x1  }
0x1: {  	s0 =	rddreg [dreg:$0x0]  }
0x2: {  	s1 =	rddreg [dreg:$0x1]  }
0x3: {  	s3 =	srdreg.scid;
	s4 =	stileid.u32;
	s2 =	simm.s32 $0x0  }
0x4: {  	s13 =	simm.s32 $0x4;
	s14 =	simm.s32 $0x400;
	s31 =	simm.s32 $0x4400  }
0x5: {  	s15 =	simm.s32 $0x6400;
	s16 =	simm.s32 $0x6C00;
	s17 =	simm.s32 $0x7400  }
0x6: {  	s18 =	simm.s32 $0x7C00;
	s19 =	simm.s32 $0xC400;
	s20 =	simm.s32 $0xD400  }
0x7: {  	s10 =	simm.s32 $0xDC00;
	s21 =	simm.s32 $0xE400;
	s11 =	simm.s32 $0xEC00  }
0x8: {  	s22 =	simm.s32 $0xF400;
	s12 =	simm.s32 $0xFC00;
	s23 =	simm.s32 $0x1  }
0x9: {  	s24 =	simm.s32 $0x2;
	s3 =	sand.u32 $0x1, s3;
	s4 =	sshll.u32 s4, $0x1  }
0xa: {  	s25 =	simm.s32 $0x3;
	[smem:$0x7FF] =	sst s2;
	s4 =	sor.u32 s3, s4  }
0xb: {  	s8 =	sadd.s32 $0xB1B00, s0;
	s6 =	ssub.s32 $0x2, s3;
	s5 =	sshll.u32 s4, $0x7  }
0xc: {  	s7 =	sshrl.u32 s6, $0x1;
	s4 =	sshll.u32 s4, $0xD;
	s5 =	sadd.s32 s5, s0  }
0xd: {  	s9 =	ssub.s32 s6, s7;
	s7 =	sadd.s32 s1, s4;
	s5 =	sadd.s32 $0xB0800, s5  }
0xe: {  	_ =	strace $0x8000004A;
	s26 =	sadd.s32 $0x800, s7;
	[dreg:$0x3] =	wrdreg s5  }
0xf: {  	s3 =	sadd.s32 $0xB1800, s0;
	s28 =	sadd.s32 $0x1000, s7;
	[dreg:$0x4] =	wrdreg s26  }
0x10: {  	v2 =	vlaneseq.u32;
	s6 =	sadd.s32 $0xB1A00, s0;
	s29 =	sadd.s32 $0x1800, s7;
	[dreg:$0x5] =	wrdreg s28  }
0x11: {  	vm0 =	vmmov $0xffff;
	v1 =	vshrl.u32 v2, $0x3;
	s30 =	smax.u32 s9, $0x1;
	s9 =	simm.s32 $0xCC00;
	[dreg:$0x6] =	wrdreg s29  }
0x12: {  	v0 =	vand.u32 $0x7, v2;
	v2 =	vor.u32 $0x8, v2;
	v1 =	vmul.u32 $0x8, v1;
	s5 =	sadd.s32 $0xB1900, s0;
	[dreg:$0x7] =	wrdreg s30;
	s26 =	simm.s32 $0x0  }
.LBB2_1:
0x13: {  	s0 =	rddreg [dreg:$0x3]  }
0x14: {  	[tilespmem:s2], [sflag:$0x4] =	stream.linear.gather [hbm4b:s0+s2], $0x400, $0x38;
	[tilespmem:$0x10400] =	vst v63  }
0x15: {  	_ =	swait.ge [sflag:s13], $0x400  }
0x16: {  	[sflag:s13] =	ssyncset.done $0x0  }
0x17: {  	[sflag:s13] =	ssyncadd.s32 $0xFFFFFC00  }
0x18: {  	v3 =	vld [tilespmem:$0x0];
	_ =	sdelay $0x4  }
0x19: {  	v4 =	vshll.u32 v3, $0x3  }
0x1a: {  	v3 =	vand.u32 $0x7, v3;
	v4 =	vand.u32 $0xFFFFFFC0, v4  }
0x1b: {  	v3 =	vor.u32 v3, v4  }
0x1c: {  	v4 =	vperm.xlane v3, v0;
	_ =	sdelay $0x1  }
0x1d: {  	v4 =	vadd.s32 v1, v4;
	_ =	sdelay $0x4  }
0x1e: {  	[tilespmem:s14], [sflag:$0x1] =	stream.indirect_vreg.gather [hbm4b:s3+s2], $0x80, v4, vm0, $0xb8;
	[tilespmem:$0x10400] =	vst v63  }
0x1f: {  	s1 =	simm.s32 $0xC00;
	v3 =	vperm.xlane v3, v2  }
0x20: {  	[tilespmem:s1], [sflag:$0x1] =	stream.indirect_vreg.gather [hbm4b:s5+s2], $0x80, v4, vm0, $0xb8;
	[tilespmem:$0x10400] =	vst v63  }
0x21: {  	s4 =	simm.s32 $0x1400;
	v3 =	vadd.s32 v1, v3  }
0x22: {  	[tilespmem:s4], [sflag:$0x1] =	stream.indirect_vreg.gather [hbm4b:s6+s2], $0x80, v4, vm0, $0xb8;
	[tilespmem:$0x10400] =	vst v63  }
0x23: {  	s1 =	simm.s32 $0x1C00  }
0x24: {  	[tilespmem:s1], [sflag:$0x1] =	stream.indirect_vreg.gather [hbm4b:s8+s2], $0x80, v4, vm0, $0xb8;
	[tilespmem:$0x10400] =	vst v63  }
0x25: {  	s4 =	simm.s32 $0x2400  }
0x26: {  	[tilespmem:s4], [sflag:$0x1] =	stream.indirect_vreg.gather [hbm4b:s3+s2], $0x80, v3, vm0, $0xb8;
	[tilespmem:$0x10400] =	vst v63  }
0x27: {  	s1 =	simm.s32 $0x2C00  }
0x28: {  	[tilespmem:s1], [sflag:$0x1] =	stream.indirect_vreg.gather [hbm4b:s5+s2], $0x80, v3, vm0, $0xb8;
	[tilespmem:$0x10400] =	vst v63  }
0x29: {  	s4 =	simm.s32 $0x3400  }
0x2a: {  	[tilespmem:s4], [sflag:$0x1] =	stream.indirect_vreg.gather [hbm4b:s6+s2], $0x80, v3, vm0, $0xb8;
	[tilespmem:$0x10400] =	vst v63  }
0x2b: {  	s1 =	simm.s32 $0x3C00  }
0x2c: {  	[tilespmem:s1], [sflag:$0x1] =	stream.indirect_vreg.gather [hbm4b:s8+s2], $0x80, v3, vm0, $0xb8;
	[tilespmem:$0x10400] =	vst v63  }
0x2d: {  	v3 =	vld [tilespmem:$0x200];
	_ =	sdelay $0x4  }
0x2e: {  	v4 =	vshll.u32 v3, $0x3  }
0x2f: {  	v3 =	vand.u32 $0x7, v3;
	v4 =	vand.u32 $0xFFFFFFC0, v4  }
0x30: {  	v3 =	vor.u32 v3, v4  }
0x31: {  	v4 =	vperm.xlane v3, v0;
	_ =	sdelay $0x1  }
0x32: {  	v4 =	vadd.s32 v1, v4;
	_ =	sdelay $0x3  }
0x33: {  	s4 =	simm.s32 $0x8400  }
0x34: {  	[tilespmem:s4], [sflag:$0x2] =	stream.indirect_vreg.gather [hbm4b:s3+s2], $0x80, v4, vm0, $0xb8;
	[tilespmem:$0x10400] =	vst v63  }
0x35: {  	s1 =	simm.s32 $0x8C00;
	v3 =	vperm.xlane v3, v2  }
0x36: {  	[tilespmem:s1], [sflag:$0x2] =	stream.indirect_vreg.gather [hbm4b:s5+s2], $0x80, v4, vm0, $0xb8;
	[tilespmem:$0x10400] =	vst v63  }
0x37: {  	v3 =	vadd.s32 v1, v3;
	s4 =	simm.s32 $0x9400  }
0x38: {  	[tilespmem:s4], [sflag:$0x2] =	stream.indirect_vreg.gather [hbm4b:s6+s2], $0x80, v4, vm0, $0xb8;
	[tilespmem:$0x10400] =	vst v63  }
0x39: {  	s1 =	simm.s32 $0x9C00  }
0x3a: {  	[tilespmem:s1], [sflag:$0x2] =	stream.indirect_vreg.gather [hbm4b:s8+s2], $0x80, v4, vm0, $0xb8;
	[tilespmem:$0x10400] =	vst v63  }
0x3b: {  	s4 =	simm.s32 $0xA400  }
0x3c: {  	[tilespmem:s4], [sflag:$0x2] =	stream.indirect_vreg.gather [hbm4b:s3+s2], $0x80, v3, vm0, $0xb8;
	[tilespmem:$0x10400] =	vst v63  }
0x3d: {  	s1 =	simm.s32 $0xAC00  }
0x3e: {  	[tilespmem:s1], [sflag:$0x2] =	stream.indirect_vreg.gather [hbm4b:s5+s2], $0x80, v3, vm0, $0xb8;
	[tilespmem:$0x10400] =	vst v63  }
0x3f: {  	s4 =	simm.s32 $0xB400  }
0x40: {  	[tilespmem:s4], [sflag:$0x2] =	stream.indirect_vreg.gather [hbm4b:s6+s2], $0x80, v3, vm0, $0xb8;
	[tilespmem:$0x10400] =	vst v63  }
0x41: {  	s1 =	simm.s32 $0xBC00  }
0x42: {  	[tilespmem:s1], [sflag:$0x2] =	stream.indirect_vreg.gather [hbm4b:s8+s2], $0x80, v3, vm0, $0xb8;
	[tilespmem:$0x10400] =	vst v63  }
0x43: {  	v3 =	vld [tilespmem:$0x80];
	_ =	sdelay $0x4  }
0x44: {  	v4 =	vshll.u32 v3, $0x3  }
0x45: {  	v3 =	vand.u32 $0x7, v3;
	v4 =	vand.u32 $0xFFFFFFC0, v4  }
0x46: {  	v3 =	vor.u32 v3, v4  }
0x47: {  	v4 =	vperm.xlane v3, v0;
	_ =	sdelay $0x1  }
0x48: {  	v4 =	vadd.s32 v1, v4;
	_ =	sdelay $0x4  }
0x49: {  	[tilespmem:s31], [sflag:$0x1] =	stream.indirect_vreg.gather [hbm4b:s3+s2], $0x80, v4, vm0, $0xb8;
	[tilespmem:$0x10400] =	vst v63  }
0x4a: {  	s4 =	simm.s32 $0x4C00;
	v3 =	vperm.xlane v3, v2  }
0x4b: {  	[tilespmem:s4], [sflag:$0x1] =	stream.indirect_vreg.gather [hbm4b:s5+s2], $0x80, v4, vm0, $0xb8;
	[tilespmem:$0x10400] =	vst v63  }
0x4c: {  	s1 =	simm.s32 $0x5400;
	v3 =	vadd.s32 v1, v3  }
0x4d: {  	[tilespmem:s1], [sflag:$0x1] =	stream.indirect_vreg.gather [hbm4b:s6+s2], $0x80, v4, vm0, $0xb8;
	[tilespmem:$0x10400] =	vst v63  }
0x4e: {  	s4 =	simm.s32 $0x5C00  }
0x4f: {  	[tilespmem:s4], [sflag:$0x1] =	stream.indirect_vreg.gather [hbm4b:s8+s2], $0x80, v4, vm0, $0xb8;
	[tilespmem:$0x10400] =	vst v63  }
0x50: {  	_ = 	snop  }
0x51: {  	[tilespmem:s15], [sflag:$0x1] =	stream.indirect_vreg.gather [hbm4b:s3+s2], $0x80, v3, vm0, $0xb8;
	[tilespmem:$0x10400] =	vst v63  }
0x52: {  	_ = 	snop  }
0x53: {  	[tilespmem:s16], [sflag:$0x1] =	stream.indirect_vreg.gather [hbm4b:s5+s2], $0x80, v3, vm0, $0xb8;
	[tilespmem:$0x10400] =	vst v63  }
0x54: {  	_ = 	snop  }
0x55: {  	[tilespmem:s17], [sflag:$0x1] =	stream.indirect_vreg.gather [hbm4b:s6+s2], $0x80, v3, vm0, $0xb8;
	[tilespmem:$0x10400] =	vst v63  }
0x56: {  	_ = 	snop  }
0x57: {  	[tilespmem:s18], [sflag:$0x1] =	stream.indirect_vreg.gather [hbm4b:s8+s2], $0x80, v3, vm0, $0xb8;
	[tilespmem:$0x10400] =	vst v63  }
0x58: {  	v3 =	vld [tilespmem:$0x280];
	_ =	sdelay $0x4  }
0x59: {  	v4 =	vshll.u32 v3, $0x3  }
0x5a: {  	v3 =	vand.u32 $0x7, v3;
	v4 =	vand.u32 $0xFFFFFFC0, v4  }
0x5b: {  	v3 =	vor.u32 v3, v4  }
0x5c: {  	v4 =	vperm.xlane v3, v0;
	_ =	sdelay $0x1  }
0x5d: {  	v4 =	vadd.s32 v1, v4;
	_ =	sdelay $0x4  }
0x5e: {  	[tilespmem:s19], [sflag:$0x2] =	stream.indirect_vreg.gather [hbm4b:s3+s2], $0x80, v4, vm0, $0xb8;
	[tilespmem:$0x10400] =	vst v63  }
0x5f: {  	v3 =	vperm.xlane v3, v2  }
0x60: {  	[tilespmem:s9], [sflag:$0x2] =	stream.indirect_vreg.gather [hbm4b:s5+s2], $0x80, v4, vm0, $0xb8;
	[tilespmem:$0x10400] =	vst v63  }
0x61: {  	v3 =	vadd.s32 v1, v3  }
0x62: {  	[tilespmem:s20], [sflag:$0x2] =	stream.indirect_vreg.gather [hbm4b:s6+s2], $0x80, v4, vm0, $0xb8;
	[tilespmem:$0x10400] =	vst v63  }
0x63: {  	_ = 	snop  }
0x64: {  	[tilespmem:s10], [sflag:$0x2] =	stream.indirect_vreg.gather [hbm4b:s8+s2], $0x80, v4, vm0, $0xb8;
	[tilespmem:$0x10400] =	vst v63  }
0x65: {  	_ = 	snop  }
0x66: {  	[tilespmem:s21], [sflag:$0x2] =	stream.indirect_vreg.gather [hbm4b:s3+s2], $0x80, v3, vm0, $0xb8;
	[tilespmem:$0x10400] =	vst v63  }
0x67: {  	_ = 	snop  }
0x68: {  	[tilespmem:s11], [sflag:$0x2] =	stream.indirect_vreg.gather [hbm4b:s5+s2], $0x80, v3, vm0, $0xb8;
	[tilespmem:$0x10400] =	vst v63  }
0x69: {  	_ = 	snop  }
0x6a: {  	[tilespmem:s22], [sflag:$0x2] =	stream.indirect_vreg.gather [hbm4b:s6+s2], $0x80, v3, vm0, $0xb8;
	[tilespmem:$0x10400] =	vst v63  }
0x6b: {  	_ = 	snop  }
0x6c: {  	[tilespmem:s12], [sflag:$0x2] =	stream.indirect_vreg.gather [hbm4b:s8+s2], $0x80, v3, vm0, $0xb8;
	[tilespmem:$0x10400] =	vst v63  }
0x6d: {  	_ =	swait.ge [sflag:s23], $0x4000  }
0x6e: {  	[sflag:s23] =	ssyncset.done $0x0  }
0x6f: {  	s28 =	simm.s32 $0x0;
	s29 =	sand.u32 $0x1C00, s2;
	[sflag:s23] =	ssyncadd.s32 $0xFFFFC000  }
0x70: {  	s30 =	simm.s32 $0x0;
	s28 =	sand.u32 $0x2000, s28;
	_ =	swait.ge [sflag:s24], $0x4000  }
0x71: {  	s28 =	sor.u32 s29, s28;
	s29 =	sand.u32 $0x380, s30;
	[sflag:s24] =	ssyncset.done $0x0  }
0x72: {  	s28 =	sor.u32 s29, s28;
	[sflag:s24] =	ssyncadd.s32 $0xFFFFC000  }
0x73: {  	v10 =	vld [tilespmem:s28+$0x8400]  }
0x74: {  	v9 =	vld [tilespmem:s28+$0x8410]  }
0x75: {  	v8 =	vld [tilespmem:s28+$0x8420]  }
0x76: {  	v7 =	vld [tilespmem:s28+$0x8430]  }
0x77: {  	v6 =	vld [tilespmem:s28+$0x8440]  }
0x78: {  	v5 =	vld [tilespmem:s28+$0x8450]  }
0x79: {  	v4 =	vld [tilespmem:s28+$0x8460]  }
0x7a: {  	v3 =	vld [tilespmem:s28+$0x8470]  }
0x7b: {  	v13 =	vld [tilespmem:s28+$0x400]  }
0x7c: {  	v12 =	vld [tilespmem:s28+$0x410]  }
0x7d: {  	s30 =	simm.s32 $0x0;
	s29 =	simm.s32 $0x0;
	v11 =	vld [tilespmem:s28+$0x420]  }
.LBB2_2:
0x7e: {  	s29 =	sadd.s32 $0x8, s29;
	v14 =	vld [tilespmem:s28+$0x430]  }
0x7f: {  	s30 =	sadd.s32 $0x400, s30;
	s0 =	sshll.u32 s29, $0x4;
	p0 =	slt.u32 s29, $0x3F8;
	v15 =	vld [tilespmem:s28+$0x440]  }
0x80: {  	s1 =	sand.u32 $0x1C00, s30;
	s4 =	sshll.u32 s29, $0x1;
	s0 =	sand.u32 $0x2000, s0;
	v10 =	vadd.f32 v10, v13;
	v13 =	vld [tilespmem:s28+$0x450]  }
0x81: {  	s0 =	sor.u32 s1, s0;
	s1 =	sand.u32 $0x380, s4;
	v9 =	vadd.f32 v9, v12;
	v12 =	vld [tilespmem:s28+$0x460]  }
0x82: {  	s0 =	sor.u32 s1, s0;
	[tilespmem:s28+$0x400] =	vst v10;
	v8 =	vadd.f32 v8, v11;
	v11 =	vld [tilespmem:s28+$0x470]  }
0x83: {  	v10 =	vld [tilespmem:s0+$0x8400];
	[tilespmem:s28+$0x410] =	vst v9;
	v7 =	vadd.f32 v7, v14  }
0x84: {  	v9 =	vld [tilespmem:s0+$0x8410];
	[tilespmem:s28+$0x420] =	vst v8;
	v6 =	vadd.f32 v6, v15  }
0x85: {  	v8 =	vld [tilespmem:s0+$0x8420];
	[tilespmem:s28+$0x430] =	vst v7;
	v5 =	vadd.f32 v5, v13  }
0x86: {  	v7 =	vld [tilespmem:s0+$0x8430];
	[tilespmem:s28+$0x440] =	vst v6;
	v4 =	vadd.f32 v4, v12  }
0x87: {  	v6 =	vld [tilespmem:s0+$0x8440];
	[tilespmem:s28+$0x450] =	vst v5;
	v3 =	vadd.f32 v3, v11  }
0x88: {  	v5 =	vld [tilespmem:s0+$0x8450];
	[tilespmem:s28+$0x460] =	vst v4  }
.Ltmp0:
0x89: {  	v4 =	vld [tilespmem:s0+$0x8460];
	[tilespmem:s28+$0x470] =	vst v3;
	s28 =	smov.u32 s0;
	(pc) =	sbr.rel @p0 .LBB2_2-.Ltmp0, $4  }
0x8a: {  	v3 =	vld [tilespmem:s28+$0x8470]  }
0x8b: {  	v13 =	vld [tilespmem:s28+$0x400]  }
0x8c: {  	v12 =	vld [tilespmem:s28+$0x410]  }
0x8d: {  	v11 =	vld [tilespmem:s28+$0x420]  }
0x8e: {  	v14 =	vld [tilespmem:s28+$0x430]  }
0x8f: {  	v15 =	vld [tilespmem:s28+$0x440]  }
0x90: {  	v10 =	vadd.f32 v10, v13;
	v13 =	vld [tilespmem:s28+$0x450]  }
0x91: {  	v9 =	vadd.f32 v9, v12;
	v12 =	vld [tilespmem:s28+$0x460]  }
0x92: {  	[tilespmem:s28+$0x400] =	vst v10;
	v8 =	vadd.f32 v8, v11;
	v10 =	vld [tilespmem:s28+$0x470]  }
0x93: {  	[tilespmem:s28+$0x410] =	vst v9;
	v7 =	vadd.f32 v7, v14  }
0x94: {  	v6 =	vadd.f32 v6, v15;
	[tilespmem:s28+$0x420] =	vst v8  }
0x95: {  	[tilespmem:s28+$0x430] =	vst v7;
	v5 =	vadd.f32 v5, v13  }
0x96: {  	[tilespmem:s28+$0x440] =	vst v6;
	v4 =	vadd.f32 v4, v12  }
0x97: {  	[tilespmem:s28+$0x450] =	vst v5;
	v3 =	vadd.f32 v3, v10  }
0x98: {  	[tilespmem:s28+$0x460] =	vst v4  }
0x99: {  	[tilespmem:s28+$0x470] =	vst v3;
	s28 =	simm.s32 $0x0  }
0x9a: {  	[hbm4b:s7+s28] =	stream.linear.scatter [tilespmem:s14], [sflag:$0x3], $0x4000, $0x38;
	[tilespmem:$0x10400] =	vst v63  }
0x9b: {  	_ =	swait.ge [sflag:s25], $0x4000  }
0x9c: {  	[sflag:s25] =	ssyncset.done $0x0  }
0x9d: {  	[sflag:s25] =	ssyncadd.s32 $0xFFFFC000  }
0x9e: {  	v3 =	vld [tilespmem:$0x100];
	_ =	sdelay $0x4  }
0x9f: {  	v4 =	vshll.u32 v3, $0x3  }
0xa0: {  	v3 =	vand.u32 $0x7, v3;
	v4 =	vand.u32 $0xFFFFFFC0, v4  }
0xa1: {  	v3 =	vor.u32 v3, v4  }
0xa2: {  	v4 =	vperm.xlane v3, v0;
	_ =	sdelay $0x1  }
0xa3: {  	v4 =	vadd.s32 v1, v4;
	_ =	sdelay $0x4  }
0xa4: {  	[tilespmem:s14], [sflag:$0x1] =	stream.indirect_vreg.gather [hbm4b:s3+s28], $0x80, v4, vm0, $0xb8;
	[tilespmem:$0x10400] =	vst v63  }
0xa5: {  	s0 =	simm.s32 $0xC00;
	v3 =	vperm.xlane v3, v2  }
0xa6: {  	[tilespmem:s0], [sflag:$0x1] =	stream.indirect_vreg.gather [hbm4b:s5+s28], $0x80, v4, vm0, $0xb8;
	[tilespmem:$0x10400] =	vst v63  }
0xa7: {  	s1 =	simm.s32 $0x1400;
	v3 =	vadd.s32 v1, v3  }
0xa8: {  	[tilespmem:s1], [sflag:$0x1] =	stream.indirect_vreg.gather [hbm4b:s6+s28], $0x80, v4, vm0, $0xb8;
	[tilespmem:$0x10400] =	vst v63  }
0xa9: {  	s4 =	simm.s32 $0x1C00  }
0xaa: {  	[tilespmem:s4], [sflag:$0x1] =	stream.indirect_vreg.gather [hbm4b:s8+s28], $0x80, v4, vm0, $0xb8;
	[tilespmem:$0x10400] =	vst v63  }
0xab: {  	s1 =	simm.s32 $0x2400  }
0xac: {  	[tilespmem:s1], [sflag:$0x1] =	stream.indirect_vreg.gather [hbm4b:s3+s28], $0x80, v3, vm0, $0xb8;
	[tilespmem:$0x10400] =	vst v63  }
0xad: {  	s4 =	simm.s32 $0x2C00  }
0xae: {  	[tilespmem:s4], [sflag:$0x1] =	stream.indirect_vreg.gather [hbm4b:s5+s28], $0x80, v3, vm0, $0xb8;
	[tilespmem:$0x10400] =	vst v63  }
0xaf: {  	s1 =	simm.s32 $0x3400  }
0xb0: {  	[tilespmem:s1], [sflag:$0x1] =	stream.indirect_vreg.gather [hbm4b:s6+s28], $0x80, v3, vm0, $0xb8;
	[tilespmem:$0x10400] =	vst v63  }
0xb1: {  	s4 =	simm.s32 $0x3C00  }
0xb2: {  	[tilespmem:s4], [sflag:$0x1] =	stream.indirect_vreg.gather [hbm4b:s8+s28], $0x80, v3, vm0, $0xb8;
	[tilespmem:$0x10400] =	vst v63  }
0xb3: {  	v3 =	vld [tilespmem:$0x300];
	_ =	sdelay $0x4  }
0xb4: {  	v4 =	vshll.u32 v3, $0x3  }
0xb5: {  	v3 =	vand.u32 $0x7, v3;
	v4 =	vand.u32 $0xFFFFFFC0, v4  }
0xb6: {  	v3 =	vor.u32 v3, v4  }
0xb7: {  	v4 =	vperm.xlane v3, v0;
	_ =	sdelay $0x1  }
0xb8: {  	v4 =	vadd.s32 v1, v4;
	_ =	sdelay $0x3  }
0xb9: {  	s1 =	simm.s32 $0x8400  }
0xba: {  	[tilespmem:s1], [sflag:$0x2] =	stream.indirect_vreg.gather [hbm4b:s3+s28], $0x80, v4, vm0, $0xb8;
	[tilespmem:$0x10400] =	vst v63  }
0xbb: {  	s4 =	simm.s32 $0x8C00;
	v3 =	vperm.xlane v3, v2  }
0xbc: {  	[tilespmem:s4], [sflag:$0x2] =	stream.indirect_vreg.gather [hbm4b:s5+s28], $0x80, v4, vm0, $0xb8;
	[tilespmem:$0x10400] =	vst v63  }
0xbd: {  	v3 =	vadd.s32 v1, v3;
	s1 =	simm.s32 $0x9400  }
0xbe: {  	[tilespmem:s1], [sflag:$0x2] =	stream.indirect_vreg.gather [hbm4b:s6+s28], $0x80, v4, vm0, $0xb8;
	[tilespmem:$0x10400] =	vst v63  }
0xbf: {  	s4 =	simm.s32 $0x9C00  }
0xc0: {  	[tilespmem:s4], [sflag:$0x2] =	stream.indirect_vreg.gather [hbm4b:s8+s28], $0x80, v4, vm0, $0xb8;
	[tilespmem:$0x10400] =	vst v63  }
0xc1: {  	s1 =	simm.s32 $0xA400  }
0xc2: {  	[tilespmem:s1], [sflag:$0x2] =	stream.indirect_vreg.gather [hbm4b:s3+s28], $0x80, v3, vm0, $0xb8;
	[tilespmem:$0x10400] =	vst v63  }
0xc3: {  	s4 =	simm.s32 $0xAC00  }
0xc4: {  	[tilespmem:s4], [sflag:$0x2] =	stream.indirect_vreg.gather [hbm4b:s5+s28], $0x80, v3, vm0, $0xb8;
	[tilespmem:$0x10400] =	vst v63  }
0xc5: {  	s1 =	simm.s32 $0xB400  }
0xc6: {  	[tilespmem:s1], [sflag:$0x2] =	stream.indirect_vreg.gather [hbm4b:s6+s28], $0x80, v3, vm0, $0xb8;
	[tilespmem:$0x10400] =	vst v63  }
0xc7: {  	s4 =	simm.s32 $0xBC00  }
0xc8: {  	[tilespmem:s4], [sflag:$0x2] =	stream.indirect_vreg.gather [hbm4b:s8+s28], $0x80, v3, vm0, $0xb8;
	[tilespmem:$0x10400] =	vst v63  }
0xc9: {  	_ =	swait.ge [sflag:s23], $0x4000  }
0xca: {  	s1 =	simm.s32 $0x0;
	[sflag:s23] =	ssyncset.done $0x0  }
0xcb: {  	s0 =	sand.u32 $0x2000, s1;
	[sflag:s23] =	ssyncadd.s32 $0xFFFFC000  }
0xcc: {  	s1 =	sand.u32 $0x1C00, s28;
	s4 =	simm.s32 $0x0;
	_ =	swait.ge [sflag:s24], $0x4000  }
0xcd: {  	s0 =	sor.u32 s1, s0;
	s4 =	sand.u32 $0x380, s4;
	[sflag:s24] =	ssyncset.done $0x0  }
0xce: {  	s29 =	sor.u32 s4, s0;
	[sflag:s24] =	ssyncadd.s32 $0xFFFFC000  }
0xcf: {  	v10 =	vld [tilespmem:s29+$0xC400]  }
0xd0: {  	v9 =	vld [tilespmem:s29+$0xC410]  }
0xd1: {  	v8 =	vld [tilespmem:s29+$0xC420]  }
0xd2: {  	v7 =	vld [tilespmem:s29+$0xC430]  }
0xd3: {  	v6 =	vld [tilespmem:s29+$0xC440]  }
0xd4: {  	v5 =	vld [tilespmem:s29+$0xC450]  }
0xd5: {  	v4 =	vld [tilespmem:s29+$0xC460]  }
0xd6: {  	v3 =	vld [tilespmem:s29+$0xC470]  }
0xd7: {  	v13 =	vld [tilespmem:s29+$0x4400]  }
0xd8: {  	v12 =	vld [tilespmem:s29+$0x4410]  }
0xd9: {  	s30 =	simm.s32 $0x0;
	v11 =	vld [tilespmem:s29+$0x4420]  }
.LBB2_4:
0xda: {  	s30 =	sadd.s32 $0x8, s30;
	v14 =	vld [tilespmem:s29+$0x4430]  }
0xdb: {  	s28 =	sadd.s32 $0x400, s28;
	s0 =	sshll.u32 s30, $0x4;
	p0 =	slt.u32 s30, $0x3F8;
	v15 =	vld [tilespmem:s29+$0x4440]  }
0xdc: {  	s1 =	sand.u32 $0x1C00, s28;
	s4 =	sshll.u32 s30, $0x1;
	s0 =	sand.u32 $0x2000, s0;
	v10 =	vadd.f32 v10, v13;
	v13 =	vld [tilespmem:s29+$0x4450]  }
0xdd: {  	s0 =	sor.u32 s1, s0;
	s1 =	sand.u32 $0x380, s4;
	v9 =	vadd.f32 v9, v12;
	v12 =	vld [tilespmem:s29+$0x4460]  }
0xde: {  	s0 =	sor.u32 s1, s0;
	[tilespmem:s29+$0x4400] =	vst v10;
	v8 =	vadd.f32 v8, v11;
	v11 =	vld [tilespmem:s29+$0x4470]  }
0xdf: {  	v10 =	vld [tilespmem:s0+$0xC400];
	[tilespmem:s29+$0x4410] =	vst v9;
	v7 =	vadd.f32 v7, v14  }
0xe0: {  	v9 =	vld [tilespmem:s0+$0xC410];
	[tilespmem:s29+$0x4420] =	vst v8;
	v6 =	vadd.f32 v6, v15  }
0xe1: {  	v8 =	vld [tilespmem:s0+$0xC420];
	[tilespmem:s29+$0x4430] =	vst v7;
	v5 =	vadd.f32 v5, v13  }
0xe2: {  	v7 =	vld [tilespmem:s0+$0xC430];
	[tilespmem:s29+$0x4440] =	vst v6;
	v4 =	vadd.f32 v4, v12  }
0xe3: {  	v6 =	vld [tilespmem:s0+$0xC440];
	[tilespmem:s29+$0x4450] =	vst v5;
	v3 =	vadd.f32 v3, v11  }
0xe4: {  	v5 =	vld [tilespmem:s0+$0xC450];
	[tilespmem:s29+$0x4460] =	vst v4  }
.Ltmp1:
0xe5: {  	v4 =	vld [tilespmem:s0+$0xC460];
	[tilespmem:s29+$0x4470] =	vst v3;
	s29 =	smov.u32 s0;
	(pc) =	sbr.rel @p0 .LBB2_4-.Ltmp1, $4  }
0xe6: {  	v3 =	vld [tilespmem:s29+$0xC470]  }
0xe7: {  	v13 =	vld [tilespmem:s29+$0x4400]  }
0xe8: {  	v12 =	vld [tilespmem:s29+$0x4410]  }
0xe9: {  	v11 =	vld [tilespmem:s29+$0x4420]  }
0xea: {  	v14 =	vld [tilespmem:s29+$0x4430]  }
0xeb: {  	v15 =	vld [tilespmem:s29+$0x4440]  }
0xec: {  	v10 =	vadd.f32 v10, v13;
	v13 =	vld [tilespmem:s29+$0x4450]  }
0xed: {  	v9 =	vadd.f32 v9, v12;
	v12 =	vld [tilespmem:s29+$0x4460]  }
0xee: {  	[tilespmem:s29+$0x4400] =	vst v10;
	v8 =	vadd.f32 v8, v11;
	v10 =	vld [tilespmem:s29+$0x4470]  }
0xef: {  	[tilespmem:s29+$0x4410] =	vst v9;
	v7 =	vadd.f32 v7, v14  }
0xf0: {  	v6 =	vadd.f32 v6, v15;
	[tilespmem:s29+$0x4420] =	vst v8  }
0xf1: {  	[tilespmem:s29+$0x4430] =	vst v7;
	v5 =	vadd.f32 v5, v13  }
0xf2: {  	[tilespmem:s29+$0x4440] =	vst v6;
	v4 =	vadd.f32 v4, v12  }
0xf3: {  	[tilespmem:s29+$0x4450] =	vst v5;
	v3 =	vadd.f32 v3, v10  }
0xf4: {  	[tilespmem:s29+$0x4460] =	vst v4  }
0xf5: {  	s28 =	simm.s32 $0x0;
	s0 =	rddreg [dreg:$0x4];
	[tilespmem:s29+$0x4470] =	vst v3  }
0xf6: {  	[hbm4b:s0+s28] =	stream.linear.scatter [tilespmem:s31], [sflag:$0x3], $0x4000, $0x38;
	[tilespmem:$0x10400] =	vst v63  }
0xf7: {  	_ =	swait.ge [sflag:s25], $0x4000  }
0xf8: {  	[sflag:s25] =	ssyncset.done $0x0  }
0xf9: {  	[sflag:s25] =	ssyncadd.s32 $0xFFFFC000  }
0xfa: {  	v3 =	vld [tilespmem:$0x180];
	_ =	sdelay $0x4  }
0xfb: {  	v4 =	vshll.u32 v3, $0x3  }
0xfc: {  	v3 =	vand.u32 $0x7, v3;
	v4 =	vand.u32 $0xFFFFFFC0, v4  }
0xfd: {  	v3 =	vor.u32 v3, v4  }
0xfe: {  	v4 =	vperm.xlane v3, v0;
	_ =	sdelay $0x1  }
0xff: {  	v4 =	vadd.s32 v1, v4;
	_ =	sdelay $0x4  }
0x100: {  	[tilespmem:s31], [sflag:$0x1] =	stream.indirect_vreg.gather [hbm4b:s3+s28], $0x80, v4, vm0, $0xb8;
	[tilespmem:$0x10400] =	vst v63  }
0x101: {  	s4 =	simm.s32 $0x4C00;
	v3 =	vperm.xlane v3, v2  }
0x102: {  	[tilespmem:s4], [sflag:$0x1] =	stream.indirect_vreg.gather [hbm4b:s5+s28], $0x80, v4, vm0, $0xb8;
	[tilespmem:$0x10400] =	vst v63  }
0x103: {  	s1 =	simm.s32 $0x5400;
	v3 =	vadd.s32 v1, v3  }
0x104: {  	[tilespmem:s1], [sflag:$0x1] =	stream.indirect_vreg.gather [hbm4b:s6+s28], $0x80, v4, vm0, $0xb8;
	[tilespmem:$0x10400] =	vst v63  }
0x105: {  	s4 =	simm.s32 $0x5C00  }
0x106: {  	[tilespmem:s4], [sflag:$0x1] =	stream.indirect_vreg.gather [hbm4b:s8+s28], $0x80, v4, vm0, $0xb8;
	[tilespmem:$0x10400] =	vst v63  }
0x107: {  	_ = 	snop  }
0x108: {  	[tilespmem:s15], [sflag:$0x1] =	stream.indirect_vreg.gather [hbm4b:s3+s28], $0x80, v3, vm0, $0xb8;
	[tilespmem:$0x10400] =	vst v63  }
0x109: {  	_ = 	snop  }
0x10a: {  	[tilespmem:s16], [sflag:$0x1] =	stream.indirect_vreg.gather [hbm4b:s5+s28], $0x80, v3, vm0, $0xb8;
	[tilespmem:$0x10400] =	vst v63  }
0x10b: {  	_ = 	snop  }
0x10c: {  	[tilespmem:s17], [sflag:$0x1] =	stream.indirect_vreg.gather [hbm4b:s6+s28], $0x80, v3, vm0, $0xb8;
	[tilespmem:$0x10400] =	vst v63  }
0x10d: {  	_ = 	snop  }
0x10e: {  	[tilespmem:s18], [sflag:$0x1] =	stream.indirect_vreg.gather [hbm4b:s8+s28], $0x80, v3, vm0, $0xb8;
	[tilespmem:$0x10400] =	vst v63  }
0x10f: {  	v3 =	vld [tilespmem:$0x380];
	_ =	sdelay $0x4  }
0x110: {  	v4 =	vshll.u32 v3, $0x3  }
0x111: {  	v3 =	vand.u32 $0x7, v3;
	v4 =	vand.u32 $0xFFFFFFC0, v4  }
0x112: {  	v3 =	vor.u32 v3, v4  }
0x113: {  	v4 =	vperm.xlane v3, v0;
	_ =	sdelay $0x1  }
0x114: {  	v4 =	vadd.s32 v1, v4;
	_ =	sdelay $0x4  }
0x115: {  	[tilespmem:s19], [sflag:$0x2] =	stream.indirect_vreg.gather [hbm4b:s3+s28], $0x80, v4, vm0, $0xb8;
	[tilespmem:$0x10400] =	vst v63  }
0x116: {  	v3 =	vperm.xlane v3, v2  }
0x117: {  	[tilespmem:s9], [sflag:$0x2] =	stream.indirect_vreg.gather [hbm4b:s5+s28], $0x80, v4, vm0, $0xb8;
	[tilespmem:$0x10400] =	vst v63  }
0x118: {  	v3 =	vadd.s32 v1, v3  }
0x119: {  	[tilespmem:s20], [sflag:$0x2] =	stream.indirect_vreg.gather [hbm4b:s6+s28], $0x80, v4, vm0, $0xb8;
	[tilespmem:$0x10400] =	vst v63  }
0x11a: {  	_ = 	snop  }
0x11b: {  	[tilespmem:s10], [sflag:$0x2] =	stream.indirect_vreg.gather [hbm4b:s8+s28], $0x80, v4, vm0, $0xb8;
	[tilespmem:$0x10400] =	vst v63  }
0x11c: {  	_ = 	snop  }
0x11d: {  	[tilespmem:s21], [sflag:$0x2] =	stream.indirect_vreg.gather [hbm4b:s3+s28], $0x80, v3, vm0, $0xb8;
	[tilespmem:$0x10400] =	vst v63  }
0x11e: {  	_ = 	snop  }
0x11f: {  	[tilespmem:s11], [sflag:$0x2] =	stream.indirect_vreg.gather [hbm4b:s5+s28], $0x80, v3, vm0, $0xb8;
	[tilespmem:$0x10400] =	vst v63  }
0x120: {  	_ = 	snop  }
0x121: {  	[tilespmem:s22], [sflag:$0x2] =	stream.indirect_vreg.gather [hbm4b:s6+s28], $0x80, v3, vm0, $0xb8;
	[tilespmem:$0x10400] =	vst v63  }
0x122: {  	_ = 	snop  }
0x123: {  	[tilespmem:s12], [sflag:$0x2] =	stream.indirect_vreg.gather [hbm4b:s8+s28], $0x80, v3, vm0, $0xb8;
	[tilespmem:$0x10400] =	vst v63  }
0x124: {  	_ =	swait.ge [sflag:s23], $0x4000  }
0x125: {  	s1 =	simm.s32 $0x0;
	[sflag:s23] =	ssyncset.done $0x0  }
0x126: {  	s0 =	sand.u32 $0x2000, s1;
	[sflag:s23] =	ssyncadd.s32 $0xFFFFC000  }
0x127: {  	s1 =	sand.u32 $0x1C00, s28;
	s4 =	simm.s32 $0x0;
	_ =	swait.ge [sflag:s24], $0x4000  }
0x128: {  	s0 =	sor.u32 s1, s0;
	s4 =	sand.u32 $0x380, s4;
	[sflag:s24] =	ssyncset.done $0x0  }
0x129: {  	s29 =	sor.u32 s4, s0;
	[sflag:s24] =	ssyncadd.s32 $0xFFFFC000  }
0x12a: {  	v10 =	vld [tilespmem:s29+$0x8400]  }
0x12b: {  	v9 =	vld [tilespmem:s29+$0x8410]  }
0x12c: {  	v8 =	vld [tilespmem:s29+$0x8420]  }
0x12d: {  	v7 =	vld [tilespmem:s29+$0x8430]  }
0x12e: {  	v6 =	vld [tilespmem:s29+$0x8440]  }
0x12f: {  	v5 =	vld [tilespmem:s29+$0x8450]  }
0x130: {  	v4 =	vld [tilespmem:s29+$0x8460]  }
0x131: {  	v3 =	vld [tilespmem:s29+$0x8470]  }
0x132: {  	v13 =	vld [tilespmem:s29+$0x400]  }
0x133: {  	v12 =	vld [tilespmem:s29+$0x410]  }
0x134: {  	s30 =	simm.s32 $0x0;
	v11 =	vld [tilespmem:s29+$0x420]  }
.LBB2_6:
0x135: {  	s30 =	sadd.s32 $0x8, s30;
	v14 =	vld [tilespmem:s29+$0x430]  }
0x136: {  	s28 =	sadd.s32 $0x400, s28;
	s0 =	sshll.u32 s30, $0x4;
	p0 =	slt.u32 s30, $0x3F8;
	v15 =	vld [tilespmem:s29+$0x440]  }
0x137: {  	s1 =	sand.u32 $0x1C00, s28;
	s4 =	sshll.u32 s30, $0x1;
	s0 =	sand.u32 $0x2000, s0;
	v10 =	vadd.f32 v10, v13;
	v13 =	vld [tilespmem:s29+$0x450]  }
0x138: {  	s0 =	sor.u32 s1, s0;
	s1 =	sand.u32 $0x380, s4;
	v9 =	vadd.f32 v9, v12;
	v12 =	vld [tilespmem:s29+$0x460]  }
0x139: {  	s0 =	sor.u32 s1, s0;
	[tilespmem:s29+$0x400] =	vst v10;
	v8 =	vadd.f32 v8, v11;
	v11 =	vld [tilespmem:s29+$0x470]  }
0x13a: {  	v10 =	vld [tilespmem:s0+$0x8400];
	[tilespmem:s29+$0x410] =	vst v9;
	v7 =	vadd.f32 v7, v14  }
0x13b: {  	v9 =	vld [tilespmem:s0+$0x8410];
	[tilespmem:s29+$0x420] =	vst v8;
	v6 =	vadd.f32 v6, v15  }
0x13c: {  	v8 =	vld [tilespmem:s0+$0x8420];
	[tilespmem:s29+$0x430] =	vst v7;
	v5 =	vadd.f32 v5, v13  }
0x13d: {  	v7 =	vld [tilespmem:s0+$0x8430];
	[tilespmem:s29+$0x440] =	vst v6;
	v4 =	vadd.f32 v4, v12  }
0x13e: {  	v6 =	vld [tilespmem:s0+$0x8440];
	[tilespmem:s29+$0x450] =	vst v5;
	v3 =	vadd.f32 v3, v11  }
0x13f: {  	v5 =	vld [tilespmem:s0+$0x8450];
	[tilespmem:s29+$0x460] =	vst v4  }
.Ltmp2:
0x140: {  	v4 =	vld [tilespmem:s0+$0x8460];
	[tilespmem:s29+$0x470] =	vst v3;
	s29 =	smov.u32 s0;
	(pc) =	sbr.rel @p0 .LBB2_6-.Ltmp2, $4  }
0x141: {  	v3 =	vld [tilespmem:s29+$0x8470]  }
0x142: {  	v13 =	vld [tilespmem:s29+$0x400]  }
0x143: {  	v12 =	vld [tilespmem:s29+$0x410]  }
0x144: {  	v11 =	vld [tilespmem:s29+$0x420]  }
0x145: {  	v14 =	vld [tilespmem:s29+$0x430]  }
0x146: {  	v15 =	vld [tilespmem:s29+$0x440]  }
0x147: {  	v10 =	vadd.f32 v10, v13;
	v13 =	vld [tilespmem:s29+$0x450]  }
0x148: {  	v9 =	vadd.f32 v9, v12;
	v12 =	vld [tilespmem:s29+$0x460]  }
0x149: {  	[tilespmem:s29+$0x400] =	vst v10;
	v8 =	vadd.f32 v8, v11;
	v10 =	vld [tilespmem:s29+$0x470]  }
0x14a: {  	[tilespmem:s29+$0x410] =	vst v9;
	v7 =	vadd.f32 v7, v14  }
0x14b: {  	v6 =	vadd.f32 v6, v15;
	[tilespmem:s29+$0x420] =	vst v8  }
0x14c: {  	[tilespmem:s29+$0x430] =	vst v7;
	v5 =	vadd.f32 v5, v13  }
0x14d: {  	[tilespmem:s29+$0x440] =	vst v6;
	v4 =	vadd.f32 v4, v12  }
0x14e: {  	[tilespmem:s29+$0x450] =	vst v5;
	v3 =	vadd.f32 v3, v10  }
0x14f: {  	[tilespmem:s29+$0x460] =	vst v4  }
0x150: {  	s0 =	rddreg [dreg:$0x5];
	[tilespmem:s29+$0x470] =	vst v3;
	s29 =	simm.s32 $0x0  }
0x151: {  	[hbm4b:s0+s29] =	stream.linear.scatter [tilespmem:s14], [sflag:$0x3], $0x4000, $0x38;
	[tilespmem:$0x10400] =	vst v63  }
0x152: {  	_ =	swait.ge [sflag:s23], $0x4000  }
0x153: {  	[sflag:s23] =	ssyncset.done $0x0  }
0x154: {  	s1 =	simm.s32 $0x0;
	s4 =	simm.s32 $0x0;
	[sflag:s23] =	ssyncadd.s32 $0xFFFFC000  }
0x155: {  	s0 =	sand.u32 $0x2000, s1;
	s1 =	sand.u32 $0x1C00, s29;
	_ =	swait.ge [sflag:s24], $0x4000  }
0x156: {  	s4 =	sand.u32 $0x380, s4;
	s0 =	sor.u32 s1, s0;
	[sflag:s24] =	ssyncset.done $0x0  }
0x157: {  	s28 =	sor.u32 s4, s0;
	[sflag:s24] =	ssyncadd.s32 $0xFFFFC000  }
0x158: {  	v10 =	vld [tilespmem:s28+$0xC400]  }
0x159: {  	v9 =	vld [tilespmem:s28+$0xC410]  }
0x15a: {  	v8 =	vld [tilespmem:s28+$0xC420]  }
0x15b: {  	v7 =	vld [tilespmem:s28+$0xC430]  }
0x15c: {  	v6 =	vld [tilespmem:s28+$0xC440]  }
0x15d: {  	v5 =	vld [tilespmem:s28+$0xC450]  }
0x15e: {  	v4 =	vld [tilespmem:s28+$0xC460]  }
0x15f: {  	v3 =	vld [tilespmem:s28+$0xC470]  }
0x160: {  	v13 =	vld [tilespmem:s28+$0x4400]  }
0x161: {  	v12 =	vld [tilespmem:s28+$0x4410]  }
0x162: {  	s30 =	simm.s32 $0x0;
	v11 =	vld [tilespmem:s28+$0x4420]  }
.LBB2_8:
0x163: {  	s30 =	sadd.s32 $0x8, s30;
	v14 =	vld [tilespmem:s28+$0x4430]  }
0x164: {  	s29 =	sadd.s32 $0x400, s29;
	s0 =	sshll.u32 s30, $0x4;
	p0 =	slt.u32 s30, $0x3F8;
	v15 =	vld [tilespmem:s28+$0x4440]  }
0x165: {  	s1 =	sand.u32 $0x1C00, s29;
	s4 =	sshll.u32 s30, $0x1;
	s0 =	sand.u32 $0x2000, s0;
	v10 =	vadd.f32 v10, v13;
	v13 =	vld [tilespmem:s28+$0x4450]  }
0x166: {  	s0 =	sor.u32 s1, s0;
	s1 =	sand.u32 $0x380, s4;
	v9 =	vadd.f32 v9, v12;
	v12 =	vld [tilespmem:s28+$0x4460]  }
0x167: {  	s0 =	sor.u32 s1, s0;
	[tilespmem:s28+$0x4400] =	vst v10;
	v8 =	vadd.f32 v8, v11;
	v11 =	vld [tilespmem:s28+$0x4470]  }
0x168: {  	v10 =	vld [tilespmem:s0+$0xC400];
	[tilespmem:s28+$0x4410] =	vst v9;
	v7 =	vadd.f32 v7, v14  }
0x169: {  	v9 =	vld [tilespmem:s0+$0xC410];
	[tilespmem:s28+$0x4420] =	vst v8;
	v6 =	vadd.f32 v6, v15  }
0x16a: {  	v8 =	vld [tilespmem:s0+$0xC420];
	[tilespmem:s28+$0x4430] =	vst v7;
	v5 =	vadd.f32 v5, v13  }
0x16b: {  	v7 =	vld [tilespmem:s0+$0xC430];
	[tilespmem:s28+$0x4440] =	vst v6;
	v4 =	vadd.f32 v4, v12  }
0x16c: {  	v6 =	vld [tilespmem:s0+$0xC440];
	[tilespmem:s28+$0x4450] =	vst v5;
	v3 =	vadd.f32 v3, v11  }
0x16d: {  	v5 =	vld [tilespmem:s0+$0xC450];
	[tilespmem:s28+$0x4460] =	vst v4  }
.Ltmp3:
0x16e: {  	v4 =	vld [tilespmem:s0+$0xC460];
	[tilespmem:s28+$0x4470] =	vst v3;
	s28 =	smov.u32 s0;
	(pc) =	sbr.rel @p0 .LBB2_8-.Ltmp3, $4  }
0x16f: {  	v3 =	vld [tilespmem:s28+$0xC470]  }
0x170: {  	v13 =	vld [tilespmem:s28+$0x4400]  }
0x171: {  	v12 =	vld [tilespmem:s28+$0x4410]  }
0x172: {  	v11 =	vld [tilespmem:s28+$0x4420]  }
0x173: {  	v14 =	vld [tilespmem:s28+$0x4430]  }
0x174: {  	v15 =	vld [tilespmem:s28+$0x4440]  }
0x175: {  	v61 =	vld [tilespmem:s28+$0x4450];
	v10 =	vadd.f32 v10, v13  }
0x176: {  	v62 =	vld [tilespmem:s28+$0x4460];
	v9 =	vadd.f32 v9, v12  }
0x177: {  	v63 =	vld [tilespmem:s28+$0x4470];
	[tilespmem:s28+$0x4400] =	vst v10;
	v8 =	vadd.f32 v8, v11  }
0x178: {  	[tilespmem:s28+$0x4410] =	vst v9;
	v7 =	vadd.f32 v7, v14  }
0x179: {  	v6 =	vadd.f32 v6, v15;
	[tilespmem:s28+$0x4420] =	vst v8  }
0x17a: {  	v5 =	vadd.f32 v5, v61;
	[tilespmem:s28+$0x4430] =	vst v7  }
0x17b: {  	v4 =	vadd.f32 v4, v62;
	[tilespmem:s28+$0x4440] =	vst v6  }
0x17c: {  	v3 =	vadd.f32 v3, v63;
	[tilespmem:s28+$0x4450] =	vst v5  }
0x17d: {  	[tilespmem:s28+$0x4460] =	vst v4  }
0x17e: {  	s0 =	rddreg [dreg:$0x6];
	[tilespmem:s28+$0x4470] =	vst v3  }
0x17f: {  	[hbm4b:s0+s2] =	stream.linear.scatter [tilespmem:s31], [sflag:$0x3], $0x4000, $0x38;
	[tilespmem:$0x10400] =	vst v63  }
0x180: {  	_ =	swait.ge [sflag:s25], $0x4000  }
0x181: {  	[sflag:s25] =	ssyncset.done $0x0  }
0x182: {  	[sflag:s25] =	ssyncadd.s32 $0xFFFFC000  }
0x183: {  	_ =	swait.ge [sflag:s25], $0x4000  }
0x184: {  	s26 =	sadd.s32 $0x1, s26;
	s30 =	rddreg [dreg:$0x7]  }
0x185: {  	p0 =	sne.s32 s26, s30  }
.Ltmp4:
0x186: {  	_ = 	snop;
	(pc) =	sbr.rel @p0 .LBB2_1-.Ltmp4, $3  }
0x187: {  	_ =	sdelay $0x1  }
0x188: {  	[sflag:s25] =	ssyncset.done $0x0  }
0x189: {  	[sflag:s25] =	ssyncadd.s32 $0xFFFFC000  }
0x18a: {  	_ =	sfence.sel $0x180000  }
0x18b: {  	[bflag:$0x0] =	sbarrier.arrive $0xFFFF  }
0x18c: {  	_ =	strace $0x9000004A  }
0x18d: {  	s0 =	stileid.u32;
	[bflag:$0x2] =	sbarrier.arrive $0xFFFF  }
0x18e: {  	p0 =	sne.s32 s0, $0x0;
	s0 =	rddreg [dreg:$0x2]  }
0x18f: {  	s0 =	sadd.s32 @!p0 $0x100000, s0  }
0x190: {  	[sflag:s0] =	ssyncadd.tile.s32 @!p0 $0x1;
	_ =	shalt  }
.Lfunc_end2:
_tile_overlayer_lowered:
.L_overlay_start_2:
0x191: {  	(tag) =	ssettag $0x2  }
0x192: {  	s0 =	rddreg [dreg:$0x0];
	s2 =	stileid.u32  }
0x193: {  	s1 =	rddreg [dreg:$0x1];
	p0 =	sne.s32 s2, $0x0  }
0x194: {  	s3 =	rddreg [dreg:$0x2];
	[bflag:$0x3] =	sbarrier.arrive $0xFFFF;
	s2 =	simm.s32 @!p0 $0x1C04  }
0x195: {  	[timem:s3], [sflag:s2] =	dma.local @!p0 [hbm:s0], s1  }
0x196: {  	s0 =	simm.s32 @!p0 $0x4  }
0x197: {  	_ =	swait.ge @!p0 [sflag:s0], s1  }
0x198: {  	s1 =	ssub.s32 @!p0 $0x0, s1;
	[sflag:s0] =	ssyncset.done @!p0 $0x0  }
0x199: {  	[sflag:s0] =	ssyncadd.s32 @!p0 s1  }
0x19a: {  	[bflag:$0x3] =	sbarrier.arrive $0xFFFF  }
0x19b: {  	_ =	shalt  }

</sc_bundles>
